<compile_context>
chip_gen: v7x
topology: tpu7x:2x2x1
jax: 0.10.2.dev20260603
libtpu: 0.0.44.dev20260713+nightly
codegen_flags: <defaults>
</compile_context>

<pallas_src>
import functools

import jax
import jax.numpy as jnp
from jax import lax
from jax.experimental import pallas as pl
from jax.experimental.pallas import tpu as pltpu
from jax.experimental.pallas import tpu_sc as plsc

N = 10000
NP = 10240
E = 320000
NC = 2
NS = 16
NW = NC * NS
EPW = E // NW
LANES = 16
CHUNKS = EPW // LANES

_SC_MESH = dict(core_axis_name="c", subcore_axis_name="s",
                num_cores=NC, num_subcores=NS)
_SC_PARAMS = pltpu.CompilerParams(needs_layout_passes=False,
                                  use_tc_tiling_on_sc=False)


def _wid():
    return lax.axis_index("s") * NC + lax.axis_index("c")


EWIN = EPW + 240


def _edge_window(ei_hbm, ei_v):
    w = _wid()
    a = jnp.minimum(w * EPW // 128 * 128, E - EWIN)
    pltpu.sync_copy(ei_hbm.at[:, pl.ds(a, EWIN)], ei_v)
    return w * EPW - a


def _deg_body(ei_hbm, out_hbm, ei_v, acc_v):
    w = _wid()
    off = _edge_window(ei_hbm, ei_v)
    one = jnp.ones((LANES,), jnp.float32)
    zero = jnp.zeros((LANES,), jnp.float32)

    @plsc.parallel_loop(0, NP // LANES, unroll=8)
    def _(i):
        acc_v[pl.ds(i * LANES, LANES)] = zero

    @plsc.parallel_loop(0, CHUNKS, unroll=8)
    def _(i):
        d = ei_v[1, pl.ds(off + i * LANES, LANES)]
        plsc.addupdate_scatter(acc_v, [d], one)

    pltpu.sync_copy(acc_v, out_hbm.at[pl.ds(w * NP, NP)])


_SC_PARAMS_T = pltpu.CompilerParams(needs_layout_passes=False,
                                    use_tc_tiling_on_sc=True)

_deg_kernel = functools.partial(
    pl.kernel,
    out_type=jax.ShapeDtypeStruct((NW * NP,), jnp.float32),
    mesh=plsc.VectorSubcoreMesh(**_SC_MESH),
    compiler_params=_SC_PARAMS_T,
    scratch_types=[
        pltpu.VMEM((2, EWIN), jnp.int32),
        pltpu.VMEM((NP,), jnp.float32),
    ],
)(_deg_body)


def _agg_body(k_planes, *refs):
    hwt_hbm, ei_hbm = refs[:2]
    outs = refs[2:2 + k_planes]
    ei_v = refs[2 + k_planes]
    hw_vs = refs[3 + k_planes:3 + 2 * k_planes]
    acc_vs = refs[3 + 2 * k_planes:3 + 3 * k_planes]
    w = _wid()
    off = _edge_window(ei_hbm, ei_v)
    for k in range(k_planes):
        pltpu.sync_copy(hwt_hbm.at[pl.ds(k * NP, NP)], hw_vs[k])

    zero = jnp.zeros((LANES,), jnp.float32)

    @plsc.parallel_loop(0, NP // LANES, unroll=8)
    def _(i):
        for k in range(k_planes):
            acc_vs[k][pl.ds(i * LANES, LANES)] = zero

    @plsc.parallel_loop(0, CHUNKS, unroll=8)
    def _(i):
        sl = pl.ds(off + i * LANES, LANES)
        vs = ei_v[0, sl]
        vd = ei_v[1, sl]
        for k in range(k_planes):
            g = plsc.load_gather(hw_vs[k], [vs])
            plsc.addupdate_scatter(acc_vs[k], [vd], g)

    for k in range(k_planes):
        pltpu.sync_copy(acc_vs[k], outs[k].at[pl.ds(w * NP, NP)])


def _make_agg_kernel(k_planes):
    return functools.partial(
        pl.kernel,
        out_type=tuple(jax.ShapeDtypeStruct((NW * NP,), jnp.float32)
                       for _ in range(k_planes)),
        mesh=plsc.VectorSubcoreMesh(**_SC_MESH),
        compiler_params=_SC_PARAMS_T,
        scratch_types=(
            [pltpu.VMEM((2, EWIN), jnp.int32)]
            + [pltpu.VMEM((NP,), jnp.float32)] * (2 * k_planes)
        ),
    )(functools.partial(_agg_body, k_planes))


_agg4 = _make_agg_kernel(4)
_agg2 = _make_agg_kernel(2)


def _prep_body(dp_ref, x_ref, w1T_ref, dinv_ref, hwt1_ref):
    deg = jnp.ones((NP,), jnp.float32)
    for r in range(NW):
        deg = deg + dp_ref[pl.ds(r * NP, NP)]
    dinv = lax.rsqrt(deg)
    dinv_ref[...] = dinv
    hw1p = lax.dot_general(w1T_ref[...], x_ref[...],
                           (((1,), (1,)), ((), ())),
                           preferred_element_type=jnp.float32)
    zpad = jnp.zeros((NP - N,), jnp.float32)
    for k in range(4):
        row = jnp.concatenate([hw1p[k], zpad])
        hwt1_ref[pl.ds(k * NP, NP)] = dinv * row


def _tc_prep(deg_partials, x, W1T):
    return pl.pallas_call(
        _prep_body,
        out_shape=(
            jax.ShapeDtypeStruct((NP,), jnp.float32),
            jax.ShapeDtypeStruct((4 * NP,), jnp.float32),
        ),
    )(deg_partials, x, W1T)


def _dense_body(k_in, k_out, refs):
    ps = refs[:k_in]
    hwt_ref, dinv_ref, b_ref, wT_ref = refs[k_in:k_in + 4]
    hwtn_ref = refs[k_in + 4]
    dinv = dinv_ref[...]
    hs = []
    for k in range(k_in):
        agg = ps[k][pl.ds(0, NP)]
        for r in range(1, NW):
            agg = agg + ps[k][pl.ds(r * NP, NP)]
        agg = agg + hwt_ref[pl.ds(k * NP, NP)]
        hs.append(jnp.tanh(dinv * agg + b_ref[0, k]))
    for j in range(k_out):
        acc = wT_ref[j, 0] * hs[0]
        for k in range(1, k_in):
            acc = acc + wT_ref[j, k] * hs[k]
        hwtn_ref[pl.ds(j * NP, NP)] = dinv * acc


def _tc_dense(k_in, k_out, partials, hwt, dinv, b, WT):
    smem = pl.BlockSpec(memory_space=pltpu.SMEM)
    body = lambda *refs: _dense_body(k_in, k_out, refs)
    return pl.pallas_call(
        body,
        in_specs=[pl.BlockSpec() for _ in partials]
                 + [pl.BlockSpec(), pl.BlockSpec(), smem, smem],
        out_shape=jax.ShapeDtypeStruct((k_out * NP,), jnp.float32),
    )(*partials, hwt, dinv, b, WT)


def _final_body(refs):
    p0, p1, hwt_ref, dinv_ref, b_ref, wcT_ref, bc_ref, h3_ref, out_ref = refs
    dinv = dinv_ref[...]
    hs = []
    for k in range(2):
        pk = (p0, p1)[k]
        agg = pk[pl.ds(0, NP)]
        for r in range(1, NW):
            agg = agg + pk[pl.ds(r * NP, NP)]
        agg = agg + hwt_ref[pl.ds(k * NP, NP)]
        h = jnp.tanh(dinv * agg + b_ref[0, k])
        hs.append(h)
        h3_ref[k, :] = h[:N]
    for j in range(10):
        out_ref[j, :] = (wcT_ref[j, 0] * hs[0] + wcT_ref[j, 1] * hs[1])[:N] \
            + bc_ref[0, j]


def _tc_final(p3, hwt3, dinv, b3, WcT, bc):
    smem = pl.BlockSpec(memory_space=pltpu.SMEM)
    return pl.pallas_call(
        lambda *refs: _final_body(refs),
        in_specs=[pl.BlockSpec(), pl.BlockSpec(), pl.BlockSpec(),
                  pl.BlockSpec(), smem, smem, smem],
        out_shape=(
            jax.ShapeDtypeStruct((2, N), jnp.float32),
            jax.ShapeDtypeStruct((10, N), jnp.float32),
        ),
    )(*p3, hwt3, dinv, b3, WcT, bc)


def kernel(x, edge_index, W1, b1, W2, b2, W3, b3, Wc, bc):
    deg_partials = _deg_kernel(edge_index)
    dinv, hwt1 = _tc_prep(deg_partials, x, W1.T)

    p1 = _agg4(hwt1, edge_index)
    hwt2 = _tc_dense(4, 4, p1, hwt1, dinv, b1.reshape(1, 4), W2.T)

    p2 = _agg4(hwt2, edge_index)
    hwt3 = _tc_dense(4, 2, p2, hwt2, dinv, b2.reshape(1, 4), W3.T)

    p3 = _agg2(hwt3, edge_index)
    h3, outp = _tc_final(p3, hwt3, dinv, b3.reshape(1, 2), Wc.T,
                         bc.reshape(1, 10))
    return (outp.T, h3.T)

# --- scband reference (transcript-rebuilt; emitter-appended) ---
"""Pipeline reference for scband-gcn-42047729827910 (READ-ONLY COPY).

The authoritative reference and input builder live on the scoring server;
editing this copy changes nothing except your own understanding.
"""

import jax, jax.numpy as jnp
import numpy as np

N = 10000
E = 320000
F = 128
C = 10


def setup_inputs(seed: int = 0) -> dict:
    key = jax.random.key(seed)
    ks = jax.random.split(key, 12)
    x = jax.random.normal(ks[0], (N, F), dtype=jnp.float32)
    edge_index = jax.random.randint(ks[1], (2, E), 0, N, dtype=jnp.int32)
    # GCNConv weights (glorot-ish scaling) and zero biases, per PyG defaults
    W1 = jax.random.normal(ks[2], (F, 4), dtype=jnp.float32) * (1.0 / np.sqrt(F))
    b1 = jnp.zeros((4,), dtype=jnp.float32)
    W2 = jax.random.normal(ks[3], (4, 4), dtype=jnp.float32) * (1.0 / np.sqrt(4))
    b2 = jnp.zeros((4,), dtype=jnp.float32)
    W3 = jax.random.normal(ks[4], (4, 2), dtype=jnp.float32) * (1.0 / np.sqrt(4))
    b3 = jnp.zeros((2,), dtype=jnp.float32)
    Wc = jax.random.normal(ks[5], (2, C), dtype=jnp.float32) * (1.0 / np.sqrt(2))
    bc = jnp.zeros((C,), dtype=jnp.float32)
    return {"x": x, "edge_index": edge_index, "W1": W1, "b1": b1,
            "W2": W2, "b2": b2, "W3": W3, "b3": b3, "Wc": Wc, "bc": bc}


def reference(x, edge_index, W1, b1, W2, b2, W3, b3, Wc, bc):
    n = x.shape[0]
    loop = jnp.arange(n, dtype=edge_index.dtype)
    src = jnp.concatenate([edge_index[0], loop])
    dst = jnp.concatenate([edge_index[1], loop])
    # symmetric normalization with self-loops (PyG GCNConv default)
    deg = jnp.zeros((n,), x.dtype).at[dst].add(jnp.ones_like(dst, dtype=x.dtype))
    dinv = jnp.where(deg > 0, jax.lax.rsqrt(deg), 0.0)
    norm = dinv[src] * dinv[dst]

    def conv(h, W, b):
        hw = h @ W
        msg = jnp.take(hw, src, axis=0) * norm[:, None]
        agg = jnp.zeros((n, W.shape[1]), h.dtype).at[dst].add(msg)
        return agg + b

    h = jnp.tanh(conv(x, W1, b1))
    h = jnp.tanh(conv(h, W2, b2))
    h = jnp.tanh(conv(h, W3, b3))
    out = h @ Wc + bc
    return (out, h)

if __name__ == "__main__":
    import jax
    _d = setup_inputs()
    print(jax.jit(kernel)(*tuple(_d.values())))

</pallas_src>

<mosaic_0001>
#map = affine_map<(d0, d1) -> (0)>
#map1 = affine_map<(d0, d1) -> (0, 0)>
module attributes {stable_mosaic.version = 14 : i64} {
  func.func @_agg_body(%arg0: i32, %arg1: i32, %arg2: memref<40960xf32, #tpu.memory_space<hbm>>, %arg3: memref<2x320000xi32, #tpu.memory_space<hbm>>, %arg4: memref<327680xf32, #tpu.memory_space<hbm>>, %arg5: memref<327680xf32, #tpu.memory_space<hbm>>, %arg6: memref<327680xf32, #tpu.memory_space<hbm>>, %arg7: memref<327680xf32, #tpu.memory_space<hbm>>, %arg8: memref<2x10240xi32, #tpu.memory_space<vmem>>, %arg9: memref<10240xf32, #tpu.memory_space<vmem>>, %arg10: memref<10240xf32, #tpu.memory_space<vmem>>, %arg11: memref<10240xf32, #tpu.memory_space<vmem>>, %arg12: memref<10240xf32, #tpu.memory_space<vmem>>, %arg13: memref<10240xf32, #tpu.memory_space<vmem>>, %arg14: memref<10240xf32, #tpu.memory_space<vmem>>, %arg15: memref<10240xf32, #tpu.memory_space<vmem>>, %arg16: memref<10240xf32, #tpu.memory_space<vmem>>) attributes {dimension_semantics = [#tpu.dimension_semantics<core_parallel>, #tpu.dimension_semantics<subcore_parallel>], iteration_bounds = array<i64: 2, 16>, scalar_prefetch = 0 : i64, scratch_operands = 9 : i64, tpu.core_type = #tpu.core_type<sc_vector_subcore>, window_params = [{transform_indices = #map}, {transform_indices = #map1}, {transform_indices = #map}, {transform_indices = #map}, {transform_indices = #map}, {transform_indices = #map}]} {
    %mul3A = arith.constant 2 : i32
    %mul3A_0 = arith.muli %arg1, %mul3A : i32
    %add3A = arith.addi %mul3A_0, %arg0 : i32
    %mul3A_1 = arith.constant 2 : i32
    %mul3A_2 = arith.muli %arg1, %mul3A_1 : i32
    %add3A_3 = arith.addi %mul3A_2, %arg0 : i32
    %mul3A_4 = arith.constant 10000 : i32
    %mul3A_5 = arith.muli %add3A_3, %mul3A_4 : i32
    %jit3A = arith.constant 128 : i32
    %div3A = arith.divsi %mul3A_5, %jit3A : i32
    %sign3A = arith.constant 0 : i32
    %sign3A_6 = arith.cmpi sgt, %mul3A_5, %sign3A : i32
    %sign3A_7 = arith.extui %sign3A_6 : i1 to i32
    %sign3A_8 = arith.constant 0 : i32
    %sign3A_9 = arith.cmpi slt, %mul3A_5, %sign3A_8 : i32
    %sign3A_10 = arith.extui %sign3A_9 : i1 to i32
    %sign3A_11 = arith.subi %sign3A_7, %sign3A_10 : i32
    %sign3A_12 = arith.constant 0 : i32
    %sign3A_13 = arith.cmpi sgt, %jit3A, %sign3A_12 : i32
    %sign3A_14 = arith.extui %sign3A_13 : i1 to i32
    %sign3A_15 = arith.constant 0 : i32
    %sign3A_16 = arith.cmpi slt, %jit3A, %sign3A_15 : i32
    %sign3A_17 = arith.extui %sign3A_16 : i1 to i32
    %sign3A_18 = arith.subi %sign3A_14, %sign3A_17 : i32
    %ne3A = arith.cmpi ne, %sign3A_11, %sign3A_18 : i32
    %rem3A = arith.remsi %mul3A_5, %jit3A : i32
    %ne3A_19 = arith.constant 0 : i32
    %ne3A_20 = arith.cmpi ne, %rem3A, %ne3A_19 : i32
    %and3A = arith.andi %ne3A, %ne3A_20 : i1
    %sub3A = arith.constant 1 : i32
    %sub3A_21 = arith.subi %div3A, %sub3A : i32
    %select_n3A = arith.select %and3A, %sub3A_21, %div3A : i32
    %mul3A_22 = arith.constant 128 : i32
    %mul3A_23 = arith.muli %select_n3A, %mul3A_22 : i32
    %min3A = arith.constant 309760 : i32
    %min3A_24 = arith.minsi %mul3A_23, %min3A : i32
    "tpu.region"() ({
      %run_scoped3A = tpu.sem_alloc : memref<!tpu.dma_semaphore, #tpu.memory_space<semaphore_mem>>
      %dma_start3A = arith.constant 0 : i32
      %dma_start3A_42 = tpu.memref_slice %arg3[%dma_start3A, %min3A_24] : memref<2x320000xi32, #tpu.memory_space<hbm>> -> memref<2x10240xi32, #tpu.memory_space<hbm>>
      %dma_start3A_43 = arith.constant 0 : i32
      %dma_start3A_44 = tpu.memref_slice %arg3[%dma_start3A_43, %min3A_24] : memref<2x320000xi32, #tpu.memory_space<hbm>> -> memref<2x10240xi32, #tpu.memory_space<hbm>>
      tpu.enqueue_dma source(%dma_start3A_44 : memref<2x10240xi32, #tpu.memory_space<hbm>>) target(%arg8 : memref<2x10240xi32, #tpu.memory_space<vmem>>) target_semaphore(%run_scoped3A : memref<!tpu.dma_semaphore, #tpu.memory_space<semaphore_mem>>)
      %dma_wait3A = arith.constant 0 : i32
      %dma_wait3A_45 = tpu.memref_slice %arg3[%dma_wait3A, %min3A_24] : memref<2x320000xi32, #tpu.memory_space<hbm>> -> memref<2x10240xi32, #tpu.memory_space<hbm>>
      %dma_wait3A_46 = arith.constant 0 : i32
      %dma_wait3A_47 = tpu.memref_slice %arg3[%dma_wait3A_46, %min3A_24] : memref<2x320000xi32, #tpu.memory_space<hbm>> -> memref<2x10240xi32, #tpu.memory_space<hbm>>
      tpu.wait_dma2 semaphore(%run_scoped3A : memref<!tpu.dma_semaphore, #tpu.memory_space<semaphore_mem>>) src(%dma_wait3A_47 : memref<2x10240xi32, #tpu.memory_space<hbm>>) dst(%arg8 : memref<2x10240xi32, #tpu.memory_space<vmem>>)
      tpu.yield
    }) : () -> ()
    %mul3A_25 = arith.constant 10000 : i32
    %mul3A_26 = arith.muli %add3A_3, %mul3A_25 : i32
    %sub3A_27 = arith.subi %mul3A_26, %min3A_24 : i32
    "tpu.region"() ({
      %run_scoped3A = tpu.sem_alloc : memref<!tpu.dma_semaphore, #tpu.memory_space<semaphore_mem>>
      %dma_start3A = arith.constant 0 : i32
      %dma_start3A_42 = tpu.memref_slice %arg2[%dma_start3A] : memref<40960xf32, #tpu.memory_space<hbm>> -> memref<10240xf32, #tpu.memory_space<hbm>>
      %dma_start3A_43 = arith.constant 0 : i32
      %dma_start3A_44 = tpu.memref_slice %arg2[%dma_start3A_43] : memref<40960xf32, #tpu.memory_space<hbm>> -> memref<10240xf32, #tpu.memory_space<hbm>>
      tpu.enqueue_dma source(%dma_start3A_44 : memref<10240xf32, #tpu.memory_space<hbm>>) target(%arg9 : memref<10240xf32, #tpu.memory_space<vmem>>) target_semaphore(%run_scoped3A : memref<!tpu.dma_semaphore, #tpu.memory_space<semaphore_mem>>)
      %dma_wait3A = arith.constant 0 : i32
      %dma_wait3A_45 = tpu.memref_slice %arg2[%dma_wait3A] : memref<40960xf32, #tpu.memory_space<hbm>> -> memref<10240xf32, #tpu.memory_space<hbm>>
      %dma_wait3A_46 = arith.constant 0 : i32
      %dma_wait3A_47 = tpu.memref_slice %arg2[%dma_wait3A_46] : memref<40960xf32, #tpu.memory_space<hbm>> -> memref<10240xf32, #tpu.memory_space<hbm>>
      tpu.wait_dma2 semaphore(%run_scoped3A : memref<!tpu.dma_semaphore, #tpu.memory_space<semaphore_mem>>) src(%dma_wait3A_47 : memref<10240xf32, #tpu.memory_space<hbm>>) dst(%arg9 : memref<10240xf32, #tpu.memory_space<vmem>>)
      tpu.yield
    }) : () -> ()
    "tpu.region"() ({
      %run_scoped3A = tpu.sem_alloc : memref<!tpu.dma_semaphore, #tpu.memory_space<semaphore_mem>>
      %dma_start3A = arith.constant 10240 : i32
      %dma_start3A_42 = tpu.memref_slice %arg2[%dma_start3A] : memref<40960xf32, #tpu.memory_space<hbm>> -> memref<10240xf32, #tpu.memory_space<hbm>>
      %dma_start3A_43 = arith.constant 10240 : i32
      %dma_start3A_44 = tpu.memref_slice %arg2[%dma_start3A_43] : memref<40960xf32, #tpu.memory_space<hbm>> -> memref<10240xf32, #tpu.memory_space<hbm>>
      tpu.enqueue_dma source(%dma_start3A_44 : memref<10240xf32, #tpu.memory_space<hbm>>) target(%arg10 : memref<10240xf32, #tpu.memory_space<vmem>>) target_semaphore(%run_scoped3A : memref<!tpu.dma_semaphore, #tpu.memory_space<semaphore_mem>>)
      %dma_wait3A = arith.constant 10240 : i32
      %dma_wait3A_45 = tpu.memref_slice %arg2[%dma_wait3A] : memref<40960xf32, #tpu.memory_space<hbm>> -> memref<10240xf32, #tpu.memory_space<hbm>>
      %dma_wait3A_46 = arith.constant 10240 : i32
      %dma_wait3A_47 = tpu.memref_slice %arg2[%dma_wait3A_46] : memref<40960xf32, #tpu.memory_space<hbm>> -> memref<10240xf32, #tpu.memory_space<hbm>>
      tpu.wait_dma2 semaphore(%run_scoped3A : memref<!tpu.dma_semaphore, #tpu.memory_space<semaphore_mem>>) src(%dma_wait3A_47 : memref<10240xf32, #tpu.memory_space<hbm>>) dst(%arg10 : memref<10240xf32, #tpu.memory_space<vmem>>)
      tpu.yield
    }) : () -> ()
    "tpu.region"() ({
      %run_scoped3A = tpu.sem_alloc : memref<!tpu.dma_semaphore, #tpu.memory_space<semaphore_mem>>
      %dma_start3A = arith.constant 20480 : i32
      %dma_start3A_42 = tpu.memref_slice %arg2[%dma_start3A] : memref<40960xf32, #tpu.memory_space<hbm>> -> memref<10240xf32, #tpu.memory_space<hbm>>
      %dma_start3A_43 = arith.constant 20480 : i32
      %dma_start3A_44 = tpu.memref_slice %arg2[%dma_start3A_43] : memref<40960xf32, #tpu.memory_space<hbm>> -> memref<10240xf32, #tpu.memory_space<hbm>>
      tpu.enqueue_dma source(%dma_start3A_44 : memref<10240xf32, #tpu.memory_space<hbm>>) target(%arg11 : memref<10240xf32, #tpu.memory_space<vmem>>) target_semaphore(%run_scoped3A : memref<!tpu.dma_semaphore, #tpu.memory_space<semaphore_mem>>)
      %dma_wait3A = arith.constant 20480 : i32
      %dma_wait3A_45 = tpu.memref_slice %arg2[%dma_wait3A] : memref<40960xf32, #tpu.memory_space<hbm>> -> memref<10240xf32, #tpu.memory_space<hbm>>
      %dma_wait3A_46 = arith.constant 20480 : i32
      %dma_wait3A_47 = tpu.memref_slice %arg2[%dma_wait3A_46] : memref<40960xf32, #tpu.memory_space<hbm>> -> memref<10240xf32, #tpu.memory_space<hbm>>
      tpu.wait_dma2 semaphore(%run_scoped3A : memref<!tpu.dma_semaphore, #tpu.memory_space<semaphore_mem>>) src(%dma_wait3A_47 : memref<10240xf32, #tpu.memory_space<hbm>>) dst(%arg11 : memref<10240xf32, #tpu.memory_space<vmem>>)
      tpu.yield
    }) : () -> ()
    "tpu.region"() ({
      %run_scoped3A = tpu.sem_alloc : memref<!tpu.dma_semaphore, #tpu.memory_space<semaphore_mem>>
      %dma_start3A = arith.constant 30720 : i32
      %dma_start3A_42 = tpu.memref_slice %arg2[%dma_start3A] : memref<40960xf32, #tpu.memory_space<hbm>> -> memref<10240xf32, #tpu.memory_space<hbm>>
      %dma_start3A_43 = arith.constant 30720 : i32
      %dma_start3A_44 = tpu.memref_slice %arg2[%dma_start3A_43] : memref<40960xf32, #tpu.memory_space<hbm>> -> memref<10240xf32, #tpu.memory_space<hbm>>
      tpu.enqueue_dma source(%dma_start3A_44 : memref<10240xf32, #tpu.memory_space<hbm>>) target(%arg12 : memref<10240xf32, #tpu.memory_space<vmem>>) target_semaphore(%run_scoped3A : memref<!tpu.dma_semaphore, #tpu.memory_space<semaphore_mem>>)
      %dma_wait3A = arith.constant 30720 : i32
      %dma_wait3A_45 = tpu.memref_slice %arg2[%dma_wait3A] : memref<40960xf32, #tpu.memory_space<hbm>> -> memref<10240xf32, #tpu.memory_space<hbm>>
      %dma_wait3A_46 = arith.constant 30720 : i32
      %dma_wait3A_47 = tpu.memref_slice %arg2[%dma_wait3A_46] : memref<40960xf32, #tpu.memory_space<hbm>> -> memref<10240xf32, #tpu.memory_space<hbm>>
      tpu.wait_dma2 semaphore(%run_scoped3A : memref<!tpu.dma_semaphore, #tpu.memory_space<semaphore_mem>>) src(%dma_wait3A_47 : memref<10240xf32, #tpu.memory_space<hbm>>) dst(%arg12 : memref<10240xf32, #tpu.memory_space<vmem>>)
      tpu.yield
    }) : () -> ()
    %broadcast_in_dim3A = arith.constant 0.000000e+00 : f32
    %broadcast_in_dim3A_28 = vector.broadcast %broadcast_in_dim3A : f32 to vector<16xf32>
    %parallel_loop3A = arith.constant 0 : i32
    %parallel_loop3A_29 = arith.constant 640 : i32
    %parallel_loop3A_30 = arith.constant 1 : i32
    scf.for %parallel_loop3A_42 = %parallel_loop3A to %parallel_loop3A_29 step %parallel_loop3A_30  : i32 {
      %parallel_loop3A_43 = arith.constant 16 : i32
      %parallel_loop3A_44 = arith.muli %parallel_loop3A_42, %parallel_loop3A_43 : i32
      %parallel_loop3A_45 = arith.index_cast %parallel_loop3A_44 : i32 to index
      %parallel_loop3A_46 = tpu.vector_load %arg13[%parallel_loop3A_45] {strides = array<i32>} : memref<10240xf32, #tpu.memory_space<vmem>>, vector<16xf32>,
      tpu.vector_store %arg13[%parallel_loop3A_45], %broadcast_in_dim3A_28 {strides = array<i32>} : memref<10240xf32, #tpu.memory_space<vmem>>, vector<16xf32>,
      %parallel_loop3A_47 = arith.constant 16 : i32
      %parallel_loop3A_48 = arith.muli %parallel_loop3A_42, %parallel_loop3A_47 : i32
      %parallel_loop3A_49 = arith.index_cast %parallel_loop3A_48 : i32 to index
      %parallel_loop3A_50 = tpu.vector_load %arg14[%parallel_loop3A_49] {strides = array<i32>} : memref<10240xf32, #tpu.memory_space<vmem>>, vector<16xf32>,
      tpu.vector_store %arg14[%parallel_loop3A_49], %broadcast_in_dim3A_28 {strides = array<i32>} : memref<10240xf32, #tpu.memory_space<vmem>>, vector<16xf32>,
      %parallel_loop3A_51 = arith.constant 16 : i32
      %parallel_loop3A_52 = arith.muli %parallel_loop3A_42, %parallel_loop3A_51 : i32
      %parallel_loop3A_53 = arith.index_cast %parallel_loop3A_52 : i32 to index
      %parallel_loop3A_54 = tpu.vector_load %arg15[%parallel_loop3A_53] {strides = array<i32>} : memref<10240xf32, #tpu.memory_space<vmem>>, vector<16xf32>,
      tpu.vector_store %arg15[%parallel_loop3A_53], %broadcast_in_dim3A_28 {strides = array<i32>} : memref<10240xf32, #tpu.memory_space<vmem>>, vector<16xf32>,
      %parallel_loop3A_55 = arith.constant 16 : i32
      %parallel_loop3A_56 = arith.muli %parallel_loop3A_42, %parallel_loop3A_55 : i32
      %parallel_loop3A_57 = arith.index_cast %parallel_loop3A_56 : i32 to index
      %parallel_loop3A_58 = tpu.vector_load %arg16[%parallel_loop3A_57] {strides = array<i32>} : memref<10240xf32, #tpu.memory_space<vmem>>, vector<16xf32>,
      tpu.vector_store %arg16[%parallel_loop3A_57], %broadcast_in_dim3A_28 {strides = array<i32>} : memref<10240xf32, #tpu.memory_space<vmem>>, vector<16xf32>,
    } {sc.loop_unroll_factor = 8 : i64, sc.parallel_access}
    %parallel_loop3A_31 = arith.constant 0 : i32
    %parallel_loop3A_32 = arith.constant 625 : i32
    %parallel_loop3A_33 = arith.constant 1 : i32
    scf.for %parallel_loop3A_42 = %parallel_loop3A_31 to %parallel_loop3A_32 step %parallel_loop3A_33  : i32 {
      %parallel_loop3A_43 = arith.constant 16 : i32
      %parallel_loop3A_44 = arith.muli %parallel_loop3A_42, %parallel_loop3A_43 : i32
      %parallel_loop3A_45 = arith.addi %sub3A_27, %parallel_loop3A_44 : i32
      %parallel_loop3A_46 = arith.constant 0 : i32
      %parallel_loop3A_47 = arith.index_cast %parallel_loop3A_46 : i32 to index
      %parallel_loop3A_48 = arith.index_cast %parallel_loop3A_45 : i32 to index
      %parallel_loop3A_49 = tpu.vector_load %arg8[%parallel_loop3A_47, %parallel_loop3A_48] {strides = array<i32>} : memref<2x10240xi32, #tpu.memory_space<vmem>>, vector<16xi32>,
      %parallel_loop3A_50 = arith.constant 1 : i32
      %parallel_loop3A_51 = arith.index_cast %parallel_loop3A_50 : i32 to index
      %parallel_loop3A_52 = arith.index_cast %parallel_loop3A_45 : i32 to index
      %parallel_loop3A_53 = tpu.vector_load %arg8[%parallel_loop3A_51, %parallel_loop3A_52] {strides = array<i32>} : memref<2x10240xi32, #tpu.memory_space<vmem>>, vector<16xi32>,
      %parallel_loop3A_54 = tpu.vector_load_idx %arg9[%parallel_loop3A_49] : memref<10240xf32, #tpu.memory_space<vmem>>[vector<16xi32>], vector<16xf32>,
      tpu.vector_store_idx %arg13[%parallel_loop3A_53], %parallel_loop3A_54 {add = true} : memref<10240xf32, #tpu.memory_space<vmem>>[vector<16xi32>], vector<16xf32>,
      %parallel_loop3A_55 = tpu.vector_load_idx %arg10[%parallel_loop3A_49] : memref<10240xf32, #tpu.memory_space<vmem>>[vector<16xi32>], vector<16xf32>,
      tpu.vector_store_idx %arg14[%parallel_loop3A_53], %parallel_loop3A_55 {add = true} : memref<10240xf32, #tpu.memory_space<vmem>>[vector<16xi32>], vector<16xf32>,
      %parallel_loop3A_56 = tpu.vector_load_idx %arg11[%parallel_loop3A_49] : memref<10240xf32, #tpu.memory_space<vmem>>[vector<16xi32>], vector<16xf32>,
      tpu.vector_store_idx %arg15[%parallel_loop3A_53], %parallel_loop3A_56 {add = true} : memref<10240xf32, #tpu.memory_space<vmem>>[vector<16xi32>], vector<16xf32>,
      %parallel_loop3A_57 = tpu.vector_load_idx %arg12[%parallel_loop3A_49] : memref<10240xf32, #tpu.memory_space<vmem>>[vector<16xi32>], vector<16xf32>,
      tpu.vector_store_idx %arg16[%parallel_loop3A_53], %parallel_loop3A_57 {add = true} : memref<10240xf32, #tpu.memory_space<vmem>>[vector<16xi32>], vector<16xf32>,
    } {sc.loop_unroll_factor = 8 : i64, sc.parallel_access}
    %mul3A_34 = arith.constant 10240 : i32
    %mul3A_35 = arith.muli %add3A, %mul3A_34 : i32
    "tpu.region"() ({
      %run_scoped3A = tpu.sem_alloc : memref<!tpu.dma_semaphore, #tpu.memory_space<semaphore_mem>>
      %dma_start3A = tpu.memref_slice %arg4[%mul3A_35] : memref<327680xf32, #tpu.memory_space<hbm>> -> memref<10240xf32, #tpu.memory_space<hbm>>
      %dma_start3A_42 = tpu.memref_slice %arg4[%mul3A_35] : memref<327680xf32, #tpu.memory_space<hbm>> -> memref<10240xf32, #tpu.memory_space<hbm>>
      tpu.enqueue_dma source(%arg13 : memref<10240xf32, #tpu.memory_space<vmem>>) target(%dma_start3A_42 : memref<10240xf32, #tpu.memory_space<hbm>>) target_semaphore(%run_scoped3A : memref<!tpu.dma_semaphore, #tpu.memory_space<semaphore_mem>>)
      %dma_wait3A = tpu.memref_slice %arg4[%mul3A_35] : memref<327680xf32, #tpu.memory_space<hbm>> -> memref<10240xf32, #tpu.memory_space<hbm>>
      %dma_wait3A_43 = tpu.memref_slice %arg4[%mul3A_35] : memref<327680xf32, #tpu.memory_space<hbm>> -> memref<10240xf32, #tpu.memory_space<hbm>>
      tpu.wait_dma2 semaphore(%run_scoped3A : memref<!tpu.dma_semaphore, #tpu.memory_space<semaphore_mem>>) src(%arg13 : memref<10240xf32, #tpu.memory_space<vmem>>) dst(%dma_wait3A_43 : memref<10240xf32, #tpu.memory_space<hbm>>)
      tpu.yield
    }) : () -> ()
    %mul3A_36 = arith.constant 10240 : i32
    %mul3A_37 = arith.muli %add3A, %mul3A_36 : i32
    "tpu.region"() ({
      %run_scoped3A = tpu.sem_alloc : memref<!tpu.dma_semaphore, #tpu.memory_space<semaphore_mem>>
      %dma_start3A = tpu.memref_slice %arg5[%mul3A_37] : memref<327680xf32, #tpu.memory_space<hbm>> -> memref<10240xf32, #tpu.memory_space<hbm>>
      %dma_start3A_42 = tpu.memref_slice %arg5[%mul3A_37] : memref<327680xf32, #tpu.memory_space<hbm>> -> memref<10240xf32, #tpu.memory_space<hbm>>
      tpu.enqueue_dma source(%arg14 : memref<10240xf32, #tpu.memory_space<vmem>>) target(%dma_start3A_42 : memref<10240xf32, #tpu.memory_space<hbm>>) target_semaphore(%run_scoped3A : memref<!tpu.dma_semaphore, #tpu.memory_space<semaphore_mem>>)
      %dma_wait3A = tpu.memref_slice %arg5[%mul3A_37] : memref<327680xf32, #tpu.memory_space<hbm>> -> memref<10240xf32, #tpu.memory_space<hbm>>
      %dma_wait3A_43 = tpu.memref_slice %arg5[%mul3A_37] : memref<327680xf32, #tpu.memory_space<hbm>> -> memref<10240xf32, #tpu.memory_space<hbm>>
      tpu.wait_dma2 semaphore(%run_scoped3A : memref<!tpu.dma_semaphore, #tpu.memory_space<semaphore_mem>>) src(%arg14 : memref<10240xf32, #tpu.memory_space<vmem>>) dst(%dma_wait3A_43 : memref<10240xf32, #tpu.memory_space<hbm>>)
      tpu.yield
    }) : () -> ()
    %mul3A_38 = arith.constant 10240 : i32
    %mul3A_39 = arith.muli %add3A, %mul3A_38 : i32
    "tpu.region"() ({
      %run_scoped3A = tpu.sem_alloc : memref<!tpu.dma_semaphore, #tpu.memory_space<semaphore_mem>>
      %dma_start3A = tpu.memref_slice %arg6[%mul3A_39] : memref<327680xf32, #tpu.memory_space<hbm>> -> memref<10240xf32, #tpu.memory_space<hbm>>
      %dma_start3A_42 = tpu.memref_slice %arg6[%mul3A_39] : memref<327680xf32, #tpu.memory_space<hbm>> -> memref<10240xf32, #tpu.memory_space<hbm>>
      tpu.enqueue_dma source(%arg15 : memref<10240xf32, #tpu.memory_space<vmem>>) target(%dma_start3A_42 : memref<10240xf32, #tpu.memory_space<hbm>>) target_semaphore(%run_scoped3A : memref<!tpu.dma_semaphore, #tpu.memory_space<semaphore_mem>>)
      %dma_wait3A = tpu.memref_slice %arg6[%mul3A_39] : memref<327680xf32, #tpu.memory_space<hbm>> -> memref<10240xf32, #tpu.memory_space<hbm>>
      %dma_wait3A_43 = tpu.memref_slice %arg6[%mul3A_39] : memref<327680xf32, #tpu.memory_space<hbm>> -> memref<10240xf32, #tpu.memory_space<hbm>>
      tpu.wait_dma2 semaphore(%run_scoped3A : memref<!tpu.dma_semaphore, #tpu.memory_space<semaphore_mem>>) src(%arg15 : memref<10240xf32, #tpu.memory_space<vmem>>) dst(%dma_wait3A_43 : memref<10240xf32, #tpu.memory_space<hbm>>)
      tpu.yield
    }) : () -> ()
    %mul3A_40 = arith.constant 10240 : i32
    %mul3A_41 = arith.muli %add3A, %mul3A_40 : i32
    "tpu.region"() ({
      %run_scoped3A = tpu.sem_alloc : memref<!tpu.dma_semaphore, #tpu.memory_space<semaphore_mem>>
      %dma_start3A = tpu.memref_slice %arg7[%mul3A_41] : memref<327680xf32, #tpu.memory_space<hbm>> -> memref<10240xf32, #tpu.memory_space<hbm>>
      %dma_start3A_42 = tpu.memref_slice %arg7[%mul3A_41] : memref<327680xf32, #tpu.memory_space<hbm>> -> memref<10240xf32, #tpu.memory_space<hbm>>
      tpu.enqueue_dma source(%arg16 : memref<10240xf32, #tpu.memory_space<vmem>>) target(%dma_start3A_42 : memref<10240xf32, #tpu.memory_space<hbm>>) target_semaphore(%run_scoped3A : memref<!tpu.dma_semaphore, #tpu.memory_space<semaphore_mem>>)
      %dma_wait3A = tpu.memref_slice %arg7[%mul3A_41] : memref<327680xf32, #tpu.memory_space<hbm>> -> memref<10240xf32, #tpu.memory_space<hbm>>
      %dma_wait3A_43 = tpu.memref_slice %arg7[%mul3A_41] : memref<327680xf32, #tpu.memory_space<hbm>> -> memref<10240xf32, #tpu.memory_space<hbm>>
      tpu.wait_dma2 semaphore(%run_scoped3A : memref<!tpu.dma_semaphore, #tpu.memory_space<semaphore_mem>>) src(%arg16 : memref<10240xf32, #tpu.memory_space<vmem>>) dst(%dma_wait3A_43 : memref<10240xf32, #tpu.memory_space<hbm>>)
      tpu.yield
    }) : () -> ()
    return
  }
}

#map = affine_map<(d0, d1) -> (0)>
#map1 = affine_map<(d0, d1) -> (0, 0)>
module attributes {stable_mosaic.version = 14 : i64} {
  func.func @_agg_body(%arg0: i32, %arg1: i32, %arg2: memref<20480xf32, #tpu.memory_space<hbm>>, %arg3: memref<2x320000xi32, #tpu.memory_space<hbm>>, %arg4: memref<327680xf32, #tpu.memory_space<hbm>>, %arg5: memref<327680xf32, #tpu.memory_space<hbm>>, %arg6: memref<2x10240xi32, #tpu.memory_space<vmem>>, %arg7: memref<10240xf32, #tpu.memory_space<vmem>>, %arg8: memref<10240xf32, #tpu.memory_space<vmem>>, %arg9: memref<10240xf32, #tpu.memory_space<vmem>>, %arg10: memref<10240xf32, #tpu.memory_space<vmem>>) attributes {dimension_semantics = [#tpu.dimension_semantics<core_parallel>, #tpu.dimension_semantics<subcore_parallel>], iteration_bounds = array<i64: 2, 16>, scalar_prefetch = 0 : i64, scratch_operands = 5 : i64, tpu.core_type = #tpu.core_type<sc_vector_subcore>, window_params = [{transform_indices = #map}, {transform_indices = #map1}, {transform_indices = #map}, {transform_indices = #map}]} {
    %mul3A = arith.constant 2 : i32
    %mul3A_0 = arith.muli %arg1, %mul3A : i32
    %add3A = arith.addi %mul3A_0, %arg0 : i32
    %mul3A_1 = arith.constant 2 : i32
    %mul3A_2 = arith.muli %arg1, %mul3A_1 : i32
    %add3A_3 = arith.addi %mul3A_2, %arg0 : i32
    %mul3A_4 = arith.constant 10000 : i32
    %mul3A_5 = arith.muli %add3A_3, %mul3A_4 : i32
    %jit3A = arith.constant 128 : i32
    %div3A = arith.divsi %mul3A_5, %jit3A : i32
    %sign3A = arith.constant 0 : i32
    %sign3A_6 = arith.cmpi sgt, %mul3A_5, %sign3A : i32
    %sign3A_7 = arith.extui %sign3A_6 : i1 to i32
    %sign3A_8 = arith.constant 0 : i32
    %sign3A_9 = arith.cmpi slt, %mul3A_5, %sign3A_8 : i32
    %sign3A_10 = arith.extui %sign3A_9 : i1 to i32
    %sign3A_11 = arith.subi %sign3A_7, %sign3A_10 : i32
    %sign3A_12 = arith.constant 0 : i32
    %sign3A_13 = arith.cmpi sgt, %jit3A, %sign3A_12 : i32
    %sign3A_14 = arith.extui %sign3A_13 : i1 to i32
    %sign3A_15 = arith.constant 0 : i32
    %sign3A_16 = arith.cmpi slt, %jit3A, %sign3A_15 : i32
    %sign3A_17 = arith.extui %sign3A_16 : i1 to i32
    %sign3A_18 = arith.subi %sign3A_14, %sign3A_17 : i32
    %ne3A = arith.cmpi ne, %sign3A_11, %sign3A_18 : i32
    %rem3A = arith.remsi %mul3A_5, %jit3A : i32
    %ne3A_19 = arith.constant 0 : i32
    %ne3A_20 = arith.cmpi ne, %rem3A, %ne3A_19 : i32
    %and3A = arith.andi %ne3A, %ne3A_20 : i1
    %sub3A = arith.constant 1 : i32
    %sub3A_21 = arith.subi %div3A, %sub3A : i32
    %select_n3A = arith.select %and3A, %sub3A_21, %div3A : i32
    %mul3A_22 = arith.constant 128 : i32
    %mul3A_23 = arith.muli %select_n3A, %mul3A_22 : i32
    %min3A = arith.constant 309760 : i32
    %min3A_24 = arith.minsi %mul3A_23, %min3A : i32
    "tpu.region"() ({
      %run_scoped3A = tpu.sem_alloc : memref<!tpu.dma_semaphore, #tpu.memory_space<semaphore_mem>>
      %dma_start3A = arith.constant 0 : i32
      %dma_start3A_38 = tpu.memref_slice %arg3[%dma_start3A, %min3A_24] : memref<2x320000xi32, #tpu.memory_space<hbm>> -> memref<2x10240xi32, #tpu.memory_space<hbm>>
      %dma_start3A_39 = arith.constant 0 : i32
      %dma_start3A_40 = tpu.memref_slice %arg3[%dma_start3A_39, %min3A_24] : memref<2x320000xi32, #tpu.memory_space<hbm>> -> memref<2x10240xi32, #tpu.memory_space<hbm>>
      tpu.enqueue_dma source(%dma_start3A_40 : memref<2x10240xi32, #tpu.memory_space<hbm>>) target(%arg6 : memref<2x10240xi32, #tpu.memory_space<vmem>>) target_semaphore(%run_scoped3A : memref<!tpu.dma_semaphore, #tpu.memory_space<semaphore_mem>>)
      %dma_wait3A = arith.constant 0 : i32
      %dma_wait3A_41 = tpu.memref_slice %arg3[%dma_wait3A, %min3A_24] : memref<2x320000xi32, #tpu.memory_space<hbm>> -> memref<2x10240xi32, #tpu.memory_space<hbm>>
      %dma_wait3A_42 = arith.constant 0 : i32
      %dma_wait3A_43 = tpu.memref_slice %arg3[%dma_wait3A_42, %min3A_24] : memref<2x320000xi32, #tpu.memory_space<hbm>> -> memref<2x10240xi32, #tpu.memory_space<hbm>>
      tpu.wait_dma2 semaphore(%run_scoped3A : memref<!tpu.dma_semaphore, #tpu.memory_space<semaphore_mem>>) src(%dma_wait3A_43 : memref<2x10240xi32, #tpu.memory_space<hbm>>) dst(%arg6 : memref<2x10240xi32, #tpu.memory_space<vmem>>)
      tpu.yield
    }) : () -> ()
    %mul3A_25 = arith.constant 10000 : i32
    %mul3A_26 = arith.muli %add3A_3, %mul3A_25 : i32
    %sub3A_27 = arith.subi %mul3A_26, %min3A_24 : i32
    "tpu.region"() ({
      %run_scoped3A = tpu.sem_alloc : memref<!tpu.dma_semaphore, #tpu.memory_space<semaphore_mem>>
      %dma_start3A = arith.constant 0 : i32
      %dma_start3A_38 = tpu.memref_slice %arg2[%dma_start3A] : memref<20480xf32, #tpu.memory_space<hbm>> -> memref<10240xf32, #tpu.memory_space<hbm>>
      %dma_start3A_39 = arith.constant 0 : i32
      %dma_start3A_40 = tpu.memref_slice %arg2[%dma_start3A_39] : memref<20480xf32, #tpu.memory_space<hbm>> -> memref<10240xf32, #tpu.memory_space<hbm>>
      tpu.enqueue_dma source(%dma_start3A_40 : memref<10240xf32, #tpu.memory_space<hbm>>) target(%arg7 : memref<10240xf32, #tpu.memory_space<vmem>>) target_semaphore(%run_scoped3A : memref<!tpu.dma_semaphore, #tpu.memory_space<semaphore_mem>>)
      %dma_wait3A = arith.constant 0 : i32
      %dma_wait3A_41 = tpu.memref_slice %arg2[%dma_wait3A] : memref<20480xf32, #tpu.memory_space<hbm>> -> memref<10240xf32, #tpu.memory_space<hbm>>
      %dma_wait3A_42 = arith.constant 0 : i32
      %dma_wait3A_43 = tpu.memref_slice %arg2[%dma_wait3A_42] : memref<20480xf32, #tpu.memory_space<hbm>> -> memref<10240xf32, #tpu.memory_space<hbm>>
      tpu.wait_dma2 semaphore(%run_scoped3A : memref<!tpu.dma_semaphore, #tpu.memory_space<semaphore_mem>>) src(%dma_wait3A_43 : memref<10240xf32, #tpu.memory_space<hbm>>) dst(%arg7 : memref<10240xf32, #tpu.memory_space<vmem>>)
      tpu.yield
    }) : () -> ()
    "tpu.region"() ({
      %run_scoped3A = tpu.sem_alloc : memref<!tpu.dma_semaphore, #tpu.memory_space<semaphore_mem>>
      %dma_start3A = arith.constant 10240 : i32
      %dma_start3A_38 = tpu.memref_slice %arg2[%dma_start3A] : memref<20480xf32, #tpu.memory_space<hbm>> -> memref<10240xf32, #tpu.memory_space<hbm>>
      %dma_start3A_39 = arith.constant 10240 : i32
      %dma_start3A_40 = tpu.memref_slice %arg2[%dma_start3A_39] : memref<20480xf32, #tpu.memory_space<hbm>> -> memref<10240xf32, #tpu.memory_space<hbm>>
      tpu.enqueue_dma source(%dma_start3A_40 : memref<10240xf32, #tpu.memory_space<hbm>>) target(%arg8 : memref<10240xf32, #tpu.memory_space<vmem>>) target_semaphore(%run_scoped3A : memref<!tpu.dma_semaphore, #tpu.memory_space<semaphore_mem>>)
      %dma_wait3A = arith.constant 10240 : i32
      %dma_wait3A_41 = tpu.memref_slice %arg2[%dma_wait3A] : memref<20480xf32, #tpu.memory_space<hbm>> -> memref<10240xf32, #tpu.memory_space<hbm>>
      %dma_wait3A_42 = arith.constant 10240 : i32
      %dma_wait3A_43 = tpu.memref_slice %arg2[%dma_wait3A_42] : memref<20480xf32, #tpu.memory_space<hbm>> -> memref<10240xf32, #tpu.memory_space<hbm>>
      tpu.wait_dma2 semaphore(%run_scoped3A : memref<!tpu.dma_semaphore, #tpu.memory_space<semaphore_mem>>) src(%dma_wait3A_43 : memref<10240xf32, #tpu.memory_space<hbm>>) dst(%arg8 : memref<10240xf32, #tpu.memory_space<vmem>>)
      tpu.yield
    }) : () -> ()
    %broadcast_in_dim3A = arith.constant 0.000000e+00 : f32
    %broadcast_in_dim3A_28 = vector.broadcast %broadcast_in_dim3A : f32 to vector<16xf32>
    %parallel_loop3A = arith.constant 0 : i32
    %parallel_loop3A_29 = arith.constant 640 : i32
    %parallel_loop3A_30 = arith.constant 1 : i32
    scf.for %parallel_loop3A_38 = %parallel_loop3A to %parallel_loop3A_29 step %parallel_loop3A_30  : i32 {
      %parallel_loop3A_39 = arith.constant 16 : i32
      %parallel_loop3A_40 = arith.muli %parallel_loop3A_38, %parallel_loop3A_39 : i32
      %parallel_loop3A_41 = arith.index_cast %parallel_loop3A_40 : i32 to index
      %parallel_loop3A_42 = tpu.vector_load %arg9[%parallel_loop3A_41] {strides = array<i32>} : memref<10240xf32, #tpu.memory_space<vmem>>, vector<16xf32>,
      tpu.vector_store %arg9[%parallel_loop3A_41], %broadcast_in_dim3A_28 {strides = array<i32>} : memref<10240xf32, #tpu.memory_space<vmem>>, vector<16xf32>,
      %parallel_loop3A_43 = arith.constant 16 : i32
      %parallel_loop3A_44 = arith.muli %parallel_loop3A_38, %parallel_loop3A_43 : i32
      %parallel_loop3A_45 = arith.index_cast %parallel_loop3A_44 : i32 to index
      %parallel_loop3A_46 = tpu.vector_load %arg10[%parallel_loop3A_45] {strides = array<i32>} : memref<10240xf32, #tpu.memory_space<vmem>>, vector<16xf32>,
      tpu.vector_store %arg10[%parallel_loop3A_45], %broadcast_in_dim3A_28 {strides = array<i32>} : memref<10240xf32, #tpu.memory_space<vmem>>, vector<16xf32>,
    } {sc.loop_unroll_factor = 8 : i64, sc.parallel_access}
    %parallel_loop3A_31 = arith.constant 0 : i32
    %parallel_loop3A_32 = arith.constant 625 : i32
    %parallel_loop3A_33 = arith.constant 1 : i32
    scf.for %parallel_loop3A_38 = %parallel_loop3A_31 to %parallel_loop3A_32 step %parallel_loop3A_33  : i32 {
      %parallel_loop3A_39 = arith.constant 16 : i32
      %parallel_loop3A_40 = arith.muli %parallel_loop3A_38, %parallel_loop3A_39 : i32
      %parallel_loop3A_41 = arith.addi %sub3A_27, %parallel_loop3A_40 : i32
      %parallel_loop3A_42 = arith.constant 0 : i32
      %parallel_loop3A_43 = arith.index_cast %parallel_loop3A_42 : i32 to index
      %parallel_loop3A_44 = arith.index_cast %parallel_loop3A_41 : i32 to index
      %parallel_loop3A_45 = tpu.vector_load %arg6[%parallel_loop3A_43, %parallel_loop3A_44] {strides = array<i32>} : memref<2x10240xi32, #tpu.memory_space<vmem>>, vector<16xi32>,
      %parallel_loop3A_46 = arith.constant 1 : i32
      %parallel_loop3A_47 = arith.index_cast %parallel_loop3A_46 : i32 to index
      %parallel_loop3A_48 = arith.index_cast %parallel_loop3A_41 : i32 to index
      %parallel_loop3A_49 = tpu.vector_load %arg6[%parallel_loop3A_47, %parallel_loop3A_48] {strides = array<i32>} : memref<2x10240xi32, #tpu.memory_space<vmem>>, vector<16xi32>,
      %parallel_loop3A_50 = tpu.vector_load_idx %arg7[%parallel_loop3A_45] : memref<10240xf32, #tpu.memory_space<vmem>>[vector<16xi32>], vector<16xf32>,
      tpu.vector_store_idx %arg9[%parallel_loop3A_49], %parallel_loop3A_50 {add = true} : memref<10240xf32, #tpu.memory_space<vmem>>[vector<16xi32>], vector<16xf32>,
      %parallel_loop3A_51 = tpu.vector_load_idx %arg8[%parallel_loop3A_45] : memref<10240xf32, #tpu.memory_space<vmem>>[vector<16xi32>], vector<16xf32>,
      tpu.vector_store_idx %arg10[%parallel_loop3A_49], %parallel_loop3A_51 {add = true} : memref<10240xf32, #tpu.memory_space<vmem>>[vector<16xi32>], vector<16xf32>,
    } {sc.loop_unroll_factor = 8 : i64, sc.parallel_access}
    %mul3A_34 = arith.constant 10240 : i32
    %mul3A_35 = arith.muli %add3A, %mul3A_34 : i32
    "tpu.region"() ({
      %run_scoped3A = tpu.sem_alloc : memref<!tpu.dma_semaphore, #tpu.memory_space<semaphore_mem>>
      %dma_start3A = tpu.memref_slice %arg4[%mul3A_35] : memref<327680xf32, #tpu.memory_space<hbm>> -> memref<10240xf32, #tpu.memory_space<hbm>>
      %dma_start3A_38 = tpu.memref_slice %arg4[%mul3A_35] : memref<327680xf32, #tpu.memory_space<hbm>> -> memref<10240xf32, #tpu.memory_space<hbm>>
      tpu.enqueue_dma source(%arg9 : memref<10240xf32, #tpu.memory_space<vmem>>) target(%dma_start3A_38 : memref<10240xf32, #tpu.memory_space<hbm>>) target_semaphore(%run_scoped3A : memref<!tpu.dma_semaphore, #tpu.memory_space<semaphore_mem>>)
      %dma_wait3A = tpu.memref_slice %arg4[%mul3A_35] : memref<327680xf32, #tpu.memory_space<hbm>> -> memref<10240xf32, #tpu.memory_space<hbm>>
      %dma_wait3A_39 = tpu.memref_slice %arg4[%mul3A_35] : memref<327680xf32, #tpu.memory_space<hbm>> -> memref<10240xf32, #tpu.memory_space<hbm>>
      tpu.wait_dma2 semaphore(%run_scoped3A : memref<!tpu.dma_semaphore, #tpu.memory_space<semaphore_mem>>) src(%arg9 : memref<10240xf32, #tpu.memory_space<vmem>>) dst(%dma_wait3A_39 : memref<10240xf32, #tpu.memory_space<hbm>>)
      tpu.yield
    }) : () -> ()
    %mul3A_36 = arith.constant 10240 : i32
    %mul3A_37 = arith.muli %add3A, %mul3A_36 : i32
    "tpu.region"() ({
      %run_scoped3A = tpu.sem_alloc : memref<!tpu.dma_semaphore, #tpu.memory_space<semaphore_mem>>
      %dma_start3A = tpu.memref_slice %arg5[%mul3A_37] : memref<327680xf32, #tpu.memory_space<hbm>> -> memref<10240xf32, #tpu.memory_space<hbm>>
      %dma_start3A_38 = tpu.memref_slice %arg5[%mul3A_37] : memref<327680xf32, #tpu.memory_space<hbm>> -> memref<10240xf32, #tpu.memory_space<hbm>>
      tpu.enqueue_dma source(%arg10 : memref<10240xf32, #tpu.memory_space<vmem>>) target(%dma_start3A_38 : memref<10240xf32, #tpu.memory_space<hbm>>) target_semaphore(%run_scoped3A : memref<!tpu.dma_semaphore, #tpu.memory_space<semaphore_mem>>)
      %dma_wait3A = tpu.memref_slice %arg5[%mul3A_37] : memref<327680xf32, #tpu.memory_space<hbm>> -> memref<10240xf32, #tpu.memory_space<hbm>>
      %dma_wait3A_39 = tpu.memref_slice %arg5[%mul3A_37] : memref<327680xf32, #tpu.memory_space<hbm>> -> memref<10240xf32, #tpu.memory_space<hbm>>
      tpu.wait_dma2 semaphore(%run_scoped3A : memref<!tpu.dma_semaphore, #tpu.memory_space<semaphore_mem>>) src(%arg10 : memref<10240xf32, #tpu.memory_space<vmem>>) dst(%dma_wait3A_39 : memref<10240xf32, #tpu.memory_space<hbm>>)
      tpu.yield
    }) : () -> ()
    return
  }
}

#map = affine_map<(d0, d1) -> (0)>
#map1 = affine_map<(d0, d1) -> (0, 0)>
module attributes {stable_mosaic.version = 14 : i64} {
  func.func @_agg_body(%arg0: i32, %arg1: i32, %arg2: memref<40960xf32, #tpu.memory_space<hbm>>, %arg3: memref<2x320000xi32, #tpu.memory_space<hbm>>, %arg4: memref<327680xf32, #tpu.memory_space<hbm>>, %arg5: memref<327680xf32, #tpu.memory_space<hbm>>, %arg6: memref<327680xf32, #tpu.memory_space<hbm>>, %arg7: memref<327680xf32, #tpu.memory_space<hbm>>, %arg8: memref<2x10240xi32, #tpu.memory_space<vmem>>, %arg9: memref<10240xf32, #tpu.memory_space<vmem>>, %arg10: memref<10240xf32, #tpu.memory_space<vmem>>, %arg11: memref<10240xf32, #tpu.memory_space<vmem>>, %arg12: memref<10240xf32, #tpu.memory_space<vmem>>, %arg13: memref<10240xf32, #tpu.memory_space<vmem>>, %arg14: memref<10240xf32, #tpu.memory_space<vmem>>, %arg15: memref<10240xf32, #tpu.memory_space<vmem>>, %arg16: memref<10240xf32, #tpu.memory_space<vmem>>) attributes {dimension_semantics = [#tpu.dimension_semantics<core_parallel>, #tpu.dimension_semantics<subcore_parallel>], iteration_bounds = array<i64: 2, 16>, scalar_prefetch = 0 : i64, scratch_operands = 9 : i64, tpu.core_type = #tpu.core_type<sc_vector_subcore>, window_params = [{transform_indices = #map}, {transform_indices = #map1}, {transform_indices = #map}, {transform_indices = #map}, {transform_indices = #map}, {transform_indices = #map}]} {
    %mul3A = arith.constant 2 : i32
    %mul3A_0 = arith.muli %arg1, %mul3A : i32
    %add3A = arith.addi %mul3A_0, %arg0 : i32
    %mul3A_1 = arith.constant 2 : i32
    %mul3A_2 = arith.muli %arg1, %mul3A_1 : i32
    %add3A_3 = arith.addi %mul3A_2, %arg0 : i32
    %mul3A_4 = arith.constant 10000 : i32
    %mul3A_5 = arith.muli %add3A_3, %mul3A_4 : i32
    %jit3A = arith.constant 128 : i32
    %div3A = arith.divsi %mul3A_5, %jit3A : i32
    %sign3A = arith.constant 0 : i32
    %sign3A_6 = arith.cmpi sgt, %mul3A_5, %sign3A : i32
    %sign3A_7 = arith.extui %sign3A_6 : i1 to i32
    %sign3A_8 = arith.constant 0 : i32
    %sign3A_9 = arith.cmpi slt, %mul3A_5, %sign3A_8 : i32
    %sign3A_10 = arith.extui %sign3A_9 : i1 to i32
    %sign3A_11 = arith.subi %sign3A_7, %sign3A_10 : i32
    %sign3A_12 = arith.constant 0 : i32
    %sign3A_13 = arith.cmpi sgt, %jit3A, %sign3A_12 : i32
    %sign3A_14 = arith.extui %sign3A_13 : i1 to i32
    %sign3A_15 = arith.constant 0 : i32
    %sign3A_16 = arith.cmpi slt, %jit3A, %sign3A_15 : i32
    %sign3A_17 = arith.extui %sign3A_16 : i1 to i32
    %sign3A_18 = arith.subi %sign3A_14, %sign3A_17 : i32
    %ne3A = arith.cmpi ne, %sign3A_11, %sign3A_18 : i32
    %rem3A = arith.remsi %mul3A_5, %jit3A : i32
    %ne3A_19 = arith.constant 0 : i32
    %ne3A_20 = arith.cmpi ne, %rem3A, %ne3A_19 : i32
    %and3A = arith.andi %ne3A, %ne3A_20 : i1
    %sub3A = arith.constant 1 : i32
    %sub3A_21 = arith.subi %div3A, %sub3A : i32
    %select_n3A = arith.select %and3A, %sub3A_21, %div3A : i32
    %mul3A_22 = arith.constant 128 : i32
    %mul3A_23 = arith.muli %select_n3A, %mul3A_22 : i32
    %min3A = arith.constant 309760 : i32
    %min3A_24 = arith.minsi %mul3A_23, %min3A : i32
    "tpu.region"() ({
      %run_scoped3A = tpu.sem_alloc : memref<!tpu.dma_semaphore, #tpu.memory_space<semaphore_mem>>
      %dma_start3A = arith.constant 0 : i32
      %dma_start3A_42 = tpu.memref_slice %arg3[%dma_start3A, %min3A_24] : memref<2x320000xi32, #tpu.memory_space<hbm>> -> memref<2x10240xi32, #tpu.memory_space<hbm>>
      %dma_start3A_43 = arith.constant 0 : i32
      %dma_start3A_44 = tpu.memref_slice %arg3[%dma_start3A_43, %min3A_24] : memref<2x320000xi32, #tpu.memory_space<hbm>> -> memref<2x10240xi32, #tpu.memory_space<hbm>>
      tpu.enqueue_dma source(%dma_start3A_44 : memref<2x10240xi32, #tpu.memory_space<hbm>>) target(%arg8 : memref<2x10240xi32, #tpu.memory_space<vmem>>) target_semaphore(%run_scoped3A : memref<!tpu.dma_semaphore, #tpu.memory_space<semaphore_mem>>)
      %dma_wait3A = arith.constant 0 : i32
      %dma_wait3A_45 = tpu.memref_slice %arg3[%dma_wait3A, %min3A_24] : memref<2x320000xi32, #tpu.memory_space<hbm>> -> memref<2x10240xi32, #tpu.memory_space<hbm>>
      %dma_wait3A_46 = arith.constant 0 : i32
      %dma_wait3A_47 = tpu.memref_slice %arg3[%dma_wait3A_46, %min3A_24] : memref<2x320000xi32, #tpu.memory_space<hbm>> -> memref<2x10240xi32, #tpu.memory_space<hbm>>
      tpu.wait_dma2 semaphore(%run_scoped3A : memref<!tpu.dma_semaphore, #tpu.memory_space<semaphore_mem>>) src(%dma_wait3A_47 : memref<2x10240xi32, #tpu.memory_space<hbm>>) dst(%arg8 : memref<2x10240xi32, #tpu.memory_space<vmem>>)
      tpu.yield
    }) : () -> ()
    %mul3A_25 = arith.constant 10000 : i32
    %mul3A_26 = arith.muli %add3A_3, %mul3A_25 : i32
    %sub3A_27 = arith.subi %mul3A_26, %min3A_24 : i32
    "tpu.region"() ({
      %run_scoped3A = tpu.sem_alloc : memref<!tpu.dma_semaphore, #tpu.memory_space<semaphore_mem>>
      %dma_start3A = arith.constant 0 : i32
      %dma_start3A_42 = tpu.memref_slice %arg2[%dma_start3A] : memref<40960xf32, #tpu.memory_space<hbm>> -> memref<10240xf32, #tpu.memory_space<hbm>>
      %dma_start3A_43 = arith.constant 0 : i32
      %dma_start3A_44 = tpu.memref_slice %arg2[%dma_start3A_43] : memref<40960xf32, #tpu.memory_space<hbm>> -> memref<10240xf32, #tpu.memory_space<hbm>>
      tpu.enqueue_dma source(%dma_start3A_44 : memref<10240xf32, #tpu.memory_space<hbm>>) target(%arg9 : memref<10240xf32, #tpu.memory_space<vmem>>) target_semaphore(%run_scoped3A : memref<!tpu.dma_semaphore, #tpu.memory_space<semaphore_mem>>)
      %dma_wait3A = arith.constant 0 : i32
      %dma_wait3A_45 = tpu.memref_slice %arg2[%dma_wait3A] : memref<40960xf32, #tpu.memory_space<hbm>> -> memref<10240xf32, #tpu.memory_space<hbm>>
      %dma_wait3A_46 = arith.constant 0 : i32
      %dma_wait3A_47 = tpu.memref_slice %arg2[%dma_wait3A_46] : memref<40960xf32, #tpu.memory_space<hbm>> -> memref<10240xf32, #tpu.memory_space<hbm>>
      tpu.wait_dma2 semaphore(%run_scoped3A : memref<!tpu.dma_semaphore, #tpu.memory_space<semaphore_mem>>) src(%dma_wait3A_47 : memref<10240xf32, #tpu.memory_space<hbm>>) dst(%arg9 : memref<10240xf32, #tpu.memory_space<vmem>>)
      tpu.yield
    }) : () -> ()
    "tpu.region"() ({
      %run_scoped3A = tpu.sem_alloc : memref<!tpu.dma_semaphore, #tpu.memory_space<semaphore_mem>>
      %dma_start3A = arith.constant 10240 : i32
      %dma_start3A_42 = tpu.memref_slice %arg2[%dma_start3A] : memref<40960xf32, #tpu.memory_space<hbm>> -> memref<10240xf32, #tpu.memory_space<hbm>>
      %dma_start3A_43 = arith.constant 10240 : i32
      %dma_start3A_44 = tpu.memref_slice %arg2[%dma_start3A_43] : memref<40960xf32, #tpu.memory_space<hbm>> -> memref<10240xf32, #tpu.memory_space<hbm>>
      tpu.enqueue_dma source(%dma_start3A_44 : memref<10240xf32, #tpu.memory_space<hbm>>) target(%arg10 : memref<10240xf32, #tpu.memory_space<vmem>>) target_semaphore(%run_scoped3A : memref<!tpu.dma_semaphore, #tpu.memory_space<semaphore_mem>>)
      %dma_wait3A = arith.constant 10240 : i32
      %dma_wait3A_45 = tpu.memref_slice %arg2[%dma_wait3A] : memref<40960xf32, #tpu.memory_space<hbm>> -> memref<10240xf32, #tpu.memory_space<hbm>>
      %dma_wait3A_46 = arith.constant 10240 : i32
      %dma_wait3A_47 = tpu.memref_slice %arg2[%dma_wait3A_46] : memref<40960xf32, #tpu.memory_space<hbm>> -> memref<10240xf32, #tpu.memory_space<hbm>>
      tpu.wait_dma2 semaphore(%run_scoped3A : memref<!tpu.dma_semaphore, #tpu.memory_space<semaphore_mem>>) src(%dma_wait3A_47 : memref<10240xf32, #tpu.memory_space<hbm>>) dst(%arg10 : memref<10240xf32, #tpu.memory_space<vmem>>)
      tpu.yield
    }) : () -> ()
    "tpu.region"() ({
      %run_scoped3A = tpu.sem_alloc : memref<!tpu.dma_semaphore, #tpu.memory_space<semaphore_mem>>
      %dma_start3A = arith.constant 20480 : i32
      %dma_start3A_42 = tpu.memref_slice %arg2[%dma_start3A] : memref<40960xf32, #tpu.memory_space<hbm>> -> memref<10240xf32, #tpu.memory_space<hbm>>
      %dma_start3A_43 = arith.constant 20480 : i32
      %dma_start3A_44 = tpu.memref_slice %arg2[%dma_start3A_43] : memref<40960xf32, #tpu.memory_space<hbm>> -> memref<10240xf32, #tpu.memory_space<hbm>>
      tpu.enqueue_dma source(%dma_start3A_44 : memref<10240xf32, #tpu.memory_space<hbm>>) target(%arg11 : memref<10240xf32, #tpu.memory_space<vmem>>) target_semaphore(%run_scoped3A : memref<!tpu.dma_semaphore, #tpu.memory_space<semaphore_mem>>)
      %dma_wait3A = arith.constant 20480 : i32
      %dma_wait3A_45 = tpu.memref_slice %arg2[%dma_wait3A] : memref<40960xf32, #tpu.memory_space<hbm>> -> memref<10240xf32, #tpu.memory_space<hbm>>
      %dma_wait3A_46 = arith.constant 20480 : i32
      %dma_wait3A_47 = tpu.memref_slice %arg2[%dma_wait3A_46] : memref<40960xf32, #tpu.memory_space<hbm>> -> memref<10240xf32, #tpu.memory_space<hbm>>
      tpu.wait_dma2 semaphore(%run_scoped3A : memref<!tpu.dma_semaphore, #tpu.memory_space<semaphore_mem>>) src(%dma_wait3A_47 : memref<10240xf32, #tpu.memory_space<hbm>>) dst(%arg11 : memref<10240xf32, #tpu.memory_space<vmem>>)
      tpu.yield
    }) : () -> ()
    "tpu.region"() ({
      %run_scoped3A = tpu.sem_alloc : memref<!tpu.dma_semaphore, #tpu.memory_space<semaphore_mem>>
      %dma_start3A = arith.constant 30720 : i32
      %dma_start3A_42 = tpu.memref_slice %arg2[%dma_start3A] : memref<40960xf32, #tpu.memory_space<hbm>> -> memref<10240xf32, #tpu.memory_space<hbm>>
      %dma_start3A_43 = arith.constant 30720 : i32
      %dma_start3A_44 = tpu.memref_slice %arg2[%dma_start3A_43] : memref<40960xf32, #tpu.memory_space<hbm>> -> memref<10240xf32, #tpu.memory_space<hbm>>
      tpu.enqueue_dma source(%dma_start3A_44 : memref<10240xf32, #tpu.memory_space<hbm>>) target(%arg12 : memref<10240xf32, #tpu.memory_space<vmem>>) target_semaphore(%run_scoped3A : memref<!tpu.dma_semaphore, #tpu.memory_space<semaphore_mem>>)
      %dma_wait3A = arith.constant 30720 : i32
      %dma_wait3A_45 = tpu.memref_slice %arg2[%dma_wait3A] : memref<40960xf32, #tpu.memory_space<hbm>> -> memref<10240xf32, #tpu.memory_space<hbm>>
      %dma_wait3A_46 = arith.constant 30720 : i32
      %dma_wait3A_47 = tpu.memref_slice %arg2[%dma_wait3A_46] : memref<40960xf32, #tpu.memory_space<hbm>> -> memref<10240xf32, #tpu.memory_space<hbm>>
      tpu.wait_dma2 semaphore(%run_scoped3A : memref<!tpu.dma_semaphore, #tpu.memory_space<semaphore_mem>>) src(%dma_wait3A_47 : memref<10240xf32, #tpu.memory_space<hbm>>) dst(%arg12 : memref<10240xf32, #tpu.memory_space<vmem>>)
      tpu.yield
    }) : () -> ()
    %broadcast_in_dim3A = arith.constant 0.000000e+00 : f32
    %broadcast_in_dim3A_28 = vector.broadcast %broadcast_in_dim3A : f32 to vector<16xf32>
    %parallel_loop3A = arith.constant 0 : i32
    %parallel_loop3A_29 = arith.constant 640 : i32
    %parallel_loop3A_30 = arith.constant 1 : i32
    scf.for %parallel_loop3A_42 = %parallel_loop3A to %parallel_loop3A_29 step %parallel_loop3A_30  : i32 {
      %parallel_loop3A_43 = arith.constant 16 : i32
      %parallel_loop3A_44 = arith.muli %parallel_loop3A_42, %parallel_loop3A_43 : i32
      %parallel_loop3A_45 = arith.index_cast %parallel_loop3A_44 : i32 to index
      %parallel_loop3A_46 = tpu.vector_load %arg13[%parallel_loop3A_45] {strides = array<i32>} : memref<10240xf32, #tpu.memory_space<vmem>>, vector<16xf32>,
      tpu.vector_store %arg13[%parallel_loop3A_45], %broadcast_in_dim3A_28 {strides = array<i32>} : memref<10240xf32, #tpu.memory_space<vmem>>, vector<16xf32>,
      %parallel_loop3A_47 = arith.constant 16 : i32
      %parallel_loop3A_48 = arith.muli %parallel_loop3A_42, %parallel_loop3A_47 : i32
      %parallel_loop3A_49 = arith.index_cast %parallel_loop3A_48 : i32 to index
      %parallel_loop3A_50 = tpu.vector_load %arg14[%parallel_loop3A_49] {strides = array<i32>} : memref<10240xf32, #tpu.memory_space<vmem>>, vector<16xf32>,
      tpu.vector_store %arg14[%parallel_loop3A_49], %broadcast_in_dim3A_28 {strides = array<i32>} : memref<10240xf32, #tpu.memory_space<vmem>>, vector<16xf32>,
      %parallel_loop3A_51 = arith.constant 16 : i32
      %parallel_loop3A_52 = arith.muli %parallel_loop3A_42, %parallel_loop3A_51 : i32
      %parallel_loop3A_53 = arith.index_cast %parallel_loop3A_52 : i32 to index
      %parallel_loop3A_54 = tpu.vector_load %arg15[%parallel_loop3A_53] {strides = array<i32>} : memref<10240xf32, #tpu.memory_space<vmem>>, vector<16xf32>,
      tpu.vector_store %arg15[%parallel_loop3A_53], %broadcast_in_dim3A_28 {strides = array<i32>} : memref<10240xf32, #tpu.memory_space<vmem>>, vector<16xf32>,
      %parallel_loop3A_55 = arith.constant 16 : i32
      %parallel_loop3A_56 = arith.muli %parallel_loop3A_42, %parallel_loop3A_55 : i32
      %parallel_loop3A_57 = arith.index_cast %parallel_loop3A_56 : i32 to index
      %parallel_loop3A_58 = tpu.vector_load %arg16[%parallel_loop3A_57] {strides = array<i32>} : memref<10240xf32, #tpu.memory_space<vmem>>, vector<16xf32>,
      tpu.vector_store %arg16[%parallel_loop3A_57], %broadcast_in_dim3A_28 {strides = array<i32>} : memref<10240xf32, #tpu.memory_space<vmem>>, vector<16xf32>,
    } {sc.loop_unroll_factor = 8 : i64, sc.parallel_access}
    %parallel_loop3A_31 = arith.constant 0 : i32
    %parallel_loop3A_32 = arith.constant 625 : i32
    %parallel_loop3A_33 = arith.constant 1 : i32
    scf.for %parallel_loop3A_42 = %parallel_loop3A_31 to %parallel_loop3A_32 step %parallel_loop3A_33  : i32 {
      %parallel_loop3A_43 = arith.constant 16 : i32
      %parallel_loop3A_44 = arith.muli %parallel_loop3A_42, %parallel_loop3A_43 : i32
      %parallel_loop3A_45 = arith.addi %sub3A_27, %parallel_loop3A_44 : i32
      %parallel_loop3A_46 = arith.constant 0 : i32
      %parallel_loop3A_47 = arith.index_cast %parallel_loop3A_46 : i32 to index
      %parallel_loop3A_48 = arith.index_cast %parallel_loop3A_45 : i32 to index
      %parallel_loop3A_49 = tpu.vector_load %arg8[%parallel_loop3A_47, %parallel_loop3A_48] {strides = array<i32>} : memref<2x10240xi32, #tpu.memory_space<vmem>>, vector<16xi32>,
      %parallel_loop3A_50 = arith.constant 1 : i32
      %parallel_loop3A_51 = arith.index_cast %parallel_loop3A_50 : i32 to index
      %parallel_loop3A_52 = arith.index_cast %parallel_loop3A_45 : i32 to index
      %parallel_loop3A_53 = tpu.vector_load %arg8[%parallel_loop3A_51, %parallel_loop3A_52] {strides = array<i32>} : memref<2x10240xi32, #tpu.memory_space<vmem>>, vector<16xi32>,
      %parallel_loop3A_54 = tpu.vector_load_idx %arg9[%parallel_loop3A_49] : memref<10240xf32, #tpu.memory_space<vmem>>[vector<16xi32>], vector<16xf32>,
      tpu.vector_store_idx %arg13[%parallel_loop3A_53], %parallel_loop3A_54 {add = true} : memref<10240xf32, #tpu.memory_space<vmem>>[vector<16xi32>], vector<16xf32>,
      %parallel_loop3A_55 = tpu.vector_load_idx %arg10[%parallel_loop3A_49] : memref<10240xf32, #tpu.memory_space<vmem>>[vector<16xi32>], vector<16xf32>,
      tpu.vector_store_idx %arg14[%parallel_loop3A_53], %parallel_loop3A_55 {add = true} : memref<10240xf32, #tpu.memory_space<vmem>>[vector<16xi32>], vector<16xf32>,
      %parallel_loop3A_56 = tpu.vector_load_idx %arg11[%parallel_loop3A_49] : memref<10240xf32, #tpu.memory_space<vmem>>[vector<16xi32>], vector<16xf32>,
      tpu.vector_store_idx %arg15[%parallel_loop3A_53], %parallel_loop3A_56 {add = true} : memref<10240xf32, #tpu.memory_space<vmem>>[vector<16xi32>], vector<16xf32>,
      %parallel_loop3A_57 = tpu.vector_load_idx %arg12[%parallel_loop3A_49] : memref<10240xf32, #tpu.memory_space<vmem>>[vector<16xi32>], vector<16xf32>,
      tpu.vector_store_idx %arg16[%parallel_loop3A_53], %parallel_loop3A_57 {add = true} : memref<10240xf32, #tpu.memory_space<vmem>>[vector<16xi32>], vector<16xf32>,
    } {sc.loop_unroll_factor = 8 : i64, sc.parallel_access}
    %mul3A_34 = arith.constant 10240 : i32
    %mul3A_35 = arith.muli %add3A, %mul3A_34 : i32
    "tpu.region"() ({
      %run_scoped3A = tpu.sem_alloc : memref<!tpu.dma_semaphore, #tpu.memory_space<semaphore_mem>>
      %dma_start3A = tpu.memref_slice %arg4[%mul3A_35] : memref<327680xf32, #tpu.memory_space<hbm>> -> memref<10240xf32, #tpu.memory_space<hbm>>
      %dma_start3A_42 = tpu.memref_slice %arg4[%mul3A_35] : memref<327680xf32, #tpu.memory_space<hbm>> -> memref<10240xf32, #tpu.memory_space<hbm>>
      tpu.enqueue_dma source(%arg13 : memref<10240xf32, #tpu.memory_space<vmem>>) target(%dma_start3A_42 : memref<10240xf32, #tpu.memory_space<hbm>>) target_semaphore(%run_scoped3A : memref<!tpu.dma_semaphore, #tpu.memory_space<semaphore_mem>>)
      %dma_wait3A = tpu.memref_slice %arg4[%mul3A_35] : memref<327680xf32, #tpu.memory_space<hbm>> -> memref<10240xf32, #tpu.memory_space<hbm>>
      %dma_wait3A_43 = tpu.memref_slice %arg4[%mul3A_35] : memref<327680xf32, #tpu.memory_space<hbm>> -> memref<10240xf32, #tpu.memory_space<hbm>>
      tpu.wait_dma2 semaphore(%run_scoped3A : memref<!tpu.dma_semaphore, #tpu.memory_space<semaphore_mem>>) src(%arg13 : memref<10240xf32, #tpu.memory_space<vmem>>) dst(%dma_wait3A_43 : memref<10240xf32, #tpu.memory_space<hbm>>)
      tpu.yield
    }) : () -> ()
    %mul3A_36 = arith.constant 10240 : i32
    %mul3A_37 = arith.muli %add3A, %mul3A_36 : i32
    "tpu.region"() ({
      %run_scoped3A = tpu.sem_alloc : memref<!tpu.dma_semaphore, #tpu.memory_space<semaphore_mem>>
      %dma_start3A = tpu.memref_slice %arg5[%mul3A_37] : memref<327680xf32, #tpu.memory_space<hbm>> -> memref<10240xf32, #tpu.memory_space<hbm>>
      %dma_start3A_42 = tpu.memref_slice %arg5[%mul3A_37] : memref<327680xf32, #tpu.memory_space<hbm>> -> memref<10240xf32, #tpu.memory_space<hbm>>
      tpu.enqueue_dma source(%arg14 : memref<10240xf32, #tpu.memory_space<vmem>>) target(%dma_start3A_42 : memref<10240xf32, #tpu.memory_space<hbm>>) target_semaphore(%run_scoped3A : memref<!tpu.dma_semaphore, #tpu.memory_space<semaphore_mem>>)
      %dma_wait3A = tpu.memref_slice %arg5[%mul3A_37] : memref<327680xf32, #tpu.memory_space<hbm>> -> memref<10240xf32, #tpu.memory_space<hbm>>
      %dma_wait3A_43 = tpu.memref_slice %arg5[%mul3A_37] : memref<327680xf32, #tpu.memory_space<hbm>> -> memref<10240xf32, #tpu.memory_space<hbm>>
      tpu.wait_dma2 semaphore(%run_scoped3A : memref<!tpu.dma_semaphore, #tpu.memory_space<semaphore_mem>>) src(%arg14 : memref<10240xf32, #tpu.memory_space<vmem>>) dst(%dma_wait3A_43 : memref<10240xf32, #tpu.memory_space<hbm>>)
      tpu.yield
    }) : () -> ()
    %mul3A_38 = arith.constant 10240 : i32
    %mul3A_39 = arith.muli %add3A, %mul3A_38 : i32
    "tpu.region"() ({
      %run_scoped3A = tpu.sem_alloc : memref<!tpu.dma_semaphore, #tpu.memory_space<semaphore_mem>>
      %dma_start3A = tpu.memref_slice %arg6[%mul3A_39] : memref<327680xf32, #tpu.memory_space<hbm>> -> memref<10240xf32, #tpu.memory_space<hbm>>
      %dma_start3A_42 = tpu.memref_slice %arg6[%mul3A_39] : memref<327680xf32, #tpu.memory_space<hbm>> -> memref<10240xf32, #tpu.memory_space<hbm>>
      tpu.enqueue_dma source(%arg15 : memref<10240xf32, #tpu.memory_space<vmem>>) target(%dma_start3A_42 : memref<10240xf32, #tpu.memory_space<hbm>>) target_semaphore(%run_scoped3A : memref<!tpu.dma_semaphore, #tpu.memory_space<semaphore_mem>>)
      %dma_wait3A = tpu.memref_slice %arg6[%mul3A_39] : memref<327680xf32, #tpu.memory_space<hbm>> -> memref<10240xf32, #tpu.memory_space<hbm>>
      %dma_wait3A_43 = tpu.memref_slice %arg6[%mul3A_39] : memref<327680xf32, #tpu.memory_space<hbm>> -> memref<10240xf32, #tpu.memory_space<hbm>>
      tpu.wait_dma2 semaphore(%run_scoped3A : memref<!tpu.dma_semaphore, #tpu.memory_space<semaphore_mem>>) src(%arg15 : memref<10240xf32, #tpu.memory_space<vmem>>) dst(%dma_wait3A_43 : memref<10240xf32, #tpu.memory_space<hbm>>)
      tpu.yield
    }) : () -> ()
    %mul3A_40 = arith.constant 10240 : i32
    %mul3A_41 = arith.muli %add3A, %mul3A_40 : i32
    "tpu.region"() ({
      %run_scoped3A = tpu.sem_alloc : memref<!tpu.dma_semaphore, #tpu.memory_space<semaphore_mem>>
      %dma_start3A = tpu.memref_slice %arg7[%mul3A_41] : memref<327680xf32, #tpu.memory_space<hbm>> -> memref<10240xf32, #tpu.memory_space<hbm>>
      %dma_start3A_42 = tpu.memref_slice %arg7[%mul3A_41] : memref<327680xf32, #tpu.memory_space<hbm>> -> memref<10240xf32, #tpu.memory_space<hbm>>
      tpu.enqueue_dma source(%arg16 : memref<10240xf32, #tpu.memory_space<vmem>>) target(%dma_start3A_42 : memref<10240xf32, #tpu.memory_space<hbm>>) target_semaphore(%run_scoped3A : memref<!tpu.dma_semaphore, #tpu.memory_space<semaphore_mem>>)
      %dma_wait3A = tpu.memref_slice %arg7[%mul3A_41] : memref<327680xf32, #tpu.memory_space<hbm>> -> memref<10240xf32, #tpu.memory_space<hbm>>
      %dma_wait3A_43 = tpu.memref_slice %arg7[%mul3A_41] : memref<327680xf32, #tpu.memory_space<hbm>> -> memref<10240xf32, #tpu.memory_space<hbm>>
      tpu.wait_dma2 semaphore(%run_scoped3A : memref<!tpu.dma_semaphore, #tpu.memory_space<semaphore_mem>>) src(%arg16 : memref<10240xf32, #tpu.memory_space<vmem>>) dst(%dma_wait3A_43 : memref<10240xf32, #tpu.memory_space<hbm>>)
      tpu.yield
    }) : () -> ()
    return
  }
}

#map = affine_map<(d0, d1) -> (0, 0)>
#map1 = affine_map<(d0, d1) -> (0)>
module attributes {stable_mosaic.version = 14 : i64} {
  func.func @_deg_body(%arg0: i32, %arg1: i32, %arg2: memref<2x320000xi32, #tpu.memory_space<hbm>>, %arg3: memref<327680xf32, #tpu.memory_space<hbm>>, %arg4: memref<2x10240xi32, #tpu.memory_space<vmem>>, %arg5: memref<10240xf32, #tpu.memory_space<vmem>>) attributes {dimension_semantics = [#tpu.dimension_semantics<core_parallel>, #tpu.dimension_semantics<subcore_parallel>], iteration_bounds = array<i64: 2, 16>, scalar_prefetch = 0 : i64, scratch_operands = 2 : i64, tpu.core_type = #tpu.core_type<sc_vector_subcore>, window_params = [{transform_indices = #map}, {transform_indices = #map1}]} {
    %mul3A = arith.constant 2 : i32
    %mul3A_0 = arith.muli %arg1, %mul3A : i32
    %add3A = arith.addi %mul3A_0, %arg0 : i32
    %mul3A_1 = arith.constant 2 : i32
    %mul3A_2 = arith.muli %arg1, %mul3A_1 : i32
    %add3A_3 = arith.addi %mul3A_2, %arg0 : i32
    %mul3A_4 = arith.constant 10000 : i32
    %mul3A_5 = arith.muli %add3A_3, %mul3A_4 : i32
    %jit3A = arith.constant 128 : i32
    %div3A = arith.divsi %mul3A_5, %jit3A : i32
    %sign3A = arith.constant 0 : i32
    %sign3A_6 = arith.cmpi sgt, %mul3A_5, %sign3A : i32
    %sign3A_7 = arith.extui %sign3A_6 : i1 to i32
    %sign3A_8 = arith.constant 0 : i32
    %sign3A_9 = arith.cmpi slt, %mul3A_5, %sign3A_8 : i32
    %sign3A_10 = arith.extui %sign3A_9 : i1 to i32
    %sign3A_11 = arith.subi %sign3A_7, %sign3A_10 : i32
    %sign3A_12 = arith.constant 0 : i32
    %sign3A_13 = arith.cmpi sgt, %jit3A, %sign3A_12 : i32
    %sign3A_14 = arith.extui %sign3A_13 : i1 to i32
    %sign3A_15 = arith.constant 0 : i32
    %sign3A_16 = arith.cmpi slt, %jit3A, %sign3A_15 : i32
    %sign3A_17 = arith.extui %sign3A_16 : i1 to i32
    %sign3A_18 = arith.subi %sign3A_14, %sign3A_17 : i32
    %ne3A = arith.cmpi ne, %sign3A_11, %sign3A_18 : i32
    %rem3A = arith.remsi %mul3A_5, %jit3A : i32
    %ne3A_19 = arith.constant 0 : i32
    %ne3A_20 = arith.cmpi ne, %rem3A, %ne3A_19 : i32
    %and3A = arith.andi %ne3A, %ne3A_20 : i1
    %sub3A = arith.constant 1 : i32
    %sub3A_21 = arith.subi %div3A, %sub3A : i32
    %select_n3A = arith.select %and3A, %sub3A_21, %div3A : i32
    %mul3A_22 = arith.constant 128 : i32
    %mul3A_23 = arith.muli %select_n3A, %mul3A_22 : i32
    %min3A = arith.constant 309760 : i32
    %min3A_24 = arith.minsi %mul3A_23, %min3A : i32
    "tpu.region"() ({
      %run_scoped3A = tpu.sem_alloc : memref<!tpu.dma_semaphore, #tpu.memory_space<semaphore_mem>>
      %dma_start3A = arith.constant 0 : i32
      %dma_start3A_38 = tpu.memref_slice %arg2[%dma_start3A, %min3A_24] : memref<2x320000xi32, #tpu.memory_space<hbm>> -> memref<2x10240xi32, #tpu.memory_space<hbm>>
      %dma_start3A_39 = arith.constant 0 : i32
      %dma_start3A_40 = tpu.memref_slice %arg2[%dma_start3A_39, %min3A_24] : memref<2x320000xi32, #tpu.memory_space<hbm>> -> memref<2x10240xi32, #tpu.memory_space<hbm>>
      tpu.enqueue_dma source(%dma_start3A_40 : memref<2x10240xi32, #tpu.memory_space<hbm>>) target(%arg4 : memref<2x10240xi32, #tpu.memory_space<vmem>>) target_semaphore(%run_scoped3A : memref<!tpu.dma_semaphore, #tpu.memory_space<semaphore_mem>>)
      %dma_wait3A = arith.constant 0 : i32
      %dma_wait3A_41 = tpu.memref_slice %arg2[%dma_wait3A, %min3A_24] : memref<2x320000xi32, #tpu.memory_space<hbm>> -> memref<2x10240xi32, #tpu.memory_space<hbm>>
      %dma_wait3A_42 = arith.constant 0 : i32
      %dma_wait3A_43 = tpu.memref_slice %arg2[%dma_wait3A_42, %min3A_24] : memref<2x320000xi32, #tpu.memory_space<hbm>> -> memref<2x10240xi32, #tpu.memory_space<hbm>>
      tpu.wait_dma2 semaphore(%run_scoped3A : memref<!tpu.dma_semaphore, #tpu.memory_space<semaphore_mem>>) src(%dma_wait3A_43 : memref<2x10240xi32, #tpu.memory_space<hbm>>) dst(%arg4 : memref<2x10240xi32, #tpu.memory_space<vmem>>)
      tpu.yield
    }) : () -> ()
    %mul3A_25 = arith.constant 10000 : i32
    %mul3A_26 = arith.muli %add3A_3, %mul3A_25 : i32
    %sub3A_27 = arith.subi %mul3A_26, %min3A_24 : i32
    %broadcast_in_dim3A = arith.constant 1.000000e+00 : f32
    %broadcast_in_dim3A_28 = vector.broadcast %broadcast_in_dim3A : f32 to vector<16xf32>
    %broadcast_in_dim3A_29 = arith.constant 0.000000e+00 : f32
    %broadcast_in_dim3A_30 = vector.broadcast %broadcast_in_dim3A_29 : f32 to vector<16xf32>
    %parallel_loop3A = arith.constant 0 : i32
    %parallel_loop3A_31 = arith.constant 640 : i32
    %parallel_loop3A_32 = arith.constant 1 : i32
    scf.for %parallel_loop3A_38 = %parallel_loop3A to %parallel_loop3A_31 step %parallel_loop3A_32  : i32 {
      %parallel_loop3A_39 = arith.constant 16 : i32
      %parallel_loop3A_40 = arith.muli %parallel_loop3A_38, %parallel_loop3A_39 : i32
      %parallel_loop3A_41 = arith.index_cast %parallel_loop3A_40 : i32 to index
      %parallel_loop3A_42 = tpu.vector_load %arg5[%parallel_loop3A_41] {strides = array<i32>} : memref<10240xf32, #tpu.memory_space<vmem>>, vector<16xf32>,
      tpu.vector_store %arg5[%parallel_loop3A_41], %broadcast_in_dim3A_30 {strides = array<i32>} : memref<10240xf32, #tpu.memory_space<vmem>>, vector<16xf32>,
    } {sc.loop_unroll_factor = 8 : i64, sc.parallel_access}
    %parallel_loop3A_33 = arith.constant 0 : i32
    %parallel_loop3A_34 = arith.constant 625 : i32
    %parallel_loop3A_35 = arith.constant 1 : i32
    scf.for %parallel_loop3A_38 = %parallel_loop3A_33 to %parallel_loop3A_34 step %parallel_loop3A_35  : i32 {
      %parallel_loop3A_39 = arith.constant 16 : i32
      %parallel_loop3A_40 = arith.muli %parallel_loop3A_38, %parallel_loop3A_39 : i32
      %parallel_loop3A_41 = arith.addi %sub3A_27, %parallel_loop3A_40 : i32
      %parallel_loop3A_42 = arith.constant 1 : i32
      %parallel_loop3A_43 = arith.index_cast %parallel_loop3A_42 : i32 to index
      %parallel_loop3A_44 = arith.index_cast %parallel_loop3A_41 : i32 to index
      %parallel_loop3A_45 = tpu.vector_load %arg4[%parallel_loop3A_43, %parallel_loop3A_44] {strides = array<i32>} : memref<2x10240xi32, #tpu.memory_space<vmem>>, vector<16xi32>,
      tpu.vector_store_idx %arg5[%parallel_loop3A_45], %broadcast_in_dim3A_28 {add = true} : memref<10240xf32, #tpu.memory_space<vmem>>[vector<16xi32>], vector<16xf32>,
    } {sc.loop_unroll_factor = 8 : i64, sc.parallel_access}
    %mul3A_36 = arith.constant 10240 : i32
    %mul3A_37 = arith.muli %add3A, %mul3A_36 : i32
    "tpu.region"() ({
      %run_scoped3A = tpu.sem_alloc : memref<!tpu.dma_semaphore, #tpu.memory_space<semaphore_mem>>
      %dma_start3A = tpu.memref_slice %arg3[%mul3A_37] : memref<327680xf32, #tpu.memory_space<hbm>> -> memref<10240xf32, #tpu.memory_space<hbm>>
      %dma_start3A_38 = tpu.memref_slice %arg3[%mul3A_37] : memref<327680xf32, #tpu.memory_space<hbm>> -> memref<10240xf32, #tpu.memory_space<hbm>>
      tpu.enqueue_dma source(%arg5 : memref<10240xf32, #tpu.memory_space<vmem>>) target(%dma_start3A_38 : memref<10240xf32, #tpu.memory_space<hbm>>) target_semaphore(%run_scoped3A : memref<!tpu.dma_semaphore, #tpu.memory_space<semaphore_mem>>)
      %dma_wait3A = tpu.memref_slice %arg3[%mul3A_37] : memref<327680xf32, #tpu.memory_space<hbm>> -> memref<10240xf32, #tpu.memory_space<hbm>>
      %dma_wait3A_39 = tpu.memref_slice %arg3[%mul3A_37] : memref<327680xf32, #tpu.memory_space<hbm>> -> memref<10240xf32, #tpu.memory_space<hbm>>
      tpu.wait_dma2 semaphore(%run_scoped3A : memref<!tpu.dma_semaphore, #tpu.memory_space<semaphore_mem>>) src(%arg5 : memref<10240xf32, #tpu.memory_space<vmem>>) dst(%dma_wait3A_39 : memref<10240xf32, #tpu.memory_space<hbm>>)
      tpu.yield
    }) : () -> ()
    return
  }
}

module attributes {stable_mosaic.version = 14 : i64} {
  func.func @_lambda_(%arg0: memref<327680xf32, #tpu.memory_space<vmem>>, %arg1: memref<327680xf32, #tpu.memory_space<vmem>>, %arg2: memref<327680xf32, #tpu.memory_space<vmem>>, %arg3: memref<327680xf32, #tpu.memory_space<vmem>>, %arg4: memref<40960xf32, #tpu.memory_space<vmem>>, %arg5: memref<10240xf32, #tpu.memory_space<vmem>>, %arg6: memref<1x4xf32, #tpu.memory_space<smem>>, %arg7: memref<2x4xf32, #tpu.memory_space<smem>>, %arg8: memref<20480xf32, #tpu.memory_space<vmem>>) attributes {dimension_semantics = [], scalar_prefetch = 0 : i64, scratch_operands = 0 : i64, tpu.core_type = #tpu.core_type<tc>} {
    %get3A = arith.constant 0 : index
    %get3A_0 = vector.load %arg5[%get3A] : memref<10240xf32, #tpu.memory_space<vmem>>, vector<10240xf32>
    %get3A_1 = arith.constant 0 : index
    %get3A_2 = vector.load %arg0[%get3A_1] : memref<327680xf32, #tpu.memory_space<vmem>>, vector<10240xf32>
    %get3A_3 = arith.constant 10240 : index
    %get3A_4 = vector.load %arg0[%get3A_3] : memref<327680xf32, #tpu.memory_space<vmem>>, vector<10240xf32>
    %add3A = arith.addf %get3A_2, %get3A_4 : vector<10240xf32>
    %get3A_5 = arith.constant 20480 : index
    %get3A_6 = vector.load %arg0[%get3A_5] : memref<327680xf32, #tpu.memory_space<vmem>>, vector<10240xf32>
    %add3A_7 = arith.addf %add3A, %get3A_6 : vector<10240xf32>
    %get3A_8 = arith.constant 30720 : index
    %get3A_9 = vector.load %arg0[%get3A_8] : memref<327680xf32, #tpu.memory_space<vmem>>, vector<10240xf32>
    %add3A_10 = arith.addf %add3A_7, %get3A_9 : vector<10240xf32>
    %get3A_11 = arith.constant 40960 : index
    %get3A_12 = vector.load %arg0[%get3A_11] : memref<327680xf32, #tpu.memory_space<vmem>>, vector<10240xf32>
    %add3A_13 = arith.addf %add3A_10, %get3A_12 : vector<10240xf32>
    %get3A_14 = arith.constant 51200 : index
    %get3A_15 = vector.load %arg0[%get3A_14] : memref<327680xf32, #tpu.memory_space<vmem>>, vector<10240xf32>
    %add3A_16 = arith.addf %add3A_13, %get3A_15 : vector<10240xf32>
    %get3A_17 = arith.constant 61440 : index
    %get3A_18 = vector.load %arg0[%get3A_17] : memref<327680xf32, #tpu.memory_space<vmem>>, vector<10240xf32>
    %add3A_19 = arith.addf %add3A_16, %get3A_18 : vector<10240xf32>
    %get3A_20 = arith.constant 71680 : index
    %get3A_21 = vector.load %arg0[%get3A_20] : memref<327680xf32, #tpu.memory_space<vmem>>, vector<10240xf32>
    %add3A_22 = arith.addf %add3A_19, %get3A_21 : vector<10240xf32>
    %get3A_23 = arith.constant 81920 : index
    %get3A_24 = vector.load %arg0[%get3A_23] : memref<327680xf32, #tpu.memory_space<vmem>>, vector<10240xf32>
    %add3A_25 = arith.addf %add3A_22, %get3A_24 : vector<10240xf32>
    %get3A_26 = arith.constant 92160 : index
    %get3A_27 = vector.load %arg0[%get3A_26] : memref<327680xf32, #tpu.memory_space<vmem>>, vector<10240xf32>
    %add3A_28 = arith.addf %add3A_25, %get3A_27 : vector<10240xf32>
    %get3A_29 = arith.constant 102400 : index
    %get3A_30 = vector.load %arg0[%get3A_29] : memref<327680xf32, #tpu.memory_space<vmem>>, vector<10240xf32>
    %add3A_31 = arith.addf %add3A_28, %get3A_30 : vector<10240xf32>
    %get3A_32 = arith.constant 112640 : index
    %get3A_33 = vector.load %arg0[%get3A_32] : memref<327680xf32, #tpu.memory_space<vmem>>, vector<10240xf32>
    %add3A_34 = arith.addf %add3A_31, %get3A_33 : vector<10240xf32>
    %get3A_35 = arith.constant 122880 : index
    %get3A_36 = vector.load %arg0[%get3A_35] : memref<327680xf32, #tpu.memory_space<vmem>>, vector<10240xf32>
    %add3A_37 = arith.addf %add3A_34, %get3A_36 : vector<10240xf32>
    %get3A_38 = arith.constant 133120 : index
    %get3A_39 = vector.load %arg0[%get3A_38] : memref<327680xf32, #tpu.memory_space<vmem>>, vector<10240xf32>
    %add3A_40 = arith.addf %add3A_37, %get3A_39 : vector<10240xf32>
    %get3A_41 = arith.constant 143360 : index
    %get3A_42 = vector.load %arg0[%get3A_41] : memref<327680xf32, #tpu.memory_space<vmem>>, vector<10240xf32>
    %add3A_43 = arith.addf %add3A_40, %get3A_42 : vector<10240xf32>
    %get3A_44 = arith.constant 153600 : index
    %get3A_45 = vector.load %arg0[%get3A_44] : memref<327680xf32, #tpu.memory_space<vmem>>, vector<10240xf32>
    %add3A_46 = arith.addf %add3A_43, %get3A_45 : vector<10240xf32>
    %get3A_47 = arith.constant 163840 : index
    %get3A_48 = vector.load %arg0[%get3A_47] : memref<327680xf32, #tpu.memory_space<vmem>>, vector<10240xf32>
    %add3A_49 = arith.addf %add3A_46, %get3A_48 : vector<10240xf32>
    %get3A_50 = arith.constant 174080 : index
    %get3A_51 = vector.load %arg0[%get3A_50] : memref<327680xf32, #tpu.memory_space<vmem>>, vector<10240xf32>
    %add3A_52 = arith.addf %add3A_49, %get3A_51 : vector<10240xf32>
    %get3A_53 = arith.constant 184320 : index
    %get3A_54 = vector.load %arg0[%get3A_53] : memref<327680xf32, #tpu.memory_space<vmem>>, vector<10240xf32>
    %add3A_55 = arith.addf %add3A_52, %get3A_54 : vector<10240xf32>
    %get3A_56 = arith.constant 194560 : index
    %get3A_57 = vector.load %arg0[%get3A_56] : memref<327680xf32, #tpu.memory_space<vmem>>, vector<10240xf32>
    %add3A_58 = arith.addf %add3A_55, %get3A_57 : vector<10240xf32>
    %get3A_59 = arith.constant 204800 : index
    %get3A_60 = vector.load %arg0[%get3A_59] : memref<327680xf32, #tpu.memory_space<vmem>>, vector<10240xf32>
    %add3A_61 = arith.addf %add3A_58, %get3A_60 : vector<10240xf32>
    %get3A_62 = arith.constant 215040 : index
    %get3A_63 = vector.load %arg0[%get3A_62] : memref<327680xf32, #tpu.memory_space<vmem>>, vector<10240xf32>
    %add3A_64 = arith.addf %add3A_61, %get3A_63 : vector<10240xf32>
    %get3A_65 = arith.constant 225280 : index
    %get3A_66 = vector.load %arg0[%get3A_65] : memref<327680xf32, #tpu.memory_space<vmem>>, vector<10240xf32>
    %add3A_67 = arith.addf %add3A_64, %get3A_66 : vector<10240xf32>
    %get3A_68 = arith.constant 235520 : index
    %get3A_69 = vector.load %arg0[%get3A_68] : memref<327680xf32, #tpu.memory_space<vmem>>, vector<10240xf32>
    %add3A_70 = arith.addf %add3A_67, %get3A_69 : vector<10240xf32>
    %get3A_71 = arith.constant 245760 : index
    %get3A_72 = vector.load %arg0[%get3A_71] : memref<327680xf32, #tpu.memory_space<vmem>>, vector<10240xf32>
    %add3A_73 = arith.addf %add3A_70, %get3A_72 : vector<10240xf32>
    %get3A_74 = arith.constant 256000 : index
    %get3A_75 = vector.load %arg0[%get3A_74] : memref<327680xf32, #tpu.memory_space<vmem>>, vector<10240xf32>
    %add3A_76 = arith.addf %add3A_73, %get3A_75 : vector<10240xf32>
    %get3A_77 = arith.constant 266240 : index
    %get3A_78 = vector.load %arg0[%get3A_77] : memref<327680xf32, #tpu.memory_space<vmem>>, vector<10240xf32>
    %add3A_79 = arith.addf %add3A_76, %get3A_78 : vector<10240xf32>
    %get3A_80 = arith.constant 276480 : index
    %get3A_81 = vector.load %arg0[%get3A_80] : memref<327680xf32, #tpu.memory_space<vmem>>, vector<10240xf32>
    %add3A_82 = arith.addf %add3A_79, %get3A_81 : vector<10240xf32>
    %get3A_83 = arith.constant 286720 : index
    %get3A_84 = vector.load %arg0[%get3A_83] : memref<327680xf32, #tpu.memory_space<vmem>>, vector<10240xf32>
    %add3A_85 = arith.addf %add3A_82, %get3A_84 : vector<10240xf32>
    %get3A_86 = arith.constant 296960 : index
    %get3A_87 = vector.load %arg0[%get3A_86] : memref<327680xf32, #tpu.memory_space<vmem>>, vector<10240xf32>
    %add3A_88 = arith.addf %add3A_85, %get3A_87 : vector<10240xf32>
    %get3A_89 = arith.constant 307200 : index
    %get3A_90 = vector.load %arg0[%get3A_89] : memref<327680xf32, #tpu.memory_space<vmem>>, vector<10240xf32>
    %add3A_91 = arith.addf %add3A_88, %get3A_90 : vector<10240xf32>
    %get3A_92 = arith.constant 317440 : index
    %get3A_93 = vector.load %arg0[%get3A_92] : memref<327680xf32, #tpu.memory_space<vmem>>, vector<10240xf32>
    %add3A_94 = arith.addf %add3A_91, %get3A_93 : vector<10240xf32>
    %get3A_95 = arith.constant 0 : index
    %get3A_96 = vector.load %arg4[%get3A_95] : memref<40960xf32, #tpu.memory_space<vmem>>, vector<10240xf32>
    %add3A_97 = arith.addf %add3A_94, %get3A_96 : vector<10240xf32>
    %mul3A = arith.mulf %get3A_0, %add3A_97 : vector<10240xf32>
    %get3A_98 = arith.constant 0 : index
    %get3A_99 = arith.constant 0 : index
    %get3A_100 = memref.load %arg6[%get3A_98, %get3A_99] : memref<1x4xf32, #tpu.memory_space<smem>>
    %add3A_101 = vector.broadcast %get3A_100 : f32 to vector<10240xf32>
    %add3A_102 = arith.addf %mul3A, %add3A_101 : vector<10240xf32>
    %tanh3A = math.tanh %add3A_102 : vector<10240xf32>
    %get3A_103 = arith.constant 0 : index
    %get3A_104 = vector.load %arg1[%get3A_103] : memref<327680xf32, #tpu.memory_space<vmem>>, vector<10240xf32>
    %get3A_105 = arith.constant 10240 : index
    %get3A_106 = vector.load %arg1[%get3A_105] : memref<327680xf32, #tpu.memory_space<vmem>>, vector<10240xf32>
    %add3A_107 = arith.addf %get3A_104, %get3A_106 : vector<10240xf32>
    %get3A_108 = arith.constant 20480 : index
    %get3A_109 = vector.load %arg1[%get3A_108] : memref<327680xf32, #tpu.memory_space<vmem>>, vector<10240xf32>
    %add3A_110 = arith.addf %add3A_107, %get3A_109 : vector<10240xf32>
    %get3A_111 = arith.constant 30720 : index
    %get3A_112 = vector.load %arg1[%get3A_111] : memref<327680xf32, #tpu.memory_space<vmem>>, vector<10240xf32>
    %add3A_113 = arith.addf %add3A_110, %get3A_112 : vector<10240xf32>
    %get3A_114 = arith.constant 40960 : index
    %get3A_115 = vector.load %arg1[%get3A_114] : memref<327680xf32, #tpu.memory_space<vmem>>, vector<10240xf32>
    %add3A_116 = arith.addf %add3A_113, %get3A_115 : vector<10240xf32>
    %get3A_117 = arith.constant 51200 : index
    %get3A_118 = vector.load %arg1[%get3A_117] : memref<327680xf32, #tpu.memory_space<vmem>>, vector<10240xf32>
    %add3A_119 = arith.addf %add3A_116, %get3A_118 : vector<10240xf32>
    %get3A_120 = arith.constant 61440 : index
    %get3A_121 = vector.load %arg1[%get3A_120] : memref<327680xf32, #tpu.memory_space<vmem>>, vector<10240xf32>
    %add3A_122 = arith.addf %add3A_119, %get3A_121 : vector<10240xf32>
    %get3A_123 = arith.constant 71680 : index
    %get3A_124 = vector.load %arg1[%get3A_123] : memref<327680xf32, #tpu.memory_space<vmem>>, vector<10240xf32>
    %add3A_125 = arith.addf %add3A_122, %get3A_124 : vector<10240xf32>
    %get3A_126 = arith.constant 81920 : index
    %get3A_127 = vector.load %arg1[%get3A_126] : memref<327680xf32, #tpu.memory_space<vmem>>, vector<10240xf32>
    %add3A_128 = arith.addf %add3A_125, %get3A_127 : vector<10240xf32>
    %get3A_129 = arith.constant 92160 : index
    %get3A_130 = vector.load %arg1[%get3A_129] : memref<327680xf32, #tpu.memory_space<vmem>>, vector<10240xf32>
    %add3A_131 = arith.addf %add3A_128, %get3A_130 : vector<10240xf32>
    %get3A_132 = arith.constant 102400 : index
    %get3A_133 = vector.load %arg1[%get3A_132] : memref<327680xf32, #tpu.memory_space<vmem>>, vector<10240xf32>
    %add3A_134 = arith.addf %add3A_131, %get3A_133 : vector<10240xf32>
    %get3A_135 = arith.constant 112640 : index
    %get3A_136 = vector.load %arg1[%get3A_135] : memref<327680xf32, #tpu.memory_space<vmem>>, vector<10240xf32>
    %add3A_137 = arith.addf %add3A_134, %get3A_136 : vector<10240xf32>
    %get3A_138 = arith.constant 122880 : index
    %get3A_139 = vector.load %arg1[%get3A_138] : memref<327680xf32, #tpu.memory_space<vmem>>, vector<10240xf32>
    %add3A_140 = arith.addf %add3A_137, %get3A_139 : vector<10240xf32>
    %get3A_141 = arith.constant 133120 : index
    %get3A_142 = vector.load %arg1[%get3A_141] : memref<327680xf32, #tpu.memory_space<vmem>>, vector<10240xf32>
    %add3A_143 = arith.addf %add3A_140, %get3A_142 : vector<10240xf32>
    %get3A_144 = arith.constant 143360 : index
    %get3A_145 = vector.load %arg1[%get3A_144] : memref<327680xf32, #tpu.memory_space<vmem>>, vector<10240xf32>
    %add3A_146 = arith.addf %add3A_143, %get3A_145 : vector<10240xf32>
    %get3A_147 = arith.constant 153600 : index
    %get3A_148 = vector.load %arg1[%get3A_147] : memref<327680xf32, #tpu.memory_space<vmem>>, vector<10240xf32>
    %add3A_149 = arith.addf %add3A_146, %get3A_148 : vector<10240xf32>
    %get3A_150 = arith.constant 163840 : index
    %get3A_151 = vector.load %arg1[%get3A_150] : memref<327680xf32, #tpu.memory_space<vmem>>, vector<10240xf32>
    %add3A_152 = arith.addf %add3A_149, %get3A_151 : vector<10240xf32>
    %get3A_153 = arith.constant 174080 : index
    %get3A_154 = vector.load %arg1[%get3A_153] : memref<327680xf32, #tpu.memory_space<vmem>>, vector<10240xf32>
    %add3A_155 = arith.addf %add3A_152, %get3A_154 : vector<10240xf32>
    %get3A_156 = arith.constant 184320 : index
    %get3A_157 = vector.load %arg1[%get3A_156] : memref<327680xf32, #tpu.memory_space<vmem>>, vector<10240xf32>
    %add3A_158 = arith.addf %add3A_155, %get3A_157 : vector<10240xf32>
    %get3A_159 = arith.constant 194560 : index
    %get3A_160 = vector.load %arg1[%get3A_159] : memref<327680xf32, #tpu.memory_space<vmem>>, vector<10240xf32>
    %add3A_161 = arith.addf %add3A_158, %get3A_160 : vector<10240xf32>
    %get3A_162 = arith.constant 204800 : index
    %get3A_163 = vector.load %arg1[%get3A_162] : memref<327680xf32, #tpu.memory_space<vmem>>, vector<10240xf32>
    %add3A_164 = arith.addf %add3A_161, %get3A_163 : vector<10240xf32>
    %get3A_165 = arith.constant 215040 : index
    %get3A_166 = vector.load %arg1[%get3A_165] : memref<327680xf32, #tpu.memory_space<vmem>>, vector<10240xf32>
    %add3A_167 = arith.addf %add3A_164, %get3A_166 : vector<10240xf32>
    %get3A_168 = arith.constant 225280 : index
    %get3A_169 = vector.load %arg1[%get3A_168] : memref<327680xf32, #tpu.memory_space<vmem>>, vector<10240xf32>
    %add3A_170 = arith.addf %add3A_167, %get3A_169 : vector<10240xf32>
    %get3A_171 = arith.constant 235520 : index
    %get3A_172 = vector.load %arg1[%get3A_171] : memref<327680xf32, #tpu.memory_space<vmem>>, vector<10240xf32>
    %add3A_173 = arith.addf %add3A_170, %get3A_172 : vector<10240xf32>
    %get3A_174 = arith.constant 245760 : index
    %get3A_175 = vector.load %arg1[%get3A_174] : memref<327680xf32, #tpu.memory_space<vmem>>, vector<10240xf32>
    %add3A_176 = arith.addf %add3A_173, %get3A_175 : vector<10240xf32>
    %get3A_177 = arith.constant 256000 : index
    %get3A_178 = vector.load %arg1[%get3A_177] : memref<327680xf32, #tpu.memory_space<vmem>>, vector<10240xf32>
    %add3A_179 = arith.addf %add3A_176, %get3A_178 : vector<10240xf32>
    %get3A_180 = arith.constant 266240 : index
    %get3A_181 = vector.load %arg1[%get3A_180] : memref<327680xf32, #tpu.memory_space<vmem>>, vector<10240xf32>
    %add3A_182 = arith.addf %add3A_179, %get3A_181 : vector<10240xf32>
    %get3A_183 = arith.constant 276480 : index
    %get3A_184 = vector.load %arg1[%get3A_183] : memref<327680xf32, #tpu.memory_space<vmem>>, vector<10240xf32>
    %add3A_185 = arith.addf %add3A_182, %get3A_184 : vector<10240xf32>
    %get3A_186 = arith.constant 286720 : index
    %get3A_187 = vector.load %arg1[%get3A_186] : memref<327680xf32, #tpu.memory_space<vmem>>, vector<10240xf32>
    %add3A_188 = arith.addf %add3A_185, %get3A_187 : vector<10240xf32>
    %get3A_189 = arith.constant 296960 : index
    %get3A_190 = vector.load %arg1[%get3A_189] : memref<327680xf32, #tpu.memory_space<vmem>>, vector<10240xf32>
    %add3A_191 = arith.addf %add3A_188, %get3A_190 : vector<10240xf32>
    %get3A_192 = arith.constant 307200 : index
    %get3A_193 = vector.load %arg1[%get3A_192] : memref<327680xf32, #tpu.memory_space<vmem>>, vector<10240xf32>
    %add3A_194 = arith.addf %add3A_191, %get3A_193 : vector<10240xf32>
    %get3A_195 = arith.constant 317440 : index
    %get3A_196 = vector.load %arg1[%get3A_195] : memref<327680xf32, #tpu.memory_space<vmem>>, vector<10240xf32>
    %add3A_197 = arith.addf %add3A_194, %get3A_196 : vector<10240xf32>
    %get3A_198 = arith.constant 10240 : index
    %get3A_199 = vector.load %arg4[%get3A_198] : memref<40960xf32, #tpu.memory_space<vmem>>, vector<10240xf32>
    %add3A_200 = arith.addf %add3A_197, %get3A_199 : vector<10240xf32>
    %mul3A_201 = arith.mulf %get3A_0, %add3A_200 : vector<10240xf32>
    %get3A_202 = arith.constant 0 : index
    %get3A_203 = arith.constant 1 : index
    %get3A_204 = memref.load %arg6[%get3A_202, %get3A_203] : memref<1x4xf32, #tpu.memory_space<smem>>
    %add3A_205 = vector.broadcast %get3A_204 : f32 to vector<10240xf32>
    %add3A_206 = arith.addf %mul3A_201, %add3A_205 : vector<10240xf32>
    %tanh3A_207 = math.tanh %add3A_206 : vector<10240xf32>
    %get3A_208 = arith.constant 0 : index
    %get3A_209 = vector.load %arg2[%get3A_208] : memref<327680xf32, #tpu.memory_space<vmem>>, vector<10240xf32>
    %get3A_210 = arith.constant 10240 : index
    %get3A_211 = vector.load %arg2[%get3A_210] : memref<327680xf32, #tpu.memory_space<vmem>>, vector<10240xf32>
    %add3A_212 = arith.addf %get3A_209, %get3A_211 : vector<10240xf32>
    %get3A_213 = arith.constant 20480 : index
    %get3A_214 = vector.load %arg2[%get3A_213] : memref<327680xf32, #tpu.memory_space<vmem>>, vector<10240xf32>
    %add3A_215 = arith.addf %add3A_212, %get3A_214 : vector<10240xf32>
    %get3A_216 = arith.constant 30720 : index
    %get3A_217 = vector.load %arg2[%get3A_216] : memref<327680xf32, #tpu.memory_space<vmem>>, vector<10240xf32>
    %add3A_218 = arith.addf %add3A_215, %get3A_217 : vector<10240xf32>
    %get3A_219 = arith.constant 40960 : index
    %get3A_220 = vector.load %arg2[%get3A_219] : memref<327680xf32, #tpu.memory_space<vmem>>, vector<10240xf32>
    %add3A_221 = arith.addf %add3A_218, %get3A_220 : vector<10240xf32>
    %get3A_222 = arith.constant 51200 : index
    %get3A_223 = vector.load %arg2[%get3A_222] : memref<327680xf32, #tpu.memory_space<vmem>>, vector<10240xf32>
    %add3A_224 = arith.addf %add3A_221, %get3A_223 : vector<10240xf32>
    %get3A_225 = arith.constant 61440 : index
    %get3A_226 = vector.load %arg2[%get3A_225] : memref<327680xf32, #tpu.memory_space<vmem>>, vector<10240xf32>
    %add3A_227 = arith.addf %add3A_224, %get3A_226 : vector<10240xf32>
    %get3A_228 = arith.constant 71680 : index
    %get3A_229 = vector.load %arg2[%get3A_228] : memref<327680xf32, #tpu.memory_space<vmem>>, vector<10240xf32>
    %add3A_230 = arith.addf %add3A_227, %get3A_229 : vector<10240xf32>
    %get3A_231 = arith.constant 81920 : index
    %get3A_232 = vector.load %arg2[%get3A_231] : memref<327680xf32, #tpu.memory_space<vmem>>, vector<10240xf32>
    %add3A_233 = arith.addf %add3A_230, %get3A_232 : vector<10240xf32>
    %get3A_234 = arith.constant 92160 : index
    %get3A_235 = vector.load %arg2[%get3A_234] : memref<327680xf32, #tpu.memory_space<vmem>>, vector<10240xf32>
    %add3A_236 = arith.addf %add3A_233, %get3A_235 : vector<10240xf32>
    %get3A_237 = arith.constant 102400 : index
    %get3A_238 = vector.load %arg2[%get3A_237] : memref<327680xf32, #tpu.memory_space<vmem>>, vector<10240xf32>
    %add3A_239 = arith.addf %add3A_236, %get3A_238 : vector<10240xf32>
    %get3A_240 = arith.constant 112640 : index
    %get3A_241 = vector.load %arg2[%get3A_240] : memref<327680xf32, #tpu.memory_space<vmem>>, vector<10240xf32>
    %add3A_242 = arith.addf %add3A_239, %get3A_241 : vector<10240xf32>
    %get3A_243 = arith.constant 122880 : index
    %get3A_244 = vector.load %arg2[%get3A_243] : memref<327680xf32, #tpu.memory_space<vmem>>, vector<10240xf32>
    %add3A_245 = arith.addf %add3A_242, %get3A_244 : vector<10240xf32>
    %get3A_246 = arith.constant 133120 : index
    %get3A_247 = vector.load %arg2[%get3A_246] : memref<327680xf32, #tpu.memory_space<vmem>>, vector<10240xf32>
    %add3A_248 = arith.addf %add3A_245, %get3A_247 : vector<10240xf32>
    %get3A_249 = arith.constant 143360 : index
    %get3A_250 = vector.load %arg2[%get3A_249] : memref<327680xf32, #tpu.memory_space<vmem>>, vector<10240xf32>
    %add3A_251 = arith.addf %add3A_248, %get3A_250 : vector<10240xf32>
    %get3A_252 = arith.constant 153600 : index
    %get3A_253 = vector.load %arg2[%get3A_252] : memref<327680xf32, #tpu.memory_space<vmem>>, vector<10240xf32>
    %add3A_254 = arith.addf %add3A_251, %get3A_253 : vector<10240xf32>
    %get3A_255 = arith.constant 163840 : index
    %get3A_256 = vector.load %arg2[%get3A_255] : memref<327680xf32, #tpu.memory_space<vmem>>, vector<10240xf32>
    %add3A_257 = arith.addf %add3A_254, %get3A_256 : vector<10240xf32>
    %get3A_258 = arith.constant 174080 : index
    %get3A_259 = vector.load %arg2[%get3A_258] : memref<327680xf32, #tpu.memory_space<vmem>>, vector<10240xf32>
    %add3A_260 = arith.addf %add3A_257, %get3A_259 : vector<10240xf32>
    %get3A_261 = arith.constant 184320 : index
    %get3A_262 = vector.load %arg2[%get3A_261] : memref<327680xf32, #tpu.memory_space<vmem>>, vector<10240xf32>
    %add3A_263 = arith.addf %add3A_260, %get3A_262 : vector<10240xf32>
    %get3A_264 = arith.constant 194560 : index
    %get3A_265 = vector.load %arg2[%get3A_264] : memref<327680xf32, #tpu.memory_space<vmem>>, vector<10240xf32>
    %add3A_266 = arith.addf %add3A_263, %get3A_265 : vector<10240xf32>
    %get3A_267 = arith.constant 204800 : index
    %get3A_268 = vector.load %arg2[%get3A_267] : memref<327680xf32, #tpu.memory_space<vmem>>, vector<10240xf32>
    %add3A_269 = arith.addf %add3A_266, %get3A_268 : vector<10240xf32>
    %get3A_270 = arith.constant 215040 : index
    %get3A_271 = vector.load %arg2[%get3A_270] : memref<327680xf32, #tpu.memory_space<vmem>>, vector<10240xf32>
    %add3A_272 = arith.addf %add3A_269, %get3A_271 : vector<10240xf32>
    %get3A_273 = arith.constant 225280 : index
    %get3A_274 = vector.load %arg2[%get3A_273] : memref<327680xf32, #tpu.memory_space<vmem>>, vector<10240xf32>
    %add3A_275 = arith.addf %add3A_272, %get3A_274 : vector<10240xf32>
    %get3A_276 = arith.constant 235520 : index
    %get3A_277 = vector.load %arg2[%get3A_276] : memref<327680xf32, #tpu.memory_space<vmem>>, vector<10240xf32>
    %add3A_278 = arith.addf %add3A_275, %get3A_277 : vector<10240xf32>
    %get3A_279 = arith.constant 245760 : index
    %get3A_280 = vector.load %arg2[%get3A_279] : memref<327680xf32, #tpu.memory_space<vmem>>, vector<10240xf32>
    %add3A_281 = arith.addf %add3A_278, %get3A_280 : vector<10240xf32>
    %get3A_282 = arith.constant 256000 : index
    %get3A_283 = vector.load %arg2[%get3A_282] : memref<327680xf32, #tpu.memory_space<vmem>>, vector<10240xf32>
    %add3A_284 = arith.addf %add3A_281, %get3A_283 : vector<10240xf32>
    %get3A_285 = arith.constant 266240 : index
    %get3A_286 = vector.load %arg2[%get3A_285] : memref<327680xf32, #tpu.memory_space<vmem>>, vector<10240xf32>
    %add3A_287 = arith.addf %add3A_284, %get3A_286 : vector<10240xf32>
    %get3A_288 = arith.constant 276480 : index
    %get3A_289 = vector.load %arg2[%get3A_288] : memref<327680xf32, #tpu.memory_space<vmem>>, vector<10240xf32>
    %add3A_290 = arith.addf %add3A_287, %get3A_289 : vector<10240xf32>
    %get3A_291 = arith.constant 286720 : index
    %get3A_292 = vector.load %arg2[%get3A_291] : memref<327680xf32, #tpu.memory_space<vmem>>, vector<10240xf32>
    %add3A_293 = arith.addf %add3A_290, %get3A_292 : vector<10240xf32>
    %get3A_294 = arith.constant 296960 : index
    %get3A_295 = vector.load %arg2[%get3A_294] : memref<327680xf32, #tpu.memory_space<vmem>>, vector<10240xf32>
    %add3A_296 = arith.addf %add3A_293, %get3A_295 : vector<10240xf32>
    %get3A_297 = arith.constant 307200 : index
    %get3A_298 = vector.load %arg2[%get3A_297] : memref<327680xf32, #tpu.memory_space<vmem>>, vector<10240xf32>
    %add3A_299 = arith.addf %add3A_296, %get3A_298 : vector<10240xf32>
    %get3A_300 = arith.constant 317440 : index
    %get3A_301 = vector.load %arg2[%get3A_300] : memref<327680xf32, #tpu.memory_space<vmem>>, vector<10240xf32>
    %add3A_302 = arith.addf %add3A_299, %get3A_301 : vector<10240xf32>
    %get3A_303 = arith.constant 20480 : index
    %get3A_304 = vector.load %arg4[%get3A_303] : memref<40960xf32, #tpu.memory_space<vmem>>, vector<10240xf32>
    %add3A_305 = arith.addf %add3A_302, %get3A_304 : vector<10240xf32>
    %mul3A_306 = arith.mulf %get3A_0, %add3A_305 : vector<10240xf32>
    %get3A_307 = arith.constant 0 : index
    %get3A_308 = arith.constant 2 : index
    %get3A_309 = memref.load %arg6[%get3A_307, %get3A_308] : memref<1x4xf32, #tpu.memory_space<smem>>
    %add3A_310 = vector.broadcast %get3A_309 : f32 to vector<10240xf32>
    %add3A_311 = arith.addf %mul3A_306, %add3A_310 : vector<10240xf32>
    %tanh3A_312 = math.tanh %add3A_311 : vector<10240xf32>
    %get3A_313 = arith.constant 0 : index
    %get3A_314 = vector.load %arg3[%get3A_313] : memref<327680xf32, #tpu.memory_space<vmem>>, vector<10240xf32>
    %get3A_315 = arith.constant 10240 : index
    %get3A_316 = vector.load %arg3[%get3A_315] : memref<327680xf32, #tpu.memory_space<vmem>>, vector<10240xf32>
    %add3A_317 = arith.addf %get3A_314, %get3A_316 : vector<10240xf32>
    %get3A_318 = arith.constant 20480 : index
    %get3A_319 = vector.load %arg3[%get3A_318] : memref<327680xf32, #tpu.memory_space<vmem>>, vector<10240xf32>
    %add3A_320 = arith.addf %add3A_317, %get3A_319 : vector<10240xf32>
    %get3A_321 = arith.constant 30720 : index
    %get3A_322 = vector.load %arg3[%get3A_321] : memref<327680xf32, #tpu.memory_space<vmem>>, vector<10240xf32>
    %add3A_323 = arith.addf %add3A_320, %get3A_322 : vector<10240xf32>
    %get3A_324 = arith.constant 40960 : index
    %get3A_325 = vector.load %arg3[%get3A_324] : memref<327680xf32, #tpu.memory_space<vmem>>, vector<10240xf32>
    %add3A_326 = arith.addf %add3A_323, %get3A_325 : vector<10240xf32>
    %get3A_327 = arith.constant 51200 : index
    %get3A_328 = vector.load %arg3[%get3A_327] : memref<327680xf32, #tpu.memory_space<vmem>>, vector<10240xf32>
    %add3A_329 = arith.addf %add3A_326, %get3A_328 : vector<10240xf32>
    %get3A_330 = arith.constant 61440 : index
    %get3A_331 = vector.load %arg3[%get3A_330] : memref<327680xf32, #tpu.memory_space<vmem>>, vector<10240xf32>
    %add3A_332 = arith.addf %add3A_329, %get3A_331 : vector<10240xf32>
    %get3A_333 = arith.constant 71680 : index
    %get3A_334 = vector.load %arg3[%get3A_333] : memref<327680xf32, #tpu.memory_space<vmem>>, vector<10240xf32>
    %add3A_335 = arith.addf %add3A_332, %get3A_334 : vector<10240xf32>
    %get3A_336 = arith.constant 81920 : index
    %get3A_337 = vector.load %arg3[%get3A_336] : memref<327680xf32, #tpu.memory_space<vmem>>, vector<10240xf32>
    %add3A_338 = arith.addf %add3A_335, %get3A_337 : vector<10240xf32>
    %get3A_339 = arith.constant 92160 : index
    %get3A_340 = vector.load %arg3[%get3A_339] : memref<327680xf32, #tpu.memory_space<vmem>>, vector<10240xf32>
    %add3A_341 = arith.addf %add3A_338, %get3A_340 : vector<10240xf32>
    %get3A_342 = arith.constant 102400 : index
    %get3A_343 = vector.load %arg3[%get3A_342] : memref<327680xf32, #tpu.memory_space<vmem>>, vector<10240xf32>
    %add3A_344 = arith.addf %add3A_341, %get3A_343 : vector<10240xf32>
    %get3A_345 = arith.constant 112640 : index
    %get3A_346 = vector.load %arg3[%get3A_345] : memref<327680xf32, #tpu.memory_space<vmem>>, vector<10240xf32>
    %add3A_347 = arith.addf %add3A_344, %get3A_346 : vector<10240xf32>
    %get3A_348 = arith.constant 122880 : index
    %get3A_349 = vector.load %arg3[%get3A_348] : memref<327680xf32, #tpu.memory_space<vmem>>, vector<10240xf32>
    %add3A_350 = arith.addf %add3A_347, %get3A_349 : vector<10240xf32>
    %get3A_351 = arith.constant 133120 : index
    %get3A_352 = vector.load %arg3[%get3A_351] : memref<327680xf32, #tpu.memory_space<vmem>>, vector<10240xf32>
    %add3A_353 = arith.addf %add3A_350, %get3A_352 : vector<10240xf32>
    %get3A_354 = arith.constant 143360 : index
    %get3A_355 = vector.load %arg3[%get3A_354] : memref<327680xf32, #tpu.memory_space<vmem>>, vector<10240xf32>
    %add3A_356 = arith.addf %add3A_353, %get3A_355 : vector<10240xf32>
    %get3A_357 = arith.constant 153600 : index
    %get3A_358 = vector.load %arg3[%get3A_357] : memref<327680xf32, #tpu.memory_space<vmem>>, vector<10240xf32>
    %add3A_359 = arith.addf %add3A_356, %get3A_358 : vector<10240xf32>
    %get3A_360 = arith.constant 163840 : index
    %get3A_361 = vector.load %arg3[%get3A_360] : memref<327680xf32, #tpu.memory_space<vmem>>, vector<10240xf32>
    %add3A_362 = arith.addf %add3A_359, %get3A_361 : vector<10240xf32>
    %get3A_363 = arith.constant 174080 : index
    %get3A_364 = vector.load %arg3[%get3A_363] : memref<327680xf32, #tpu.memory_space<vmem>>, vector<10240xf32>
    %add3A_365 = arith.addf %add3A_362, %get3A_364 : vector<10240xf32>
    %get3A_366 = arith.constant 184320 : index
    %get3A_367 = vector.load %arg3[%get3A_366] : memref<327680xf32, #tpu.memory_space<vmem>>, vector<10240xf32>
    %add3A_368 = arith.addf %add3A_365, %get3A_367 : vector<10240xf32>
    %get3A_369 = arith.constant 194560 : index
    %get3A_370 = vector.load %arg3[%get3A_369] : memref<327680xf32, #tpu.memory_space<vmem>>, vector<10240xf32>
    %add3A_371 = arith.addf %add3A_368, %get3A_370 : vector<10240xf32>
    %get3A_372 = arith.constant 204800 : index
    %get3A_373 = vector.load %arg3[%get3A_372] : memref<327680xf32, #tpu.memory_space<vmem>>, vector<10240xf32>
    %add3A_374 = arith.addf %add3A_371, %get3A_373 : vector<10240xf32>
    %get3A_375 = arith.constant 215040 : index
    %get3A_376 = vector.load %arg3[%get3A_375] : memref<327680xf32, #tpu.memory_space<vmem>>, vector<10240xf32>
    %add3A_377 = arith.addf %add3A_374, %get3A_376 : vector<10240xf32>
    %get3A_378 = arith.constant 225280 : index
    %get3A_379 = vector.load %arg3[%get3A_378] : memref<327680xf32, #tpu.memory_space<vmem>>, vector<10240xf32>
    %add3A_380 = arith.addf %add3A_377, %get3A_379 : vector<10240xf32>
    %get3A_381 = arith.constant 235520 : index
    %get3A_382 = vector.load %arg3[%get3A_381] : memref<327680xf32, #tpu.memory_space<vmem>>, vector<10240xf32>
    %add3A_383 = arith.addf %add3A_380, %get3A_382 : vector<10240xf32>
    %get3A_384 = arith.constant 245760 : index
    %get3A_385 = vector.load %arg3[%get3A_384] : memref<327680xf32, #tpu.memory_space<vmem>>, vector<10240xf32>
    %add3A_386 = arith.addf %add3A_383, %get3A_385 : vector<10240xf32>
    %get3A_387 = arith.constant 256000 : index
    %get3A_388 = vector.load %arg3[%get3A_387] : memref<327680xf32, #tpu.memory_space<vmem>>, vector<10240xf32>
    %add3A_389 = arith.addf %add3A_386, %get3A_388 : vector<10240xf32>
    %get3A_390 = arith.constant 266240 : index
    %get3A_391 = vector.load %arg3[%get3A_390] : memref<327680xf32, #tpu.memory_space<vmem>>, vector<10240xf32>
    %add3A_392 = arith.addf %add3A_389, %get3A_391 : vector<10240xf32>
    %get3A_393 = arith.constant 276480 : index
    %get3A_394 = vector.load %arg3[%get3A_393] : memref<327680xf32, #tpu.memory_space<vmem>>, vector<10240xf32>
    %add3A_395 = arith.addf %add3A_392, %get3A_394 : vector<10240xf32>
    %get3A_396 = arith.constant 286720 : index
    %get3A_397 = vector.load %arg3[%get3A_396] : memref<327680xf32, #tpu.memory_space<vmem>>, vector<10240xf32>
    %add3A_398 = arith.addf %add3A_395, %get3A_397 : vector<10240xf32>
    %get3A_399 = arith.constant 296960 : index
    %get3A_400 = vector.load %arg3[%get3A_399] : memref<327680xf32, #tpu.memory_space<vmem>>, vector<10240xf32>
    %add3A_401 = arith.addf %add3A_398, %get3A_400 : vector<10240xf32>
    %get3A_402 = arith.constant 307200 : index
    %get3A_403 = vector.load %arg3[%get3A_402] : memref<327680xf32, #tpu.memory_space<vmem>>, vector<10240xf32>
    %add3A_404 = arith.addf %add3A_401, %get3A_403 : vector<10240xf32>
    %get3A_405 = arith.constant 317440 : index
    %get3A_406 = vector.load %arg3[%get3A_405] : memref<327680xf32, #tpu.memory_space<vmem>>, vector<10240xf32>
    %add3A_407 = arith.addf %add3A_404, %get3A_406 : vector<10240xf32>
    %get3A_408 = arith.constant 30720 : index
    %get3A_409 = vector.load %arg4[%get3A_408] : memref<40960xf32, #tpu.memory_space<vmem>>, vector<10240xf32>
    %add3A_410 = arith.addf %add3A_407, %get3A_409 : vector<10240xf32>
    %mul3A_411 = arith.mulf %get3A_0, %add3A_410 : vector<10240xf32>
    %get3A_412 = arith.constant 0 : index
    %get3A_413 = arith.constant 3 : index
    %get3A_414 = memref.load %arg6[%get3A_412, %get3A_413] : memref<1x4xf32, #tpu.memory_space<smem>>
    %add3A_415 = vector.broadcast %get3A_414 : f32 to vector<10240xf32>
    %add3A_416 = arith.addf %mul3A_411, %add3A_415 : vector<10240xf32>
    %tanh3A_417 = math.tanh %add3A_416 : vector<10240xf32>
    %get3A_418 = arith.constant 0 : index
    %get3A_419 = arith.constant 0 : index
    %get3A_420 = memref.load %arg7[%get3A_418, %get3A_419] : memref<2x4xf32, #tpu.memory_space<smem>>
    %mul3A_421 = vector.broadcast %get3A_420 : f32 to vector<10240xf32>
    %mul3A_422 = arith.mulf %mul3A_421, %tanh3A : vector<10240xf32>
    %get3A_423 = arith.constant 0 : index
    %get3A_424 = arith.constant 1 : index
    %get3A_425 = memref.load %arg7[%get3A_423, %get3A_424] : memref<2x4xf32, #tpu.memory_space<smem>>
    %mul3A_426 = vector.broadcast %get3A_425 : f32 to vector<10240xf32>
    %mul3A_427 = arith.mulf %mul3A_426, %tanh3A_207 : vector<10240xf32>
    %add3A_428 = arith.addf %mul3A_422, %mul3A_427 : vector<10240xf32>
    %get3A_429 = arith.constant 0 : index
    %get3A_430 = arith.constant 2 : index
    %get3A_431 = memref.load %arg7[%get3A_429, %get3A_430] : memref<2x4xf32, #tpu.memory_space<smem>>
    %mul3A_432 = vector.broadcast %get3A_431 : f32 to vector<10240xf32>
    %mul3A_433 = arith.mulf %mul3A_432, %tanh3A_312 : vector<10240xf32>
    %add3A_434 = arith.addf %add3A_428, %mul3A_433 : vector<10240xf32>
    %get3A_435 = arith.constant 0 : index
    %get3A_436 = arith.constant 3 : index
    %get3A_437 = memref.load %arg7[%get3A_435, %get3A_436] : memref<2x4xf32, #tpu.memory_space<smem>>
    %mul3A_438 = vector.broadcast %get3A_437 : f32 to vector<10240xf32>
    %mul3A_439 = arith.mulf %mul3A_438, %tanh3A_417 : vector<10240xf32>
    %add3A_440 = arith.addf %add3A_434, %mul3A_439 : vector<10240xf32>
    %mul3A_441 = arith.mulf %get3A_0, %add3A_440 : vector<10240xf32>
    %swap3A = arith.constant 0 : index
    %swap3A_442 = vector.load %arg8[%swap3A] : memref<20480xf32, #tpu.memory_space<vmem>>, vector<10240xf32>
    tpu.vector_store %arg8[%swap3A], %mul3A_441 {strides = array<i32>} : memref<20480xf32, #tpu.memory_space<vmem>>, vector<10240xf32>,
    %get3A_443 = arith.constant 1 : index
    %get3A_444 = arith.constant 0 : index
    %get3A_445 = memref.load %arg7[%get3A_443, %get3A_444] : memref<2x4xf32, #tpu.memory_space<smem>>
    %mul3A_446 = vector.broadcast %get3A_445 : f32 to vector<10240xf32>
    %mul3A_447 = arith.mulf %mul3A_446, %tanh3A : vector<10240xf32>
    %get3A_448 = arith.constant 1 : index
    %get3A_449 = arith.constant 1 : index
    %get3A_450 = memref.load %arg7[%get3A_448, %get3A_449] : memref<2x4xf32, #tpu.memory_space<smem>>
    %mul3A_451 = vector.broadcast %get3A_450 : f32 to vector<10240xf32>
    %mul3A_452 = arith.mulf %mul3A_451, %tanh3A_207 : vector<10240xf32>
    %add3A_453 = arith.addf %mul3A_447, %mul3A_452 : vector<10240xf32>
    %get3A_454 = arith.constant 1 : index
    %get3A_455 = arith.constant 2 : index
    %get3A_456 = memref.load %arg7[%get3A_454, %get3A_455] : memref<2x4xf32, #tpu.memory_space<smem>>
    %mul3A_457 = vector.broadcast %get3A_456 : f32 to vector<10240xf32>
    %mul3A_458 = arith.mulf %mul3A_457, %tanh3A_312 : vector<10240xf32>
    %add3A_459 = arith.addf %add3A_453, %mul3A_458 : vector<10240xf32>
    %get3A_460 = arith.constant 1 : index
    %get3A_461 = arith.constant 3 : index
    %get3A_462 = memref.load %arg7[%get3A_460, %get3A_461] : memref<2x4xf32, #tpu.memory_space<smem>>
    %mul3A_463 = vector.broadcast %get3A_462 : f32 to vector<10240xf32>
    %mul3A_464 = arith.mulf %mul3A_463, %tanh3A_417 : vector<10240xf32>
    %add3A_465 = arith.addf %add3A_459, %mul3A_464 : vector<10240xf32>
    %mul3A_466 = arith.mulf %get3A_0, %add3A_465 : vector<10240xf32>
    %swap3A_467 = arith.constant 10240 : index
    %swap3A_468 = vector.load %arg8[%swap3A_467] : memref<20480xf32, #tpu.memory_space<vmem>>, vector<10240xf32>
    tpu.vector_store %arg8[%swap3A_467], %mul3A_466 {strides = array<i32>} : memref<20480xf32, #tpu.memory_space<vmem>>, vector<10240xf32>,
    return
  }
}

module attributes {stable_mosaic.version = 14 : i64} {
  func.func @_prep_body(%arg0: memref<327680xf32, #tpu.memory_space<vmem>>, %arg1: memref<10000x128xf32, #tpu.memory_space<vmem>>, %arg2: memref<4x128xf32, #tpu.memory_space<vmem>>, %arg3: memref<10240xf32, #tpu.memory_space<vmem>>, %arg4: memref<40960xf32, #tpu.memory_space<vmem>>) attributes {dimension_semantics = [], scalar_prefetch = 0 : i64, scratch_operands = 0 : i64, tpu.core_type = #tpu.core_type<tc>} {
    %broadcast_in_dim3A = arith.constant 1.000000e+00 : f32
    %broadcast_in_dim3A_0 = vector.broadcast %broadcast_in_dim3A : f32 to vector<10240xf32>
    %get3A = arith.constant 0 : index
    %get3A_1 = vector.load %arg0[%get3A] : memref<327680xf32, #tpu.memory_space<vmem>>, vector<10240xf32>
    %add3A = arith.addf %broadcast_in_dim3A_0, %get3A_1 : vector<10240xf32>
    %get3A_2 = arith.constant 10240 : index
    %get3A_3 = vector.load %arg0[%get3A_2] : memref<327680xf32, #tpu.memory_space<vmem>>, vector<10240xf32>
    %add3A_4 = arith.addf %add3A, %get3A_3 : vector<10240xf32>
    %get3A_5 = arith.constant 20480 : index
    %get3A_6 = vector.load %arg0[%get3A_5] : memref<327680xf32, #tpu.memory_space<vmem>>, vector<10240xf32>
    %add3A_7 = arith.addf %add3A_4, %get3A_6 : vector<10240xf32>
    %get3A_8 = arith.constant 30720 : index
    %get3A_9 = vector.load %arg0[%get3A_8] : memref<327680xf32, #tpu.memory_space<vmem>>, vector<10240xf32>
    %add3A_10 = arith.addf %add3A_7, %get3A_9 : vector<10240xf32>
    %get3A_11 = arith.constant 40960 : index
    %get3A_12 = vector.load %arg0[%get3A_11] : memref<327680xf32, #tpu.memory_space<vmem>>, vector<10240xf32>
    %add3A_13 = arith.addf %add3A_10, %get3A_12 : vector<10240xf32>
    %get3A_14 = arith.constant 51200 : index
    %get3A_15 = vector.load %arg0[%get3A_14] : memref<327680xf32, #tpu.memory_space<vmem>>, vector<10240xf32>
    %add3A_16 = arith.addf %add3A_13, %get3A_15 : vector<10240xf32>
    %get3A_17 = arith.constant 61440 : index
    %get3A_18 = vector.load %arg0[%get3A_17] : memref<327680xf32, #tpu.memory_space<vmem>>, vector<10240xf32>
    %add3A_19 = arith.addf %add3A_16, %get3A_18 : vector<10240xf32>
    %get3A_20 = arith.constant 71680 : index
    %get3A_21 = vector.load %arg0[%get3A_20] : memref<327680xf32, #tpu.memory_space<vmem>>, vector<10240xf32>
    %add3A_22 = arith.addf %add3A_19, %get3A_21 : vector<10240xf32>
    %get3A_23 = arith.constant 81920 : index
    %get3A_24 = vector.load %arg0[%get3A_23] : memref<327680xf32, #tpu.memory_space<vmem>>, vector<10240xf32>
    %add3A_25 = arith.addf %add3A_22, %get3A_24 : vector<10240xf32>
    %get3A_26 = arith.constant 92160 : index
    %get3A_27 = vector.load %arg0[%get3A_26] : memref<327680xf32, #tpu.memory_space<vmem>>, vector<10240xf32>
    %add3A_28 = arith.addf %add3A_25, %get3A_27 : vector<10240xf32>
    %get3A_29 = arith.constant 102400 : index
    %get3A_30 = vector.load %arg0[%get3A_29] : memref<327680xf32, #tpu.memory_space<vmem>>, vector<10240xf32>
    %add3A_31 = arith.addf %add3A_28, %get3A_30 : vector<10240xf32>
    %get3A_32 = arith.constant 112640 : index
    %get3A_33 = vector.load %arg0[%get3A_32] : memref<327680xf32, #tpu.memory_space<vmem>>, vector<10240xf32>
    %add3A_34 = arith.addf %add3A_31, %get3A_33 : vector<10240xf32>
    %get3A_35 = arith.constant 122880 : index
    %get3A_36 = vector.load %arg0[%get3A_35] : memref<327680xf32, #tpu.memory_space<vmem>>, vector<10240xf32>
    %add3A_37 = arith.addf %add3A_34, %get3A_36 : vector<10240xf32>
    %get3A_38 = arith.constant 133120 : index
    %get3A_39 = vector.load %arg0[%get3A_38] : memref<327680xf32, #tpu.memory_space<vmem>>, vector<10240xf32>
    %add3A_40 = arith.addf %add3A_37, %get3A_39 : vector<10240xf32>
    %get3A_41 = arith.constant 143360 : index
    %get3A_42 = vector.load %arg0[%get3A_41] : memref<327680xf32, #tpu.memory_space<vmem>>, vector<10240xf32>
    %add3A_43 = arith.addf %add3A_40, %get3A_42 : vector<10240xf32>
    %get3A_44 = arith.constant 153600 : index
    %get3A_45 = vector.load %arg0[%get3A_44] : memref<327680xf32, #tpu.memory_space<vmem>>, vector<10240xf32>
    %add3A_46 = arith.addf %add3A_43, %get3A_45 : vector<10240xf32>
    %get3A_47 = arith.constant 163840 : index
    %get3A_48 = vector.load %arg0[%get3A_47] : memref<327680xf32, #tpu.memory_space<vmem>>, vector<10240xf32>
    %add3A_49 = arith.addf %add3A_46, %get3A_48 : vector<10240xf32>
    %get3A_50 = arith.constant 174080 : index
    %get3A_51 = vector.load %arg0[%get3A_50] : memref<327680xf32, #tpu.memory_space<vmem>>, vector<10240xf32>
    %add3A_52 = arith.addf %add3A_49, %get3A_51 : vector<10240xf32>
    %get3A_53 = arith.constant 184320 : index
    %get3A_54 = vector.load %arg0[%get3A_53] : memref<327680xf32, #tpu.memory_space<vmem>>, vector<10240xf32>
    %add3A_55 = arith.addf %add3A_52, %get3A_54 : vector<10240xf32>
    %get3A_56 = arith.constant 194560 : index
    %get3A_57 = vector.load %arg0[%get3A_56] : memref<327680xf32, #tpu.memory_space<vmem>>, vector<10240xf32>
    %add3A_58 = arith.addf %add3A_55, %get3A_57 : vector<10240xf32>
    %get3A_59 = arith.constant 204800 : index
    %get3A_60 = vector.load %arg0[%get3A_59] : memref<327680xf32, #tpu.memory_space<vmem>>, vector<10240xf32>
    %add3A_61 = arith.addf %add3A_58, %get3A_60 : vector<10240xf32>
    %get3A_62 = arith.constant 215040 : index
    %get3A_63 = vector.load %arg0[%get3A_62] : memref<327680xf32, #tpu.memory_space<vmem>>, vector<10240xf32>
    %add3A_64 = arith.addf %add3A_61, %get3A_63 : vector<10240xf32>
    %get3A_65 = arith.constant 225280 : index
    %get3A_66 = vector.load %arg0[%get3A_65] : memref<327680xf32, #tpu.memory_space<vmem>>, vector<10240xf32>
    %add3A_67 = arith.addf %add3A_64, %get3A_66 : vector<10240xf32>
    %get3A_68 = arith.constant 235520 : index
    %get3A_69 = vector.load %arg0[%get3A_68] : memref<327680xf32, #tpu.memory_space<vmem>>, vector<10240xf32>
    %add3A_70 = arith.addf %add3A_67, %get3A_69 : vector<10240xf32>
    %get3A_71 = arith.constant 245760 : index
    %get3A_72 = vector.load %arg0[%get3A_71] : memref<327680xf32, #tpu.memory_space<vmem>>, vector<10240xf32>
    %add3A_73 = arith.addf %add3A_70, %get3A_72 : vector<10240xf32>
    %get3A_74 = arith.constant 256000 : index
    %get3A_75 = vector.load %arg0[%get3A_74] : memref<327680xf32, #tpu.memory_space<vmem>>, vector<10240xf32>
    %add3A_76 = arith.addf %add3A_73, %get3A_75 : vector<10240xf32>
    %get3A_77 = arith.constant 266240 : index
    %get3A_78 = vector.load %arg0[%get3A_77] : memref<327680xf32, #tpu.memory_space<vmem>>, vector<10240xf32>
    %add3A_79 = arith.addf %add3A_76, %get3A_78 : vector<10240xf32>
    %get3A_80 = arith.constant 276480 : index
    %get3A_81 = vector.load %arg0[%get3A_80] : memref<327680xf32, #tpu.memory_space<vmem>>, vector<10240xf32>
    %add3A_82 = arith.addf %add3A_79, %get3A_81 : vector<10240xf32>
    %get3A_83 = arith.constant 286720 : index
    %get3A_84 = vector.load %arg0[%get3A_83] : memref<327680xf32, #tpu.memory_space<vmem>>, vector<10240xf32>
    %add3A_85 = arith.addf %add3A_82, %get3A_84 : vector<10240xf32>
    %get3A_86 = arith.constant 296960 : index
    %get3A_87 = vector.load %arg0[%get3A_86] : memref<327680xf32, #tpu.memory_space<vmem>>, vector<10240xf32>
    %add3A_88 = arith.addf %add3A_85, %get3A_87 : vector<10240xf32>
    %get3A_89 = arith.constant 307200 : index
    %get3A_90 = vector.load %arg0[%get3A_89] : memref<327680xf32, #tpu.memory_space<vmem>>, vector<10240xf32>
    %add3A_91 = arith.addf %add3A_88, %get3A_90 : vector<10240xf32>
    %get3A_92 = arith.constant 317440 : index
    %get3A_93 = vector.load %arg0[%get3A_92] : memref<327680xf32, #tpu.memory_space<vmem>>, vector<10240xf32>
    %add3A_94 = arith.addf %add3A_91, %get3A_93 : vector<10240xf32>
    %rsqrt3A = math.rsqrt %add3A_94 : vector<10240xf32>
    %swap3A = arith.constant 0 : index
    %swap3A_95 = vector.load %arg3[%swap3A] : memref<10240xf32, #tpu.memory_space<vmem>>, vector<10240xf32>
    tpu.vector_store %arg3[%swap3A], %rsqrt3A {strides = array<i32>} : memref<10240xf32, #tpu.memory_space<vmem>>, vector<10240xf32>,
    %get3A_96 = arith.constant 0 : index
    %get3A_97 = arith.constant 0 : index
    %get3A_98 = vector.load %arg2[%get3A_96, %get3A_97] : memref<4x128xf32, #tpu.memory_space<vmem>>, vector<4x128xf32>
    %get3A_99 = arith.constant 0 : index
    %get3A_100 = arith.constant 0 : index
    %get3A_101 = vector.load %arg1[%get3A_99, %get3A_100] : memref<10000x128xf32, #tpu.memory_space<vmem>>, vector<10000x128xf32>
    %dot_general3A = arith.constant dense<0.000000e+00> : vector<4x10000xf32>
    %dot_general3A_102 = tpu.matmul %get3A_98, %get3A_101, %dot_general3A {dimension_numbers = #tpu.dot_dimension_numbers<[1], [1], [0], [0], [0, 0, 1, 0], [], []>, transpose_lhs_hint = false} : vector<4x128xf32>, vector<10000x128xf32>, vector<4x10000xf32> -> vector<4x10000xf32>
    %broadcast_in_dim3A_103 = arith.constant 0.000000e+00 : f32
    %broadcast_in_dim3A_104 = vector.broadcast %broadcast_in_dim3A_103 : f32 to vector<240xf32>
    %slice3A = vector.extract_strided_slice %dot_general3A_102 {offsets = [0, 0], sizes = [1, 10000], strides = [1, 1]} : vector<4x10000xf32> to vector<1x10000xf32>
    %squeeze3A = vector.shape_cast %slice3A : vector<1x10000xf32> to vector<10000xf32>
    %concatenate3A = tpu.concatenate %squeeze3A, %broadcast_in_dim3A_104 in 0 : vector<10000xf32>, vector<240xf32> -> vector<10240xf32>
    %mul3A = arith.mulf %rsqrt3A, %concatenate3A : vector<10240xf32>
    %swap3A_105 = arith.constant 0 : index
    %swap3A_106 = vector.load %arg4[%swap3A_105] : memref<40960xf32, #tpu.memory_space<vmem>>, vector<10240xf32>
    tpu.vector_store %arg4[%swap3A_105], %mul3A {strides = array<i32>} : memref<40960xf32, #tpu.memory_space<vmem>>, vector<10240xf32>,
    %slice3A_107 = vector.extract_strided_slice %dot_general3A_102 {offsets = [1, 0], sizes = [1, 10000], strides = [1, 1]} : vector<4x10000xf32> to vector<1x10000xf32>
    %squeeze3A_108 = vector.shape_cast %slice3A_107 : vector<1x10000xf32> to vector<10000xf32>
    %concatenate3A_109 = tpu.concatenate %squeeze3A_108, %broadcast_in_dim3A_104 in 0 : vector<10000xf32>, vector<240xf32> -> vector<10240xf32>
    %mul3A_110 = arith.mulf %rsqrt3A, %concatenate3A_109 : vector<10240xf32>
    %swap3A_111 = arith.constant 10240 : index
    %swap3A_112 = vector.load %arg4[%swap3A_111] : memref<40960xf32, #tpu.memory_space<vmem>>, vector<10240xf32>
    tpu.vector_store %arg4[%swap3A_111], %mul3A_110 {strides = array<i32>} : memref<40960xf32, #tpu.memory_space<vmem>>, vector<10240xf32>,
    %slice3A_113 = vector.extract_strided_slice %dot_general3A_102 {offsets = [2, 0], sizes = [1, 10000], strides = [1, 1]} : vector<4x10000xf32> to vector<1x10000xf32>
    %squeeze3A_114 = vector.shape_cast %slice3A_113 : vector<1x10000xf32> to vector<10000xf32>
    %concatenate3A_115 = tpu.concatenate %squeeze3A_114, %broadcast_in_dim3A_104 in 0 : vector<10000xf32>, vector<240xf32> -> vector<10240xf32>
    %mul3A_116 = arith.mulf %rsqrt3A, %concatenate3A_115 : vector<10240xf32>
    %swap3A_117 = arith.constant 20480 : index
    %swap3A_118 = vector.load %arg4[%swap3A_117] : memref<40960xf32, #tpu.memory_space<vmem>>, vector<10240xf32>
    tpu.vector_store %arg4[%swap3A_117], %mul3A_116 {strides = array<i32>} : memref<40960xf32, #tpu.memory_space<vmem>>, vector<10240xf32>,
    %slice3A_119 = vector.extract_strided_slice %dot_general3A_102 {offsets = [3, 0], sizes = [1, 10000], strides = [1, 1]} : vector<4x10000xf32> to vector<1x10000xf32>
    %squeeze3A_120 = vector.shape_cast %slice3A_119 : vector<1x10000xf32> to vector<10000xf32>
    %concatenate3A_121 = tpu.concatenate %squeeze3A_120, %broadcast_in_dim3A_104 in 0 : vector<10000xf32>, vector<240xf32> -> vector<10240xf32>
    %mul3A_122 = arith.mulf %rsqrt3A, %concatenate3A_121 : vector<10240xf32>
    %swap3A_123 = arith.constant 30720 : index
    %swap3A_124 = vector.load %arg4[%swap3A_123] : memref<40960xf32, #tpu.memory_space<vmem>>, vector<10240xf32>
    tpu.vector_store %arg4[%swap3A_123], %mul3A_122 {strides = array<i32>} : memref<40960xf32, #tpu.memory_space<vmem>>, vector<10240xf32>,
    return
  }
}

module attributes {stable_mosaic.version = 14 : i64} {
  func.func @_lambda_(%arg0: memref<327680xf32, #tpu.memory_space<vmem>>, %arg1: memref<327680xf32, #tpu.memory_space<vmem>>, %arg2: memref<327680xf32, #tpu.memory_space<vmem>>, %arg3: memref<327680xf32, #tpu.memory_space<vmem>>, %arg4: memref<40960xf32, #tpu.memory_space<vmem>>, %arg5: memref<10240xf32, #tpu.memory_space<vmem>>, %arg6: memref<1x4xf32, #tpu.memory_space<smem>>, %arg7: memref<4x4xf32, #tpu.memory_space<smem>>, %arg8: memref<40960xf32, #tpu.memory_space<vmem>>) attributes {dimension_semantics = [], scalar_prefetch = 0 : i64, scratch_operands = 0 : i64, tpu.core_type = #tpu.core_type<tc>} {
    %get3A = arith.constant 0 : index
    %get3A_0 = vector.load %arg5[%get3A] : memref<10240xf32, #tpu.memory_space<vmem>>, vector<10240xf32>
    %get3A_1 = arith.constant 0 : index
    %get3A_2 = vector.load %arg0[%get3A_1] : memref<327680xf32, #tpu.memory_space<vmem>>, vector<10240xf32>
    %get3A_3 = arith.constant 10240 : index
    %get3A_4 = vector.load %arg0[%get3A_3] : memref<327680xf32, #tpu.memory_space<vmem>>, vector<10240xf32>
    %add3A = arith.addf %get3A_2, %get3A_4 : vector<10240xf32>
    %get3A_5 = arith.constant 20480 : index
    %get3A_6 = vector.load %arg0[%get3A_5] : memref<327680xf32, #tpu.memory_space<vmem>>, vector<10240xf32>
    %add3A_7 = arith.addf %add3A, %get3A_6 : vector<10240xf32>
    %get3A_8 = arith.constant 30720 : index
    %get3A_9 = vector.load %arg0[%get3A_8] : memref<327680xf32, #tpu.memory_space<vmem>>, vector<10240xf32>
    %add3A_10 = arith.addf %add3A_7, %get3A_9 : vector<10240xf32>
    %get3A_11 = arith.constant 40960 : index
    %get3A_12 = vector.load %arg0[%get3A_11] : memref<327680xf32, #tpu.memory_space<vmem>>, vector<10240xf32>
    %add3A_13 = arith.addf %add3A_10, %get3A_12 : vector<10240xf32>
    %get3A_14 = arith.constant 51200 : index
    %get3A_15 = vector.load %arg0[%get3A_14] : memref<327680xf32, #tpu.memory_space<vmem>>, vector<10240xf32>
    %add3A_16 = arith.addf %add3A_13, %get3A_15 : vector<10240xf32>
    %get3A_17 = arith.constant 61440 : index
    %get3A_18 = vector.load %arg0[%get3A_17] : memref<327680xf32, #tpu.memory_space<vmem>>, vector<10240xf32>
    %add3A_19 = arith.addf %add3A_16, %get3A_18 : vector<10240xf32>
    %get3A_20 = arith.constant 71680 : index
    %get3A_21 = vector.load %arg0[%get3A_20] : memref<327680xf32, #tpu.memory_space<vmem>>, vector<10240xf32>
    %add3A_22 = arith.addf %add3A_19, %get3A_21 : vector<10240xf32>
    %get3A_23 = arith.constant 81920 : index
    %get3A_24 = vector.load %arg0[%get3A_23] : memref<327680xf32, #tpu.memory_space<vmem>>, vector<10240xf32>
    %add3A_25 = arith.addf %add3A_22, %get3A_24 : vector<10240xf32>
    %get3A_26 = arith.constant 92160 : index
    %get3A_27 = vector.load %arg0[%get3A_26] : memref<327680xf32, #tpu.memory_space<vmem>>, vector<10240xf32>
    %add3A_28 = arith.addf %add3A_25, %get3A_27 : vector<10240xf32>
    %get3A_29 = arith.constant 102400 : index
    %get3A_30 = vector.load %arg0[%get3A_29] : memref<327680xf32, #tpu.memory_space<vmem>>, vector<10240xf32>
    %add3A_31 = arith.addf %add3A_28, %get3A_30 : vector<10240xf32>
    %get3A_32 = arith.constant 112640 : index
    %get3A_33 = vector.load %arg0[%get3A_32] : memref<327680xf32, #tpu.memory_space<vmem>>, vector<10240xf32>
    %add3A_34 = arith.addf %add3A_31, %get3A_33 : vector<10240xf32>
    %get3A_35 = arith.constant 122880 : index
    %get3A_36 = vector.load %arg0[%get3A_35] : memref<327680xf32, #tpu.memory_space<vmem>>, vector<10240xf32>
    %add3A_37 = arith.addf %add3A_34, %get3A_36 : vector<10240xf32>
    %get3A_38 = arith.constant 133120 : index
    %get3A_39 = vector.load %arg0[%get3A_38] : memref<327680xf32, #tpu.memory_space<vmem>>, vector<10240xf32>
    %add3A_40 = arith.addf %add3A_37, %get3A_39 : vector<10240xf32>
    %get3A_41 = arith.constant 143360 : index
    %get3A_42 = vector.load %arg0[%get3A_41] : memref<327680xf32, #tpu.memory_space<vmem>>, vector<10240xf32>
    %add3A_43 = arith.addf %add3A_40, %get3A_42 : vector<10240xf32>
    %get3A_44 = arith.constant 153600 : index
    %get3A_45 = vector.load %arg0[%get3A_44] : memref<327680xf32, #tpu.memory_space<vmem>>, vector<10240xf32>
    %add3A_46 = arith.addf %add3A_43, %get3A_45 : vector<10240xf32>
    %get3A_47 = arith.constant 163840 : index
    %get3A_48 = vector.load %arg0[%get3A_47] : memref<327680xf32, #tpu.memory_space<vmem>>, vector<10240xf32>
    %add3A_49 = arith.addf %add3A_46, %get3A_48 : vector<10240xf32>
    %get3A_50 = arith.constant 174080 : index
    %get3A_51 = vector.load %arg0[%get3A_50] : memref<327680xf32, #tpu.memory_space<vmem>>, vector<10240xf32>
    %add3A_52 = arith.addf %add3A_49, %get3A_51 : vector<10240xf32>
    %get3A_53 = arith.constant 184320 : index
    %get3A_54 = vector.load %arg0[%get3A_53] : memref<327680xf32, #tpu.memory_space<vmem>>, vector<10240xf32>
    %add3A_55 = arith.addf %add3A_52, %get3A_54 : vector<10240xf32>
    %get3A_56 = arith.constant 194560 : index
    %get3A_57 = vector.load %arg0[%get3A_56] : memref<327680xf32, #tpu.memory_space<vmem>>, vector<10240xf32>
    %add3A_58 = arith.addf %add3A_55, %get3A_57 : vector<10240xf32>
    %get3A_59 = arith.constant 204800 : index
    %get3A_60 = vector.load %arg0[%get3A_59] : memref<327680xf32, #tpu.memory_space<vmem>>, vector<10240xf32>
    %add3A_61 = arith.addf %add3A_58, %get3A_60 : vector<10240xf32>
    %get3A_62 = arith.constant 215040 : index
    %get3A_63 = vector.load %arg0[%get3A_62] : memref<327680xf32, #tpu.memory_space<vmem>>, vector<10240xf32>
    %add3A_64 = arith.addf %add3A_61, %get3A_63 : vector<10240xf32>
    %get3A_65 = arith.constant 225280 : index
    %get3A_66 = vector.load %arg0[%get3A_65] : memref<327680xf32, #tpu.memory_space<vmem>>, vector<10240xf32>
    %add3A_67 = arith.addf %add3A_64, %get3A_66 : vector<10240xf32>
    %get3A_68 = arith.constant 235520 : index
    %get3A_69 = vector.load %arg0[%get3A_68] : memref<327680xf32, #tpu.memory_space<vmem>>, vector<10240xf32>
    %add3A_70 = arith.addf %add3A_67, %get3A_69 : vector<10240xf32>
    %get3A_71 = arith.constant 245760 : index
    %get3A_72 = vector.load %arg0[%get3A_71] : memref<327680xf32, #tpu.memory_space<vmem>>, vector<10240xf32>
    %add3A_73 = arith.addf %add3A_70, %get3A_72 : vector<10240xf32>
    %get3A_74 = arith.constant 256000 : index
    %get3A_75 = vector.load %arg0[%get3A_74] : memref<327680xf32, #tpu.memory_space<vmem>>, vector<10240xf32>
    %add3A_76 = arith.addf %add3A_73, %get3A_75 : vector<10240xf32>
    %get3A_77 = arith.constant 266240 : index
    %get3A_78 = vector.load %arg0[%get3A_77] : memref<327680xf32, #tpu.memory_space<vmem>>, vector<10240xf32>
    %add3A_79 = arith.addf %add3A_76, %get3A_78 : vector<10240xf32>
    %get3A_80 = arith.constant 276480 : index
    %get3A_81 = vector.load %arg0[%get3A_80] : memref<327680xf32, #tpu.memory_space<vmem>>, vector<10240xf32>
    %add3A_82 = arith.addf %add3A_79, %get3A_81 : vector<10240xf32>
    %get3A_83 = arith.constant 286720 : index
    %get3A_84 = vector.load %arg0[%get3A_83] : memref<327680xf32, #tpu.memory_space<vmem>>, vector<10240xf32>
    %add3A_85 = arith.addf %add3A_82, %get3A_84 : vector<10240xf32>
    %get3A_86 = arith.constant 296960 : index
    %get3A_87 = vector.load %arg0[%get3A_86] : memref<327680xf32, #tpu.memory_space<vmem>>, vector<10240xf32>
    %add3A_88 = arith.addf %add3A_85, %get3A_87 : vector<10240xf32>
    %get3A_89 = arith.constant 307200 : index
    %get3A_90 = vector.load %arg0[%get3A_89] : memref<327680xf32, #tpu.memory_space<vmem>>, vector<10240xf32>
    %add3A_91 = arith.addf %add3A_88, %get3A_90 : vector<10240xf32>
    %get3A_92 = arith.constant 317440 : index
    %get3A_93 = vector.load %arg0[%get3A_92] : memref<327680xf32, #tpu.memory_space<vmem>>, vector<10240xf32>
    %add3A_94 = arith.addf %add3A_91, %get3A_93 : vector<10240xf32>
    %get3A_95 = arith.constant 0 : index
    %get3A_96 = vector.load %arg4[%get3A_95] : memref<40960xf32, #tpu.memory_space<vmem>>, vector<10240xf32>
    %add3A_97 = arith.addf %add3A_94, %get3A_96 : vector<10240xf32>
    %mul3A = arith.mulf %get3A_0, %add3A_97 : vector<10240xf32>
    %get3A_98 = arith.constant 0 : index
    %get3A_99 = arith.constant 0 : index
    %get3A_100 = memref.load %arg6[%get3A_98, %get3A_99] : memref<1x4xf32, #tpu.memory_space<smem>>
    %add3A_101 = vector.broadcast %get3A_100 : f32 to vector<10240xf32>
    %add3A_102 = arith.addf %mul3A, %add3A_101 : vector<10240xf32>
    %tanh3A = math.tanh %add3A_102 : vector<10240xf32>
    %get3A_103 = arith.constant 0 : index
    %get3A_104 = vector.load %arg1[%get3A_103] : memref<327680xf32, #tpu.memory_space<vmem>>, vector<10240xf32>
    %get3A_105 = arith.constant 10240 : index
    %get3A_106 = vector.load %arg1[%get3A_105] : memref<327680xf32, #tpu.memory_space<vmem>>, vector<10240xf32>
    %add3A_107 = arith.addf %get3A_104, %get3A_106 : vector<10240xf32>
    %get3A_108 = arith.constant 20480 : index
    %get3A_109 = vector.load %arg1[%get3A_108] : memref<327680xf32, #tpu.memory_space<vmem>>, vector<10240xf32>
    %add3A_110 = arith.addf %add3A_107, %get3A_109 : vector<10240xf32>
    %get3A_111 = arith.constant 30720 : index
    %get3A_112 = vector.load %arg1[%get3A_111] : memref<327680xf32, #tpu.memory_space<vmem>>, vector<10240xf32>
    %add3A_113 = arith.addf %add3A_110, %get3A_112 : vector<10240xf32>
    %get3A_114 = arith.constant 40960 : index
    %get3A_115 = vector.load %arg1[%get3A_114] : memref<327680xf32, #tpu.memory_space<vmem>>, vector<10240xf32>
    %add3A_116 = arith.addf %add3A_113, %get3A_115 : vector<10240xf32>
    %get3A_117 = arith.constant 51200 : index
    %get3A_118 = vector.load %arg1[%get3A_117] : memref<327680xf32, #tpu.memory_space<vmem>>, vector<10240xf32>
    %add3A_119 = arith.addf %add3A_116, %get3A_118 : vector<10240xf32>
    %get3A_120 = arith.constant 61440 : index
    %get3A_121 = vector.load %arg1[%get3A_120] : memref<327680xf32, #tpu.memory_space<vmem>>, vector<10240xf32>
    %add3A_122 = arith.addf %add3A_119, %get3A_121 : vector<10240xf32>
    %get3A_123 = arith.constant 71680 : index
    %get3A_124 = vector.load %arg1[%get3A_123] : memref<327680xf32, #tpu.memory_space<vmem>>, vector<10240xf32>
    %add3A_125 = arith.addf %add3A_122, %get3A_124 : vector<10240xf32>
    %get3A_126 = arith.constant 81920 : index
    %get3A_127 = vector.load %arg1[%get3A_126] : memref<327680xf32, #tpu.memory_space<vmem>>, vector<10240xf32>
    %add3A_128 = arith.addf %add3A_125, %get3A_127 : vector<10240xf32>
    %get3A_129 = arith.constant 92160 : index
    %get3A_130 = vector.load %arg1[%get3A_129] : memref<327680xf32, #tpu.memory_space<vmem>>, vector<10240xf32>
    %add3A_131 = arith.addf %add3A_128, %get3A_130 : vector<10240xf32>
    %get3A_132 = arith.constant 102400 : index
    %get3A_133 = vector.load %arg1[%get3A_132] : memref<327680xf32, #tpu.memory_space<vmem>>, vector<10240xf32>
    %add3A_134 = arith.addf %add3A_131, %get3A_133 : vector<10240xf32>
    %get3A_135 = arith.constant 112640 : index
    %get3A_136 = vector.load %arg1[%get3A_135] : memref<327680xf32, #tpu.memory_space<vmem>>, vector<10240xf32>
    %add3A_137 = arith.addf %add3A_134, %get3A_136 : vector<10240xf32>
    %get3A_138 = arith.constant 122880 : index
    %get3A_139 = vector.load %arg1[%get3A_138] : memref<327680xf32, #tpu.memory_space<vmem>>, vector<10240xf32>
    %add3A_140 = arith.addf %add3A_137, %get3A_139 : vector<10240xf32>
    %get3A_141 = arith.constant 133120 : index
    %get3A_142 = vector.load %arg1[%get3A_141] : memref<327680xf32, #tpu.memory_space<vmem>>, vector<10240xf32>
    %add3A_143 = arith.addf %add3A_140, %get3A_142 : vector<10240xf32>
    %get3A_144 = arith.constant 143360 : index
    %get3A_145 = vector.load %arg1[%get3A_144] : memref<327680xf32, #tpu.memory_space<vmem>>, vector<10240xf32>
    %add3A_146 = arith.addf %add3A_143, %get3A_145 : vector<10240xf32>
    %get3A_147 = arith.constant 153600 : index
    %get3A_148 = vector.load %arg1[%get3A_147] : memref<327680xf32, #tpu.memory_space<vmem>>, vector<10240xf32>
    %add3A_149 = arith.addf %add3A_146, %get3A_148 : vector<10240xf32>
    %get3A_150 = arith.constant 163840 : index
    %get3A_151 = vector.load %arg1[%get3A_150] : memref<327680xf32, #tpu.memory_space<vmem>>, vector<10240xf32>
    %add3A_152 = arith.addf %add3A_149, %get3A_151 : vector<10240xf32>
    %get3A_153 = arith.constant 174080 : index
    %get3A_154 = vector.load %arg1[%get3A_153] : memref<327680xf32, #tpu.memory_space<vmem>>, vector<10240xf32>
    %add3A_155 = arith.addf %add3A_152, %get3A_154 : vector<10240xf32>
    %get3A_156 = arith.constant 184320 : index
    %get3A_157 = vector.load %arg1[%get3A_156] : memref<327680xf32, #tpu.memory_space<vmem>>, vector<10240xf32>
    %add3A_158 = arith.addf %add3A_155, %get3A_157 : vector<10240xf32>
    %get3A_159 = arith.constant 194560 : index
    %get3A_160 = vector.load %arg1[%get3A_159] : memref<327680xf32, #tpu.memory_space<vmem>>, vector<10240xf32>
    %add3A_161 = arith.addf %add3A_158, %get3A_160 : vector<10240xf32>
    %get3A_162 = arith.constant 204800 : index
    %get3A_163 = vector.load %arg1[%get3A_162] : memref<327680xf32, #tpu.memory_space<vmem>>, vector<10240xf32>
    %add3A_164 = arith.addf %add3A_161, %get3A_163 : vector<10240xf32>
    %get3A_165 = arith.constant 215040 : index
    %get3A_166 = vector.load %arg1[%get3A_165] : memref<327680xf32, #tpu.memory_space<vmem>>, vector<10240xf32>
    %add3A_167 = arith.addf %add3A_164, %get3A_166 : vector<10240xf32>
    %get3A_168 = arith.constant 225280 : index
    %get3A_169 = vector.load %arg1[%get3A_168] : memref<327680xf32, #tpu.memory_space<vmem>>, vector<10240xf32>
    %add3A_170 = arith.addf %add3A_167, %get3A_169 : vector<10240xf32>
    %get3A_171 = arith.constant 235520 : index
    %get3A_172 = vector.load %arg1[%get3A_171] : memref<327680xf32, #tpu.memory_space<vmem>>, vector<10240xf32>
    %add3A_173 = arith.addf %add3A_170, %get3A_172 : vector<10240xf32>
    %get3A_174 = arith.constant 245760 : index
    %get3A_175 = vector.load %arg1[%get3A_174] : memref<327680xf32, #tpu.memory_space<vmem>>, vector<10240xf32>
    %add3A_176 = arith.addf %add3A_173, %get3A_175 : vector<10240xf32>
    %get3A_177 = arith.constant 256000 : index
    %get3A_178 = vector.load %arg1[%get3A_177] : memref<327680xf32, #tpu.memory_space<vmem>>, vector<10240xf32>
    %add3A_179 = arith.addf %add3A_176, %get3A_178 : vector<10240xf32>
    %get3A_180 = arith.constant 266240 : index
    %get3A_181 = vector.load %arg1[%get3A_180] : memref<327680xf32, #tpu.memory_space<vmem>>, vector<10240xf32>
    %add3A_182 = arith.addf %add3A_179, %get3A_181 : vector<10240xf32>
    %get3A_183 = arith.constant 276480 : index
    %get3A_184 = vector.load %arg1[%get3A_183] : memref<327680xf32, #tpu.memory_space<vmem>>, vector<10240xf32>
    %add3A_185 = arith.addf %add3A_182, %get3A_184 : vector<10240xf32>
    %get3A_186 = arith.constant 286720 : index
    %get3A_187 = vector.load %arg1[%get3A_186] : memref<327680xf32, #tpu.memory_space<vmem>>, vector<10240xf32>
    %add3A_188 = arith.addf %add3A_185, %get3A_187 : vector<10240xf32>
    %get3A_189 = arith.constant 296960 : index
    %get3A_190 = vector.load %arg1[%get3A_189] : memref<327680xf32, #tpu.memory_space<vmem>>, vector<10240xf32>
    %add3A_191 = arith.addf %add3A_188, %get3A_190 : vector<10240xf32>
    %get3A_192 = arith.constant 307200 : index
    %get3A_193 = vector.load %arg1[%get3A_192] : memref<327680xf32, #tpu.memory_space<vmem>>, vector<10240xf32>
    %add3A_194 = arith.addf %add3A_191, %get3A_193 : vector<10240xf32>
    %get3A_195 = arith.constant 317440 : index
    %get3A_196 = vector.load %arg1[%get3A_195] : memref<327680xf32, #tpu.memory_space<vmem>>, vector<10240xf32>
    %add3A_197 = arith.addf %add3A_194, %get3A_196 : vector<10240xf32>
    %get3A_198 = arith.constant 10240 : index
    %get3A_199 = vector.load %arg4[%get3A_198] : memref<40960xf32, #tpu.memory_space<vmem>>, vector<10240xf32>
    %add3A_200 = arith.addf %add3A_197, %get3A_199 : vector<10240xf32>
    %mul3A_201 = arith.mulf %get3A_0, %add3A_200 : vector<10240xf32>
    %get3A_202 = arith.constant 0 : index
    %get3A_203 = arith.constant 1 : index
    %get3A_204 = memref.load %arg6[%get3A_202, %get3A_203] : memref<1x4xf32, #tpu.memory_space<smem>>
    %add3A_205 = vector.broadcast %get3A_204 : f32 to vector<10240xf32>
    %add3A_206 = arith.addf %mul3A_201, %add3A_205 : vector<10240xf32>
    %tanh3A_207 = math.tanh %add3A_206 : vector<10240xf32>
    %get3A_208 = arith.constant 0 : index
    %get3A_209 = vector.load %arg2[%get3A_208] : memref<327680xf32, #tpu.memory_space<vmem>>, vector<10240xf32>
    %get3A_210 = arith.constant 10240 : index
    %get3A_211 = vector.load %arg2[%get3A_210] : memref<327680xf32, #tpu.memory_space<vmem>>, vector<10240xf32>
    %add3A_212 = arith.addf %get3A_209, %get3A_211 : vector<10240xf32>
    %get3A_213 = arith.constant 20480 : index
    %get3A_214 = vector.load %arg2[%get3A_213] : memref<327680xf32, #tpu.memory_space<vmem>>, vector<10240xf32>
    %add3A_215 = arith.addf %add3A_212, %get3A_214 : vector<10240xf32>
    %get3A_216 = arith.constant 30720 : index
    %get3A_217 = vector.load %arg2[%get3A_216] : memref<327680xf32, #tpu.memory_space<vmem>>, vector<10240xf32>
    %add3A_218 = arith.addf %add3A_215, %get3A_217 : vector<10240xf32>
    %get3A_219 = arith.constant 40960 : index
    %get3A_220 = vector.load %arg2[%get3A_219] : memref<327680xf32, #tpu.memory_space<vmem>>, vector<10240xf32>
    %add3A_221 = arith.addf %add3A_218, %get3A_220 : vector<10240xf32>
    %get3A_222 = arith.constant 51200 : index
    %get3A_223 = vector.load %arg2[%get3A_222] : memref<327680xf32, #tpu.memory_space<vmem>>, vector<10240xf32>
    %add3A_224 = arith.addf %add3A_221, %get3A_223 : vector<10240xf32>
    %get3A_225 = arith.constant 61440 : index
    %get3A_226 = vector.load %arg2[%get3A_225] : memref<327680xf32, #tpu.memory_space<vmem>>, vector<10240xf32>
    %add3A_227 = arith.addf %add3A_224, %get3A_226 : vector<10240xf32>
    %get3A_228 = arith.constant 71680 : index
    %get3A_229 = vector.load %arg2[%get3A_228] : memref<327680xf32, #tpu.memory_space<vmem>>, vector<10240xf32>
    %add3A_230 = arith.addf %add3A_227, %get3A_229 : vector<10240xf32>
    %get3A_231 = arith.constant 81920 : index
    %get3A_232 = vector.load %arg2[%get3A_231] : memref<327680xf32, #tpu.memory_space<vmem>>, vector<10240xf32>
    %add3A_233 = arith.addf %add3A_230, %get3A_232 : vector<10240xf32>
    %get3A_234 = arith.constant 92160 : index
    %get3A_235 = vector.load %arg2[%get3A_234] : memref<327680xf32, #tpu.memory_space<vmem>>, vector<10240xf32>
    %add3A_236 = arith.addf %add3A_233, %get3A_235 : vector<10240xf32>
    %get3A_237 = arith.constant 102400 : index
    %get3A_238 = vector.load %arg2[%get3A_237] : memref<327680xf32, #tpu.memory_space<vmem>>, vector<10240xf32>
    %add3A_239 = arith.addf %add3A_236, %get3A_238 : vector<10240xf32>
    %get3A_240 = arith.constant 112640 : index
    %get3A_241 = vector.load %arg2[%get3A_240] : memref<327680xf32, #tpu.memory_space<vmem>>, vector<10240xf32>
    %add3A_242 = arith.addf %add3A_239, %get3A_241 : vector<10240xf32>
    %get3A_243 = arith.constant 122880 : index
    %get3A_244 = vector.load %arg2[%get3A_243] : memref<327680xf32, #tpu.memory_space<vmem>>, vector<10240xf32>
    %add3A_245 = arith.addf %add3A_242, %get3A_244 : vector<10240xf32>
    %get3A_246 = arith.constant 133120 : index
    %get3A_247 = vector.load %arg2[%get3A_246] : memref<327680xf32, #tpu.memory_space<vmem>>, vector<10240xf32>
    %add3A_248 = arith.addf %add3A_245, %get3A_247 : vector<10240xf32>
    %get3A_249 = arith.constant 143360 : index
    %get3A_250 = vector.load %arg2[%get3A_249] : memref<327680xf32, #tpu.memory_space<vmem>>, vector<10240xf32>
    %add3A_251 = arith.addf %add3A_248, %get3A_250 : vector<10240xf32>
    %get3A_252 = arith.constant 153600 : index
    %get3A_253 = vector.load %arg2[%get3A_252] : memref<327680xf32, #tpu.memory_space<vmem>>, vector<10240xf32>
    %add3A_254 = arith.addf %add3A_251, %get3A_253 : vector<10240xf32>
    %get3A_255 = arith.constant 163840 : index
    %get3A_256 = vector.load %arg2[%get3A_255] : memref<327680xf32, #tpu.memory_space<vmem>>, vector<10240xf32>
    %add3A_257 = arith.addf %add3A_254, %get3A_256 : vector<10240xf32>
    %get3A_258 = arith.constant 174080 : index
    %get3A_259 = vector.load %arg2[%get3A_258] : memref<327680xf32, #tpu.memory_space<vmem>>, vector<10240xf32>
    %add3A_260 = arith.addf %add3A_257, %get3A_259 : vector<10240xf32>
    %get3A_261 = arith.constant 184320 : index
    %get3A_262 = vector.load %arg2[%get3A_261] : memref<327680xf32, #tpu.memory_space<vmem>>, vector<10240xf32>
    %add3A_263 = arith.addf %add3A_260, %get3A_262 : vector<10240xf32>
    %get3A_264 = arith.constant 194560 : index
    %get3A_265 = vector.load %arg2[%get3A_264] : memref<327680xf32, #tpu.memory_space<vmem>>, vector<10240xf32>
    %add3A_266 = arith.addf %add3A_263, %get3A_265 : vector<10240xf32>
    %get3A_267 = arith.constant 204800 : index
    %get3A_268 = vector.load %arg2[%get3A_267] : memref<327680xf32, #tpu.memory_space<vmem>>, vector<10240xf32>
    %add3A_269 = arith.addf %add3A_266, %get3A_268 : vector<10240xf32>
    %get3A_270 = arith.constant 215040 : index
    %get3A_271 = vector.load %arg2[%get3A_270] : memref<327680xf32, #tpu.memory_space<vmem>>, vector<10240xf32>
    %add3A_272 = arith.addf %add3A_269, %get3A_271 : vector<10240xf32>
    %get3A_273 = arith.constant 225280 : index
    %get3A_274 = vector.load %arg2[%get3A_273] : memref<327680xf32, #tpu.memory_space<vmem>>, vector<10240xf32>
    %add3A_275 = arith.addf %add3A_272, %get3A_274 : vector<10240xf32>
    %get3A_276 = arith.constant 235520 : index
    %get3A_277 = vector.load %arg2[%get3A_276] : memref<327680xf32, #tpu.memory_space<vmem>>, vector<10240xf32>
    %add3A_278 = arith.addf %add3A_275, %get3A_277 : vector<10240xf32>
    %get3A_279 = arith.constant 245760 : index
    %get3A_280 = vector.load %arg2[%get3A_279] : memref<327680xf32, #tpu.memory_space<vmem>>, vector<10240xf32>
    %add3A_281 = arith.addf %add3A_278, %get3A_280 : vector<10240xf32>
    %get3A_282 = arith.constant 256000 : index
    %get3A_283 = vector.load %arg2[%get3A_282] : memref<327680xf32, #tpu.memory_space<vmem>>, vector<10240xf32>
    %add3A_284 = arith.addf %add3A_281, %get3A_283 : vector<10240xf32>
    %get3A_285 = arith.constant 266240 : index
    %get3A_286 = vector.load %arg2[%get3A_285] : memref<327680xf32, #tpu.memory_space<vmem>>, vector<10240xf32>
    %add3A_287 = arith.addf %add3A_284, %get3A_286 : vector<10240xf32>
    %get3A_288 = arith.constant 276480 : index
    %get3A_289 = vector.load %arg2[%get3A_288] : memref<327680xf32, #tpu.memory_space<vmem>>, vector<10240xf32>
    %add3A_290 = arith.addf %add3A_287, %get3A_289 : vector<10240xf32>
    %get3A_291 = arith.constant 286720 : index
    %get3A_292 = vector.load %arg2[%get3A_291] : memref<327680xf32, #tpu.memory_space<vmem>>, vector<10240xf32>
    %add3A_293 = arith.addf %add3A_290, %get3A_292 : vector<10240xf32>
    %get3A_294 = arith.constant 296960 : index
    %get3A_295 = vector.load %arg2[%get3A_294] : memref<327680xf32, #tpu.memory_space<vmem>>, vector<10240xf32>
    %add3A_296 = arith.addf %add3A_293, %get3A_295 : vector<10240xf32>
    %get3A_297 = arith.constant 307200 : index
    %get3A_298 = vector.load %arg2[%get3A_297] : memref<327680xf32, #tpu.memory_space<vmem>>, vector<10240xf32>
    %add3A_299 = arith.addf %add3A_296, %get3A_298 : vector<10240xf32>
    %get3A_300 = arith.constant 317440 : index
    %get3A_301 = vector.load %arg2[%get3A_300] : memref<327680xf32, #tpu.memory_space<vmem>>, vector<10240xf32>
    %add3A_302 = arith.addf %add3A_299, %get3A_301 : vector<10240xf32>
    %get3A_303 = arith.constant 20480 : index
    %get3A_304 = vector.load %arg4[%get3A_303] : memref<40960xf32, #tpu.memory_space<vmem>>, vector<10240xf32>
    %add3A_305 = arith.addf %add3A_302, %get3A_304 : vector<10240xf32>
    %mul3A_306 = arith.mulf %get3A_0, %add3A_305 : vector<10240xf32>
    %get3A_307 = arith.constant 0 : index
    %get3A_308 = arith.constant 2 : index
    %get3A_309 = memref.load %arg6[%get3A_307, %get3A_308] : memref<1x4xf32, #tpu.memory_space<smem>>
    %add3A_310 = vector.broadcast %get3A_309 : f32 to vector<10240xf32>
    %add3A_311 = arith.addf %mul3A_306, %add3A_310 : vector<10240xf32>
    %tanh3A_312 = math.tanh %add3A_311 : vector<10240xf32>
    %get3A_313 = arith.constant 0 : index
    %get3A_314 = vector.load %arg3[%get3A_313] : memref<327680xf32, #tpu.memory_space<vmem>>, vector<10240xf32>
    %get3A_315 = arith.constant 10240 : index
    %get3A_316 = vector.load %arg3[%get3A_315] : memref<327680xf32, #tpu.memory_space<vmem>>, vector<10240xf32>
    %add3A_317 = arith.addf %get3A_314, %get3A_316 : vector<10240xf32>
    %get3A_318 = arith.constant 20480 : index
    %get3A_319 = vector.load %arg3[%get3A_318] : memref<327680xf32, #tpu.memory_space<vmem>>, vector<10240xf32>
    %add3A_320 = arith.addf %add3A_317, %get3A_319 : vector<10240xf32>
    %get3A_321 = arith.constant 30720 : index
    %get3A_322 = vector.load %arg3[%get3A_321] : memref<327680xf32, #tpu.memory_space<vmem>>, vector<10240xf32>
    %add3A_323 = arith.addf %add3A_320, %get3A_322 : vector<10240xf32>
    %get3A_324 = arith.constant 40960 : index
    %get3A_325 = vector.load %arg3[%get3A_324] : memref<327680xf32, #tpu.memory_space<vmem>>, vector<10240xf32>
    %add3A_326 = arith.addf %add3A_323, %get3A_325 : vector<10240xf32>
    %get3A_327 = arith.constant 51200 : index
    %get3A_328 = vector.load %arg3[%get3A_327] : memref<327680xf32, #tpu.memory_space<vmem>>, vector<10240xf32>
    %add3A_329 = arith.addf %add3A_326, %get3A_328 : vector<10240xf32>
    %get3A_330 = arith.constant 61440 : index
    %get3A_331 = vector.load %arg3[%get3A_330] : memref<327680xf32, #tpu.memory_space<vmem>>, vector<10240xf32>
    %add3A_332 = arith.addf %add3A_329, %get3A_331 : vector<10240xf32>
    %get3A_333 = arith.constant 71680 : index
    %get3A_334 = vector.load %arg3[%get3A_333] : memref<327680xf32, #tpu.memory_space<vmem>>, vector<10240xf32>
    %add3A_335 = arith.addf %add3A_332, %get3A_334 : vector<10240xf32>
    %get3A_336 = arith.constant 81920 : index
    %get3A_337 = vector.load %arg3[%get3A_336] : memref<327680xf32, #tpu.memory_space<vmem>>, vector<10240xf32>
    %add3A_338 = arith.addf %add3A_335, %get3A_337 : vector<10240xf32>
    %get3A_339 = arith.constant 92160 : index
    %get3A_340 = vector.load %arg3[%get3A_339] : memref<327680xf32, #tpu.memory_space<vmem>>, vector<10240xf32>
    %add3A_341 = arith.addf %add3A_338, %get3A_340 : vector<10240xf32>
    %get3A_342 = arith.constant 102400 : index
    %get3A_343 = vector.load %arg3[%get3A_342] : memref<327680xf32, #tpu.memory_space<vmem>>, vector<10240xf32>
    %add3A_344 = arith.addf %add3A_341, %get3A_343 : vector<10240xf32>
    %get3A_345 = arith.constant 112640 : index
    %get3A_346 = vector.load %arg3[%get3A_345] : memref<327680xf32, #tpu.memory_space<vmem>>, vector<10240xf32>
    %add3A_347 = arith.addf %add3A_344, %get3A_346 : vector<10240xf32>
    %get3A_348 = arith.constant 122880 : index
    %get3A_349 = vector.load %arg3[%get3A_348] : memref<327680xf32, #tpu.memory_space<vmem>>, vector<10240xf32>
    %add3A_350 = arith.addf %add3A_347, %get3A_349 : vector<10240xf32>
    %get3A_351 = arith.constant 133120 : index
    %get3A_352 = vector.load %arg3[%get3A_351] : memref<327680xf32, #tpu.memory_space<vmem>>, vector<10240xf32>
    %add3A_353 = arith.addf %add3A_350, %get3A_352 : vector<10240xf32>
    %get3A_354 = arith.constant 143360 : index
    %get3A_355 = vector.load %arg3[%get3A_354] : memref<327680xf32, #tpu.memory_space<vmem>>, vector<10240xf32>
    %add3A_356 = arith.addf %add3A_353, %get3A_355 : vector<10240xf32>
    %get3A_357 = arith.constant 153600 : index
    %get3A_358 = vector.load %arg3[%get3A_357] : memref<327680xf32, #tpu.memory_space<vmem>>, vector<10240xf32>
    %add3A_359 = arith.addf %add3A_356, %get3A_358 : vector<10240xf32>
    %get3A_360 = arith.constant 163840 : index
    %get3A_361 = vector.load %arg3[%get3A_360] : memref<327680xf32, #tpu.memory_space<vmem>>, vector<10240xf32>
    %add3A_362 = arith.addf %add3A_359, %get3A_361 : vector<10240xf32>
    %get3A_363 = arith.constant 174080 : index
    %get3A_364 = vector.load %arg3[%get3A_363] : memref<327680xf32, #tpu.memory_space<vmem>>, vector<10240xf32>
    %add3A_365 = arith.addf %add3A_362, %get3A_364 : vector<10240xf32>
    %get3A_366 = arith.constant 184320 : index
    %get3A_367 = vector.load %arg3[%get3A_366] : memref<327680xf32, #tpu.memory_space<vmem>>, vector<10240xf32>
    %add3A_368 = arith.addf %add3A_365, %get3A_367 : vector<10240xf32>
    %get3A_369 = arith.constant 194560 : index
    %get3A_370 = vector.load %arg3[%get3A_369] : memref<327680xf32, #tpu.memory_space<vmem>>, vector<10240xf32>
    %add3A_371 = arith.addf %add3A_368, %get3A_370 : vector<10240xf32>
    %get3A_372 = arith.constant 204800 : index
    %get3A_373 = vector.load %arg3[%get3A_372] : memref<327680xf32, #tpu.memory_space<vmem>>, vector<10240xf32>
    %add3A_374 = arith.addf %add3A_371, %get3A_373 : vector<10240xf32>
    %get3A_375 = arith.constant 215040 : index
    %get3A_376 = vector.load %arg3[%get3A_375] : memref<327680xf32, #tpu.memory_space<vmem>>, vector<10240xf32>
    %add3A_377 = arith.addf %add3A_374, %get3A_376 : vector<10240xf32>
    %get3A_378 = arith.constant 225280 : index
    %get3A_379 = vector.load %arg3[%get3A_378] : memref<327680xf32, #tpu.memory_space<vmem>>, vector<10240xf32>
    %add3A_380 = arith.addf %add3A_377, %get3A_379 : vector<10240xf32>
    %get3A_381 = arith.constant 235520 : index
    %get3A_382 = vector.load %arg3[%get3A_381] : memref<327680xf32, #tpu.memory_space<vmem>>, vector<10240xf32>
    %add3A_383 = arith.addf %add3A_380, %get3A_382 : vector<10240xf32>
    %get3A_384 = arith.constant 245760 : index
    %get3A_385 = vector.load %arg3[%get3A_384] : memref<327680xf32, #tpu.memory_space<vmem>>, vector<10240xf32>
    %add3A_386 = arith.addf %add3A_383, %get3A_385 : vector<10240xf32>
    %get3A_387 = arith.constant 256000 : index
    %get3A_388 = vector.load %arg3[%get3A_387] : memref<327680xf32, #tpu.memory_space<vmem>>, vector<10240xf32>
    %add3A_389 = arith.addf %add3A_386, %get3A_388 : vector<10240xf32>
    %get3A_390 = arith.constant 266240 : index
    %get3A_391 = vector.load %arg3[%get3A_390] : memref<327680xf32, #tpu.memory_space<vmem>>, vector<10240xf32>
    %add3A_392 = arith.addf %add3A_389, %get3A_391 : vector<10240xf32>
    %get3A_393 = arith.constant 276480 : index
    %get3A_394 = vector.load %arg3[%get3A_393] : memref<327680xf32, #tpu.memory_space<vmem>>, vector<10240xf32>
    %add3A_395 = arith.addf %add3A_392, %get3A_394 : vector<10240xf32>
    %get3A_396 = arith.constant 286720 : index
    %get3A_397 = vector.load %arg3[%get3A_396] : memref<327680xf32, #tpu.memory_space<vmem>>, vector<10240xf32>
    %add3A_398 = arith.addf %add3A_395, %get3A_397 : vector<10240xf32>
    %get3A_399 = arith.constant 296960 : index
    %get3A_400 = vector.load %arg3[%get3A_399] : memref<327680xf32, #tpu.memory_space<vmem>>, vector<10240xf32>
    %add3A_401 = arith.addf %add3A_398, %get3A_400 : vector<10240xf32>
    %get3A_402 = arith.constant 307200 : index
    %get3A_403 = vector.load %arg3[%get3A_402] : memref<327680xf32, #tpu.memory_space<vmem>>, vector<10240xf32>
    %add3A_404 = arith.addf %add3A_401, %get3A_403 : vector<10240xf32>
    %get3A_405 = arith.constant 317440 : index
    %get3A_406 = vector.load %arg3[%get3A_405] : memref<327680xf32, #tpu.memory_space<vmem>>, vector<10240xf32>
    %add3A_407 = arith.addf %add3A_404, %get3A_406 : vector<10240xf32>
    %get3A_408 = arith.constant 30720 : index
    %get3A_409 = vector.load %arg4[%get3A_408] : memref<40960xf32, #tpu.memory_space<vmem>>, vector<10240xf32>
    %add3A_410 = arith.addf %add3A_407, %get3A_409 : vector<10240xf32>
    %mul3A_411 = arith.mulf %get3A_0, %add3A_410 : vector<10240xf32>
    %get3A_412 = arith.constant 0 : index
    %get3A_413 = arith.constant 3 : index
    %get3A_414 = memref.load %arg6[%get3A_412, %get3A_413] : memref<1x4xf32, #tpu.memory_space<smem>>
    %add3A_415 = vector.broadcast %get3A_414 : f32 to vector<10240xf32>
    %add3A_416 = arith.addf %mul3A_411, %add3A_415 : vector<10240xf32>
    %tanh3A_417 = math.tanh %add3A_416 : vector<10240xf32>
    %get3A_418 = arith.constant 0 : index
    %get3A_419 = arith.constant 0 : index
    %get3A_420 = memref.load %arg7[%get3A_418, %get3A_419] : memref<4x4xf32, #tpu.memory_space<smem>>
    %mul3A_421 = vector.broadcast %get3A_420 : f32 to vector<10240xf32>
    %mul3A_422 = arith.mulf %mul3A_421, %tanh3A : vector<10240xf32>
    %get3A_423 = arith.constant 0 : index
    %get3A_424 = arith.constant 1 : index
    %get3A_425 = memref.load %arg7[%get3A_423, %get3A_424] : memref<4x4xf32, #tpu.memory_space<smem>>
    %mul3A_426 = vector.broadcast %get3A_425 : f32 to vector<10240xf32>
    %mul3A_427 = arith.mulf %mul3A_426, %tanh3A_207 : vector<10240xf32>
    %add3A_428 = arith.addf %mul3A_422, %mul3A_427 : vector<10240xf32>
    %get3A_429 = arith.constant 0 : index
    %get3A_430 = arith.constant 2 : index
    %get3A_431 = memref.load %arg7[%get3A_429, %get3A_430] : memref<4x4xf32, #tpu.memory_space<smem>>
    %mul3A_432 = vector.broadcast %get3A_431 : f32 to vector<10240xf32>
    %mul3A_433 = arith.mulf %mul3A_432, %tanh3A_312 : vector<10240xf32>
    %add3A_434 = arith.addf %add3A_428, %mul3A_433 : vector<10240xf32>
    %get3A_435 = arith.constant 0 : index
    %get3A_436 = arith.constant 3 : index
    %get3A_437 = memref.load %arg7[%get3A_435, %get3A_436] : memref<4x4xf32, #tpu.memory_space<smem>>
    %mul3A_438 = vector.broadcast %get3A_437 : f32 to vector<10240xf32>
    %mul3A_439 = arith.mulf %mul3A_438, %tanh3A_417 : vector<10240xf32>
    %add3A_440 = arith.addf %add3A_434, %mul3A_439 : vector<10240xf32>
    %mul3A_441 = arith.mulf %get3A_0, %add3A_440 : vector<10240xf32>
    %swap3A = arith.constant 0 : index
    %swap3A_442 = vector.load %arg8[%swap3A] : memref<40960xf32, #tpu.memory_space<vmem>>, vector<10240xf32>
    tpu.vector_store %arg8[%swap3A], %mul3A_441 {strides = array<i32>} : memref<40960xf32, #tpu.memory_space<vmem>>, vector<10240xf32>,
    %get3A_443 = arith.constant 1 : index
    %get3A_444 = arith.constant 0 : index
    %get3A_445 = memref.load %arg7[%get3A_443, %get3A_444] : memref<4x4xf32, #tpu.memory_space<smem>>
    %mul3A_446 = vector.broadcast %get3A_445 : f32 to vector<10240xf32>
    %mul3A_447 = arith.mulf %mul3A_446, %tanh3A : vector<10240xf32>
    %get3A_448 = arith.constant 1 : index
    %get3A_449 = arith.constant 1 : index
    %get3A_450 = memref.load %arg7[%get3A_448, %get3A_449] : memref<4x4xf32, #tpu.memory_space<smem>>
    %mul3A_451 = vector.broadcast %get3A_450 : f32 to vector<10240xf32>
    %mul3A_452 = arith.mulf %mul3A_451, %tanh3A_207 : vector<10240xf32>
    %add3A_453 = arith.addf %mul3A_447, %mul3A_452 : vector<10240xf32>
    %get3A_454 = arith.constant 1 : index
    %get3A_455 = arith.constant 2 : index
    %get3A_456 = memref.load %arg7[%get3A_454, %get3A_455] : memref<4x4xf32, #tpu.memory_space<smem>>
    %mul3A_457 = vector.broadcast %get3A_456 : f32 to vector<10240xf32>
    %mul3A_458 = arith.mulf %mul3A_457, %tanh3A_312 : vector<10240xf32>
    %add3A_459 = arith.addf %add3A_453, %mul3A_458 : vector<10240xf32>
    %get3A_460 = arith.constant 1 : index
    %get3A_461 = arith.constant 3 : index
    %get3A_462 = memref.load %arg7[%get3A_460, %get3A_461] : memref<4x4xf32, #tpu.memory_space<smem>>
    %mul3A_463 = vector.broadcast %get3A_462 : f32 to vector<10240xf32>
    %mul3A_464 = arith.mulf %mul3A_463, %tanh3A_417 : vector<10240xf32>
    %add3A_465 = arith.addf %add3A_459, %mul3A_464 : vector<10240xf32>
    %mul3A_466 = arith.mulf %get3A_0, %add3A_465 : vector<10240xf32>
    %swap3A_467 = arith.constant 10240 : index
    %swap3A_468 = vector.load %arg8[%swap3A_467] : memref<40960xf32, #tpu.memory_space<vmem>>, vector<10240xf32>
    tpu.vector_store %arg8[%swap3A_467], %mul3A_466 {strides = array<i32>} : memref<40960xf32, #tpu.memory_space<vmem>>, vector<10240xf32>,
    %get3A_469 = arith.constant 2 : index
    %get3A_470 = arith.constant 0 : index
    %get3A_471 = memref.load %arg7[%get3A_469, %get3A_470] : memref<4x4xf32, #tpu.memory_space<smem>>
    %mul3A_472 = vector.broadcast %get3A_471 : f32 to vector<10240xf32>
    %mul3A_473 = arith.mulf %mul3A_472, %tanh3A : vector<10240xf32>
    %get3A_474 = arith.constant 2 : index
    %get3A_475 = arith.constant 1 : index
    %get3A_476 = memref.load %arg7[%get3A_474, %get3A_475] : memref<4x4xf32, #tpu.memory_space<smem>>
    %mul3A_477 = vector.broadcast %get3A_476 : f32 to vector<10240xf32>
    %mul3A_478 = arith.mulf %mul3A_477, %tanh3A_207 : vector<10240xf32>
    %add3A_479 = arith.addf %mul3A_473, %mul3A_478 : vector<10240xf32>
    %get3A_480 = arith.constant 2 : index
    %get3A_481 = arith.constant 2 : index
    %get3A_482 = memref.load %arg7[%get3A_480, %get3A_481] : memref<4x4xf32, #tpu.memory_space<smem>>
    %mul3A_483 = vector.broadcast %get3A_482 : f32 to vector<10240xf32>
    %mul3A_484 = arith.mulf %mul3A_483, %tanh3A_312 : vector<10240xf32>
    %add3A_485 = arith.addf %add3A_479, %mul3A_484 : vector<10240xf32>
    %get3A_486 = arith.constant 2 : index
    %get3A_487 = arith.constant 3 : index
    %get3A_488 = memref.load %arg7[%get3A_486, %get3A_487] : memref<4x4xf32, #tpu.memory_space<smem>>
    %mul3A_489 = vector.broadcast %get3A_488 : f32 to vector<10240xf32>
    %mul3A_490 = arith.mulf %mul3A_489, %tanh3A_417 : vector<10240xf32>
    %add3A_491 = arith.addf %add3A_485, %mul3A_490 : vector<10240xf32>
    %mul3A_492 = arith.mulf %get3A_0, %add3A_491 : vector<10240xf32>
    %swap3A_493 = arith.constant 20480 : index
    %swap3A_494 = vector.load %arg8[%swap3A_493] : memref<40960xf32, #tpu.memory_space<vmem>>, vector<10240xf32>
    tpu.vector_store %arg8[%swap3A_493], %mul3A_492 {strides = array<i32>} : memref<40960xf32, #tpu.memory_space<vmem>>, vector<10240xf32>,
    %get3A_495 = arith.constant 3 : index
    %get3A_496 = arith.constant 0 : index
    %get3A_497 = memref.load %arg7[%get3A_495, %get3A_496] : memref<4x4xf32, #tpu.memory_space<smem>>
    %mul3A_498 = vector.broadcast %get3A_497 : f32 to vector<10240xf32>
    %mul3A_499 = arith.mulf %mul3A_498, %tanh3A : vector<10240xf32>
    %get3A_500 = arith.constant 3 : index
    %get3A_501 = arith.constant 1 : index
    %get3A_502 = memref.load %arg7[%get3A_500, %get3A_501] : memref<4x4xf32, #tpu.memory_space<smem>>
    %mul3A_503 = vector.broadcast %get3A_502 : f32 to vector<10240xf32>
    %mul3A_504 = arith.mulf %mul3A_503, %tanh3A_207 : vector<10240xf32>
    %add3A_505 = arith.addf %mul3A_499, %mul3A_504 : vector<10240xf32>
    %get3A_506 = arith.constant 3 : index
    %get3A_507 = arith.constant 2 : index
    %get3A_508 = memref.load %arg7[%get3A_506, %get3A_507] : memref<4x4xf32, #tpu.memory_space<smem>>
    %mul3A_509 = vector.broadcast %get3A_508 : f32 to vector<10240xf32>
    %mul3A_510 = arith.mulf %mul3A_509, %tanh3A_312 : vector<10240xf32>
    %add3A_511 = arith.addf %add3A_505, %mul3A_510 : vector<10240xf32>
    %get3A_512 = arith.constant 3 : index
    %get3A_513 = arith.constant 3 : index
    %get3A_514 = memref.load %arg7[%get3A_512, %get3A_513] : memref<4x4xf32, #tpu.memory_space<smem>>
    %mul3A_515 = vector.broadcast %get3A_514 : f32 to vector<10240xf32>
    %mul3A_516 = arith.mulf %mul3A_515, %tanh3A_417 : vector<10240xf32>
    %add3A_517 = arith.addf %add3A_511, %mul3A_516 : vector<10240xf32>
    %mul3A_518 = arith.mulf %get3A_0, %add3A_517 : vector<10240xf32>
    %swap3A_519 = arith.constant 30720 : index
    %swap3A_520 = vector.load %arg8[%swap3A_519] : memref<40960xf32, #tpu.memory_space<vmem>>, vector<10240xf32>
    tpu.vector_store %arg8[%swap3A_519], %mul3A_518 {strides = array<i32>} : memref<40960xf32, #tpu.memory_space<vmem>>, vector<10240xf32>,
    return
  }
}

module attributes {stable_mosaic.version = 14 : i64} {
  func.func @_lambda_(%arg0: memref<327680xf32, #tpu.memory_space<vmem>>, %arg1: memref<327680xf32, #tpu.memory_space<vmem>>, %arg2: memref<20480xf32, #tpu.memory_space<vmem>>, %arg3: memref<10240xf32, #tpu.memory_space<vmem>>, %arg4: memref<1x2xf32, #tpu.memory_space<smem>>, %arg5: memref<10x2xf32, #tpu.memory_space<smem>>, %arg6: memref<1x10xf32, #tpu.memory_space<smem>>, %arg7: memref<2x10000xf32, #tpu.memory_space<vmem>>, %arg8: memref<10x10000xf32, #tpu.memory_space<vmem>>) attributes {dimension_semantics = [], scalar_prefetch = 0 : i64, scratch_operands = 0 : i64, tpu.core_type = #tpu.core_type<tc>} {
    %get3A = arith.constant 0 : index
    %get3A_0 = vector.load %arg3[%get3A] : memref<10240xf32, #tpu.memory_space<vmem>>, vector<10240xf32>
    %get3A_1 = arith.constant 0 : index
    %get3A_2 = vector.load %arg0[%get3A_1] : memref<327680xf32, #tpu.memory_space<vmem>>, vector<10240xf32>
    %get3A_3 = arith.constant 10240 : index
    %get3A_4 = vector.load %arg0[%get3A_3] : memref<327680xf32, #tpu.memory_space<vmem>>, vector<10240xf32>
    %add3A = arith.addf %get3A_2, %get3A_4 : vector<10240xf32>
    %get3A_5 = arith.constant 20480 : index
    %get3A_6 = vector.load %arg0[%get3A_5] : memref<327680xf32, #tpu.memory_space<vmem>>, vector<10240xf32>
    %add3A_7 = arith.addf %add3A, %get3A_6 : vector<10240xf32>
    %get3A_8 = arith.constant 30720 : index
    %get3A_9 = vector.load %arg0[%get3A_8] : memref<327680xf32, #tpu.memory_space<vmem>>, vector<10240xf32>
    %add3A_10 = arith.addf %add3A_7, %get3A_9 : vector<10240xf32>
    %get3A_11 = arith.constant 40960 : index
    %get3A_12 = vector.load %arg0[%get3A_11] : memref<327680xf32, #tpu.memory_space<vmem>>, vector<10240xf32>
    %add3A_13 = arith.addf %add3A_10, %get3A_12 : vector<10240xf32>
    %get3A_14 = arith.constant 51200 : index
    %get3A_15 = vector.load %arg0[%get3A_14] : memref<327680xf32, #tpu.memory_space<vmem>>, vector<10240xf32>
    %add3A_16 = arith.addf %add3A_13, %get3A_15 : vector<10240xf32>
    %get3A_17 = arith.constant 61440 : index
    %get3A_18 = vector.load %arg0[%get3A_17] : memref<327680xf32, #tpu.memory_space<vmem>>, vector<10240xf32>
    %add3A_19 = arith.addf %add3A_16, %get3A_18 : vector<10240xf32>
    %get3A_20 = arith.constant 71680 : index
    %get3A_21 = vector.load %arg0[%get3A_20] : memref<327680xf32, #tpu.memory_space<vmem>>, vector<10240xf32>
    %add3A_22 = arith.addf %add3A_19, %get3A_21 : vector<10240xf32>
    %get3A_23 = arith.constant 81920 : index
    %get3A_24 = vector.load %arg0[%get3A_23] : memref<327680xf32, #tpu.memory_space<vmem>>, vector<10240xf32>
    %add3A_25 = arith.addf %add3A_22, %get3A_24 : vector<10240xf32>
    %get3A_26 = arith.constant 92160 : index
    %get3A_27 = vector.load %arg0[%get3A_26] : memref<327680xf32, #tpu.memory_space<vmem>>, vector<10240xf32>
    %add3A_28 = arith.addf %add3A_25, %get3A_27 : vector<10240xf32>
    %get3A_29 = arith.constant 102400 : index
    %get3A_30 = vector.load %arg0[%get3A_29] : memref<327680xf32, #tpu.memory_space<vmem>>, vector<10240xf32>
    %add3A_31 = arith.addf %add3A_28, %get3A_30 : vector<10240xf32>
    %get3A_32 = arith.constant 112640 : index
    %get3A_33 = vector.load %arg0[%get3A_32] : memref<327680xf32, #tpu.memory_space<vmem>>, vector<10240xf32>
    %add3A_34 = arith.addf %add3A_31, %get3A_33 : vector<10240xf32>
    %get3A_35 = arith.constant 122880 : index
    %get3A_36 = vector.load %arg0[%get3A_35] : memref<327680xf32, #tpu.memory_space<vmem>>, vector<10240xf32>
    %add3A_37 = arith.addf %add3A_34, %get3A_36 : vector<10240xf32>
    %get3A_38 = arith.constant 133120 : index
    %get3A_39 = vector.load %arg0[%get3A_38] : memref<327680xf32, #tpu.memory_space<vmem>>, vector<10240xf32>
    %add3A_40 = arith.addf %add3A_37, %get3A_39 : vector<10240xf32>
    %get3A_41 = arith.constant 143360 : index
    %get3A_42 = vector.load %arg0[%get3A_41] : memref<327680xf32, #tpu.memory_space<vmem>>, vector<10240xf32>
    %add3A_43 = arith.addf %add3A_40, %get3A_42 : vector<10240xf32>
    %get3A_44 = arith.constant 153600 : index
    %get3A_45 = vector.load %arg0[%get3A_44] : memref<327680xf32, #tpu.memory_space<vmem>>, vector<10240xf32>
    %add3A_46 = arith.addf %add3A_43, %get3A_45 : vector<10240xf32>
    %get3A_47 = arith.constant 163840 : index
    %get3A_48 = vector.load %arg0[%get3A_47] : memref<327680xf32, #tpu.memory_space<vmem>>, vector<10240xf32>
    %add3A_49 = arith.addf %add3A_46, %get3A_48 : vector<10240xf32>
    %get3A_50 = arith.constant 174080 : index
    %get3A_51 = vector.load %arg0[%get3A_50] : memref<327680xf32, #tpu.memory_space<vmem>>, vector<10240xf32>
    %add3A_52 = arith.addf %add3A_49, %get3A_51 : vector<10240xf32>
    %get3A_53 = arith.constant 184320 : index
    %get3A_54 = vector.load %arg0[%get3A_53] : memref<327680xf32, #tpu.memory_space<vmem>>, vector<10240xf32>
    %add3A_55 = arith.addf %add3A_52, %get3A_54 : vector<10240xf32>
    %get3A_56 = arith.constant 194560 : index
    %get3A_57 = vector.load %arg0[%get3A_56] : memref<327680xf32, #tpu.memory_space<vmem>>, vector<10240xf32>
    %add3A_58 = arith.addf %add3A_55, %get3A_57 : vector<10240xf32>
    %get3A_59 = arith.constant 204800 : index
    %get3A_60 = vector.load %arg0[%get3A_59] : memref<327680xf32, #tpu.memory_space<vmem>>, vector<10240xf32>
    %add3A_61 = arith.addf %add3A_58, %get3A_60 : vector<10240xf32>
    %get3A_62 = arith.constant 215040 : index
    %get3A_63 = vector.load %arg0[%get3A_62] : memref<327680xf32, #tpu.memory_space<vmem>>, vector<10240xf32>
    %add3A_64 = arith.addf %add3A_61, %get3A_63 : vector<10240xf32>
    %get3A_65 = arith.constant 225280 : index
    %get3A_66 = vector.load %arg0[%get3A_65] : memref<327680xf32, #tpu.memory_space<vmem>>, vector<10240xf32>
    %add3A_67 = arith.addf %add3A_64, %get3A_66 : vector<10240xf32>
    %get3A_68 = arith.constant 235520 : index
    %get3A_69 = vector.load %arg0[%get3A_68] : memref<327680xf32, #tpu.memory_space<vmem>>, vector<10240xf32>
    %add3A_70 = arith.addf %add3A_67, %get3A_69 : vector<10240xf32>
    %get3A_71 = arith.constant 245760 : index
    %get3A_72 = vector.load %arg0[%get3A_71] : memref<327680xf32, #tpu.memory_space<vmem>>, vector<10240xf32>
    %add3A_73 = arith.addf %add3A_70, %get3A_72 : vector<10240xf32>
    %get3A_74 = arith.constant 256000 : index
    %get3A_75 = vector.load %arg0[%get3A_74] : memref<327680xf32, #tpu.memory_space<vmem>>, vector<10240xf32>
    %add3A_76 = arith.addf %add3A_73, %get3A_75 : vector<10240xf32>
    %get3A_77 = arith.constant 266240 : index
    %get3A_78 = vector.load %arg0[%get3A_77] : memref<327680xf32, #tpu.memory_space<vmem>>, vector<10240xf32>
    %add3A_79 = arith.addf %add3A_76, %get3A_78 : vector<10240xf32>
    %get3A_80 = arith.constant 276480 : index
    %get3A_81 = vector.load %arg0[%get3A_80] : memref<327680xf32, #tpu.memory_space<vmem>>, vector<10240xf32>
    %add3A_82 = arith.addf %add3A_79, %get3A_81 : vector<10240xf32>
    %get3A_83 = arith.constant 286720 : index
    %get3A_84 = vector.load %arg0[%get3A_83] : memref<327680xf32, #tpu.memory_space<vmem>>, vector<10240xf32>
    %add3A_85 = arith.addf %add3A_82, %get3A_84 : vector<10240xf32>
    %get3A_86 = arith.constant 296960 : index
    %get3A_87 = vector.load %arg0[%get3A_86] : memref<327680xf32, #tpu.memory_space<vmem>>, vector<10240xf32>
    %add3A_88 = arith.addf %add3A_85, %get3A_87 : vector<10240xf32>
    %get3A_89 = arith.constant 307200 : index
    %get3A_90 = vector.load %arg0[%get3A_89] : memref<327680xf32, #tpu.memory_space<vmem>>, vector<10240xf32>
    %add3A_91 = arith.addf %add3A_88, %get3A_90 : vector<10240xf32>
    %get3A_92 = arith.constant 317440 : index
    %get3A_93 = vector.load %arg0[%get3A_92] : memref<327680xf32, #tpu.memory_space<vmem>>, vector<10240xf32>
    %add3A_94 = arith.addf %add3A_91, %get3A_93 : vector<10240xf32>
    %get3A_95 = arith.constant 0 : index
    %get3A_96 = vector.load %arg2[%get3A_95] : memref<20480xf32, #tpu.memory_space<vmem>>, vector<10240xf32>
    %add3A_97 = arith.addf %add3A_94, %get3A_96 : vector<10240xf32>
    %mul3A = arith.mulf %get3A_0, %add3A_97 : vector<10240xf32>
    %get3A_98 = arith.constant 0 : index
    %get3A_99 = arith.constant 0 : index
    %get3A_100 = memref.load %arg4[%get3A_98, %get3A_99] : memref<1x2xf32, #tpu.memory_space<smem>>
    %add3A_101 = vector.broadcast %get3A_100 : f32 to vector<10240xf32>
    %add3A_102 = arith.addf %mul3A, %add3A_101 : vector<10240xf32>
    %tanh3A = math.tanh %add3A_102 : vector<10240xf32>
    %slice3A = vector.extract_strided_slice %tanh3A {offsets = [0], sizes = [10000], strides = [1]} : vector<10240xf32> to vector<10000xf32>
    %swap3A = arith.constant 0 : index
    %swap3A_103 = arith.constant 0 : index
    %swap3A_104 = vector.load %arg7[%swap3A, %swap3A_103] : memref<2x10000xf32, #tpu.memory_space<vmem>>, vector<1x10000xf32>
    %swap3A_105 = vector.shape_cast %swap3A_104 : vector<1x10000xf32> to vector<10000xf32>
    %swap3A_106 = vector.shape_cast %slice3A : vector<10000xf32> to vector<1x10000xf32>
    tpu.vector_store %arg7[%swap3A, %swap3A_103], %swap3A_106 {strides = array<i32>} : memref<2x10000xf32, #tpu.memory_space<vmem>>, vector<1x10000xf32>,
    %get3A_107 = arith.constant 0 : index
    %get3A_108 = vector.load %arg1[%get3A_107] : memref<327680xf32, #tpu.memory_space<vmem>>, vector<10240xf32>
    %get3A_109 = arith.constant 10240 : index
    %get3A_110 = vector.load %arg1[%get3A_109] : memref<327680xf32, #tpu.memory_space<vmem>>, vector<10240xf32>
    %add3A_111 = arith.addf %get3A_108, %get3A_110 : vector<10240xf32>
    %get3A_112 = arith.constant 20480 : index
    %get3A_113 = vector.load %arg1[%get3A_112] : memref<327680xf32, #tpu.memory_space<vmem>>, vector<10240xf32>
    %add3A_114 = arith.addf %add3A_111, %get3A_113 : vector<10240xf32>
    %get3A_115 = arith.constant 30720 : index
    %get3A_116 = vector.load %arg1[%get3A_115] : memref<327680xf32, #tpu.memory_space<vmem>>, vector<10240xf32>
    %add3A_117 = arith.addf %add3A_114, %get3A_116 : vector<10240xf32>
    %get3A_118 = arith.constant 40960 : index
    %get3A_119 = vector.load %arg1[%get3A_118] : memref<327680xf32, #tpu.memory_space<vmem>>, vector<10240xf32>
    %add3A_120 = arith.addf %add3A_117, %get3A_119 : vector<10240xf32>
    %get3A_121 = arith.constant 51200 : index
    %get3A_122 = vector.load %arg1[%get3A_121] : memref<327680xf32, #tpu.memory_space<vmem>>, vector<10240xf32>
    %add3A_123 = arith.addf %add3A_120, %get3A_122 : vector<10240xf32>
    %get3A_124 = arith.constant 61440 : index
    %get3A_125 = vector.load %arg1[%get3A_124] : memref<327680xf32, #tpu.memory_space<vmem>>, vector<10240xf32>
    %add3A_126 = arith.addf %add3A_123, %get3A_125 : vector<10240xf32>
    %get3A_127 = arith.constant 71680 : index
    %get3A_128 = vector.load %arg1[%get3A_127] : memref<327680xf32, #tpu.memory_space<vmem>>, vector<10240xf32>
    %add3A_129 = arith.addf %add3A_126, %get3A_128 : vector<10240xf32>
    %get3A_130 = arith.constant 81920 : index
    %get3A_131 = vector.load %arg1[%get3A_130] : memref<327680xf32, #tpu.memory_space<vmem>>, vector<10240xf32>
    %add3A_132 = arith.addf %add3A_129, %get3A_131 : vector<10240xf32>
    %get3A_133 = arith.constant 92160 : index
    %get3A_134 = vector.load %arg1[%get3A_133] : memref<327680xf32, #tpu.memory_space<vmem>>, vector<10240xf32>
    %add3A_135 = arith.addf %add3A_132, %get3A_134 : vector<10240xf32>
    %get3A_136 = arith.constant 102400 : index
    %get3A_137 = vector.load %arg1[%get3A_136] : memref<327680xf32, #tpu.memory_space<vmem>>, vector<10240xf32>
    %add3A_138 = arith.addf %add3A_135, %get3A_137 : vector<10240xf32>
    %get3A_139 = arith.constant 112640 : index
    %get3A_140 = vector.load %arg1[%get3A_139] : memref<327680xf32, #tpu.memory_space<vmem>>, vector<10240xf32>
    %add3A_141 = arith.addf %add3A_138, %get3A_140 : vector<10240xf32>
    %get3A_142 = arith.constant 122880 : index
    %get3A_143 = vector.load %arg1[%get3A_142] : memref<327680xf32, #tpu.memory_space<vmem>>, vector<10240xf32>
    %add3A_144 = arith.addf %add3A_141, %get3A_143 : vector<10240xf32>
    %get3A_145 = arith.constant 133120 : index
    %get3A_146 = vector.load %arg1[%get3A_145] : memref<327680xf32, #tpu.memory_space<vmem>>, vector<10240xf32>
    %add3A_147 = arith.addf %add3A_144, %get3A_146 : vector<10240xf32>
    %get3A_148 = arith.constant 143360 : index
    %get3A_149 = vector.load %arg1[%get3A_148] : memref<327680xf32, #tpu.memory_space<vmem>>, vector<10240xf32>
    %add3A_150 = arith.addf %add3A_147, %get3A_149 : vector<10240xf32>
    %get3A_151 = arith.constant 153600 : index
    %get3A_152 = vector.load %arg1[%get3A_151] : memref<327680xf32, #tpu.memory_space<vmem>>, vector<10240xf32>
    %add3A_153 = arith.addf %add3A_150, %get3A_152 : vector<10240xf32>
    %get3A_154 = arith.constant 163840 : index
    %get3A_155 = vector.load %arg1[%get3A_154] : memref<327680xf32, #tpu.memory_space<vmem>>, vector<10240xf32>
    %add3A_156 = arith.addf %add3A_153, %get3A_155 : vector<10240xf32>
    %get3A_157 = arith.constant 174080 : index
    %get3A_158 = vector.load %arg1[%get3A_157] : memref<327680xf32, #tpu.memory_space<vmem>>, vector<10240xf32>
    %add3A_159 = arith.addf %add3A_156, %get3A_158 : vector<10240xf32>
    %get3A_160 = arith.constant 184320 : index
    %get3A_161 = vector.load %arg1[%get3A_160] : memref<327680xf32, #tpu.memory_space<vmem>>, vector<10240xf32>
    %add3A_162 = arith.addf %add3A_159, %get3A_161 : vector<10240xf32>
    %get3A_163 = arith.constant 194560 : index
    %get3A_164 = vector.load %arg1[%get3A_163] : memref<327680xf32, #tpu.memory_space<vmem>>, vector<10240xf32>
    %add3A_165 = arith.addf %add3A_162, %get3A_164 : vector<10240xf32>
    %get3A_166 = arith.constant 204800 : index
    %get3A_167 = vector.load %arg1[%get3A_166] : memref<327680xf32, #tpu.memory_space<vmem>>, vector<10240xf32>
    %add3A_168 = arith.addf %add3A_165, %get3A_167 : vector<10240xf32>
    %get3A_169 = arith.constant 215040 : index
    %get3A_170 = vector.load %arg1[%get3A_169] : memref<327680xf32, #tpu.memory_space<vmem>>, vector<10240xf32>
    %add3A_171 = arith.addf %add3A_168, %get3A_170 : vector<10240xf32>
    %get3A_172 = arith.constant 225280 : index
    %get3A_173 = vector.load %arg1[%get3A_172] : memref<327680xf32, #tpu.memory_space<vmem>>, vector<10240xf32>
    %add3A_174 = arith.addf %add3A_171, %get3A_173 : vector<10240xf32>
    %get3A_175 = arith.constant 235520 : index
    %get3A_176 = vector.load %arg1[%get3A_175] : memref<327680xf32, #tpu.memory_space<vmem>>, vector<10240xf32>
    %add3A_177 = arith.addf %add3A_174, %get3A_176 : vector<10240xf32>
    %get3A_178 = arith.constant 245760 : index
    %get3A_179 = vector.load %arg1[%get3A_178] : memref<327680xf32, #tpu.memory_space<vmem>>, vector<10240xf32>
    %add3A_180 = arith.addf %add3A_177, %get3A_179 : vector<10240xf32>
    %get3A_181 = arith.constant 256000 : index
    %get3A_182 = vector.load %arg1[%get3A_181] : memref<327680xf32, #tpu.memory_space<vmem>>, vector<10240xf32>
    %add3A_183 = arith.addf %add3A_180, %get3A_182 : vector<10240xf32>
    %get3A_184 = arith.constant 266240 : index
    %get3A_185 = vector.load %arg1[%get3A_184] : memref<327680xf32, #tpu.memory_space<vmem>>, vector<10240xf32>
    %add3A_186 = arith.addf %add3A_183, %get3A_185 : vector<10240xf32>
    %get3A_187 = arith.constant 276480 : index
    %get3A_188 = vector.load %arg1[%get3A_187] : memref<327680xf32, #tpu.memory_space<vmem>>, vector<10240xf32>
    %add3A_189 = arith.addf %add3A_186, %get3A_188 : vector<10240xf32>
    %get3A_190 = arith.constant 286720 : index
    %get3A_191 = vector.load %arg1[%get3A_190] : memref<327680xf32, #tpu.memory_space<vmem>>, vector<10240xf32>
    %add3A_192 = arith.addf %add3A_189, %get3A_191 : vector<10240xf32>
    %get3A_193 = arith.constant 296960 : index
    %get3A_194 = vector.load %arg1[%get3A_193] : memref<327680xf32, #tpu.memory_space<vmem>>, vector<10240xf32>
    %add3A_195 = arith.addf %add3A_192, %get3A_194 : vector<10240xf32>
    %get3A_196 = arith.constant 307200 : index
    %get3A_197 = vector.load %arg1[%get3A_196] : memref<327680xf32, #tpu.memory_space<vmem>>, vector<10240xf32>
    %add3A_198 = arith.addf %add3A_195, %get3A_197 : vector<10240xf32>
    %get3A_199 = arith.constant 317440 : index
    %get3A_200 = vector.load %arg1[%get3A_199] : memref<327680xf32, #tpu.memory_space<vmem>>, vector<10240xf32>
    %add3A_201 = arith.addf %add3A_198, %get3A_200 : vector<10240xf32>
    %get3A_202 = arith.constant 10240 : index
    %get3A_203 = vector.load %arg2[%get3A_202] : memref<20480xf32, #tpu.memory_space<vmem>>, vector<10240xf32>
    %add3A_204 = arith.addf %add3A_201, %get3A_203 : vector<10240xf32>
    %mul3A_205 = arith.mulf %get3A_0, %add3A_204 : vector<10240xf32>
    %get3A_206 = arith.constant 0 : index
    %get3A_207 = arith.constant 1 : index
    %get3A_208 = memref.load %arg4[%get3A_206, %get3A_207] : memref<1x2xf32, #tpu.memory_space<smem>>
    %add3A_209 = vector.broadcast %get3A_208 : f32 to vector<10240xf32>
    %add3A_210 = arith.addf %mul3A_205, %add3A_209 : vector<10240xf32>
    %tanh3A_211 = math.tanh %add3A_210 : vector<10240xf32>
    %slice3A_212 = vector.extract_strided_slice %tanh3A_211 {offsets = [0], sizes = [10000], strides = [1]} : vector<10240xf32> to vector<10000xf32>
    %swap3A_213 = arith.constant 1 : index
    %swap3A_214 = arith.constant 0 : index
    %swap3A_215 = vector.load %arg7[%swap3A_213, %swap3A_214] : memref<2x10000xf32, #tpu.memory_space<vmem>>, vector<1x10000xf32>
    %swap3A_216 = vector.shape_cast %swap3A_215 : vector<1x10000xf32> to vector<10000xf32>
    %swap3A_217 = vector.shape_cast %slice3A_212 : vector<10000xf32> to vector<1x10000xf32>
    tpu.vector_store %arg7[%swap3A_213, %swap3A_214], %swap3A_217 {strides = array<i32>} : memref<2x10000xf32, #tpu.memory_space<vmem>>, vector<1x10000xf32>,
    %get3A_218 = arith.constant 0 : index
    %get3A_219 = arith.constant 0 : index
    %get3A_220 = memref.load %arg5[%get3A_218, %get3A_219] : memref<10x2xf32, #tpu.memory_space<smem>>
    %mul3A_221 = vector.broadcast %get3A_220 : f32 to vector<10240xf32>
    %mul3A_222 = arith.mulf %mul3A_221, %tanh3A : vector<10240xf32>
    %get3A_223 = arith.constant 0 : index
    %get3A_224 = arith.constant 1 : index
    %get3A_225 = memref.load %arg5[%get3A_223, %get3A_224] : memref<10x2xf32, #tpu.memory_space<smem>>
    %mul3A_226 = vector.broadcast %get3A_225 : f32 to vector<10240xf32>
    %mul3A_227 = arith.mulf %mul3A_226, %tanh3A_211 : vector<10240xf32>
    %add3A_228 = arith.addf %mul3A_222, %mul3A_227 : vector<10240xf32>
    %slice3A_229 = vector.extract_strided_slice %add3A_228 {offsets = [0], sizes = [10000], strides = [1]} : vector<10240xf32> to vector<10000xf32>
    %get3A_230 = arith.constant 0 : index
    %get3A_231 = arith.constant 0 : index
    %get3A_232 = memref.load %arg6[%get3A_230, %get3A_231] : memref<1x10xf32, #tpu.memory_space<smem>>
    %add3A_233 = vector.broadcast %get3A_232 : f32 to vector<10000xf32>
    %add3A_234 = arith.addf %slice3A_229, %add3A_233 : vector<10000xf32>
    %swap3A_235 = arith.constant 0 : index
    %swap3A_236 = arith.constant 0 : index
    %swap3A_237 = vector.load %arg8[%swap3A_235, %swap3A_236] : memref<10x10000xf32, #tpu.memory_space<vmem>>, vector<1x10000xf32>
    %swap3A_238 = vector.shape_cast %swap3A_237 : vector<1x10000xf32> to vector<10000xf32>
    %swap3A_239 = vector.shape_cast %add3A_234 : vector<10000xf32> to vector<1x10000xf32>
    tpu.vector_store %arg8[%swap3A_235, %swap3A_236], %swap3A_239 {strides = array<i32>} : memref<10x10000xf32, #tpu.memory_space<vmem>>, vector<1x10000xf32>,
    %get3A_240 = arith.constant 1 : index
    %get3A_241 = arith.constant 0 : index
    %get3A_242 = memref.load %arg5[%get3A_240, %get3A_241] : memref<10x2xf32, #tpu.memory_space<smem>>
    %mul3A_243 = vector.broadcast %get3A_242 : f32 to vector<10240xf32>
    %mul3A_244 = arith.mulf %mul3A_243, %tanh3A : vector<10240xf32>
    %get3A_245 = arith.constant 1 : index
    %get3A_246 = arith.constant 1 : index
    %get3A_247 = memref.load %arg5[%get3A_245, %get3A_246] : memref<10x2xf32, #tpu.memory_space<smem>>
    %mul3A_248 = vector.broadcast %get3A_247 : f32 to vector<10240xf32>
    %mul3A_249 = arith.mulf %mul3A_248, %tanh3A_211 : vector<10240xf32>
    %add3A_250 = arith.addf %mul3A_244, %mul3A_249 : vector<10240xf32>
    %slice3A_251 = vector.extract_strided_slice %add3A_250 {offsets = [0], sizes = [10000], strides = [1]} : vector<10240xf32> to vector<10000xf32>
    %get3A_252 = arith.constant 0 : index
    %get3A_253 = arith.constant 1 : index
    %get3A_254 = memref.load %arg6[%get3A_252, %get3A_253] : memref<1x10xf32, #tpu.memory_space<smem>>
    %add3A_255 = vector.broadcast %get3A_254 : f32 to vector<10000xf32>
    %add3A_256 = arith.addf %slice3A_251, %add3A_255 : vector<10000xf32>
    %swap3A_257 = arith.constant 1 : index
    %swap3A_258 = arith.constant 0 : index
    %swap3A_259 = vector.load %arg8[%swap3A_257, %swap3A_258] : memref<10x10000xf32, #tpu.memory_space<vmem>>, vector<1x10000xf32>
    %swap3A_260 = vector.shape_cast %swap3A_259 : vector<1x10000xf32> to vector<10000xf32>
    %swap3A_261 = vector.shape_cast %add3A_256 : vector<10000xf32> to vector<1x10000xf32>
    tpu.vector_store %arg8[%swap3A_257, %swap3A_258], %swap3A_261 {strides = array<i32>} : memref<10x10000xf32, #tpu.memory_space<vmem>>, vector<1x10000xf32>,
    %get3A_262 = arith.constant 2 : index
    %get3A_263 = arith.constant 0 : index
    %get3A_264 = memref.load %arg5[%get3A_262, %get3A_263] : memref<10x2xf32, #tpu.memory_space<smem>>
    %mul3A_265 = vector.broadcast %get3A_264 : f32 to vector<10240xf32>
    %mul3A_266 = arith.mulf %mul3A_265, %tanh3A : vector<10240xf32>
    %get3A_267 = arith.constant 2 : index
    %get3A_268 = arith.constant 1 : index
    %get3A_269 = memref.load %arg5[%get3A_267, %get3A_268] : memref<10x2xf32, #tpu.memory_space<smem>>
    %mul3A_270 = vector.broadcast %get3A_269 : f32 to vector<10240xf32>
    %mul3A_271 = arith.mulf %mul3A_270, %tanh3A_211 : vector<10240xf32>
    %add3A_272 = arith.addf %mul3A_266, %mul3A_271 : vector<10240xf32>
    %slice3A_273 = vector.extract_strided_slice %add3A_272 {offsets = [0], sizes = [10000], strides = [1]} : vector<10240xf32> to vector<10000xf32>
    %get3A_274 = arith.constant 0 : index
    %get3A_275 = arith.constant 2 : index
    %get3A_276 = memref.load %arg6[%get3A_274, %get3A_275] : memref<1x10xf32, #tpu.memory_space<smem>>
    %add3A_277 = vector.broadcast %get3A_276 : f32 to vector<10000xf32>
    %add3A_278 = arith.addf %slice3A_273, %add3A_277 : vector<10000xf32>
    %swap3A_279 = arith.constant 2 : index
    %swap3A_280 = arith.constant 0 : index
    %swap3A_281 = vector.load %arg8[%swap3A_279, %swap3A_280] : memref<10x10000xf32, #tpu.memory_space<vmem>>, vector<1x10000xf32>
    %swap3A_282 = vector.shape_cast %swap3A_281 : vector<1x10000xf32> to vector<10000xf32>
    %swap3A_283 = vector.shape_cast %add3A_278 : vector<10000xf32> to vector<1x10000xf32>
    tpu.vector_store %arg8[%swap3A_279, %swap3A_280], %swap3A_283 {strides = array<i32>} : memref<10x10000xf32, #tpu.memory_space<vmem>>, vector<1x10000xf32>,
    %get3A_284 = arith.constant 3 : index
    %get3A_285 = arith.constant 0 : index
    %get3A_286 = memref.load %arg5[%get3A_284, %get3A_285] : memref<10x2xf32, #tpu.memory_space<smem>>
    %mul3A_287 = vector.broadcast %get3A_286 : f32 to vector<10240xf32>
    %mul3A_288 = arith.mulf %mul3A_287, %tanh3A : vector<10240xf32>
    %get3A_289 = arith.constant 3 : index
    %get3A_290 = arith.constant 1 : index
    %get3A_291 = memref.load %arg5[%get3A_289, %get3A_290] : memref<10x2xf32, #tpu.memory_space<smem>>
    %mul3A_292 = vector.broadcast %get3A_291 : f32 to vector<10240xf32>
    %mul3A_293 = arith.mulf %mul3A_292, %tanh3A_211 : vector<10240xf32>
    %add3A_294 = arith.addf %mul3A_288, %mul3A_293 : vector<10240xf32>
    %slice3A_295 = vector.extract_strided_slice %add3A_294 {offsets = [0], sizes = [10000], strides = [1]} : vector<10240xf32> to vector<10000xf32>
    %get3A_296 = arith.constant 0 : index
    %get3A_297 = arith.constant 3 : index
    %get3A_298 = memref.load %arg6[%get3A_296, %get3A_297] : memref<1x10xf32, #tpu.memory_space<smem>>
    %add3A_299 = vector.broadcast %get3A_298 : f32 to vector<10000xf32>
    %add3A_300 = arith.addf %slice3A_295, %add3A_299 : vector<10000xf32>
    %swap3A_301 = arith.constant 3 : index
    %swap3A_302 = arith.constant 0 : index
    %swap3A_303 = vector.load %arg8[%swap3A_301, %swap3A_302] : memref<10x10000xf32, #tpu.memory_space<vmem>>, vector<1x10000xf32>
    %swap3A_304 = vector.shape_cast %swap3A_303 : vector<1x10000xf32> to vector<10000xf32>
    %swap3A_305 = vector.shape_cast %add3A_300 : vector<10000xf32> to vector<1x10000xf32>
    tpu.vector_store %arg8[%swap3A_301, %swap3A_302], %swap3A_305 {strides = array<i32>} : memref<10x10000xf32, #tpu.memory_space<vmem>>, vector<1x10000xf32>,
    %get3A_306 = arith.constant 4 : index
    %get3A_307 = arith.constant 0 : index
    %get3A_308 = memref.load %arg5[%get3A_306, %get3A_307] : memref<10x2xf32, #tpu.memory_space<smem>>
    %mul3A_309 = vector.broadcast %get3A_308 : f32 to vector<10240xf32>
    %mul3A_310 = arith.mulf %mul3A_309, %tanh3A : vector<10240xf32>
    %get3A_311 = arith.constant 4 : index
    %get3A_312 = arith.constant 1 : index
    %get3A_313 = memref.load %arg5[%get3A_311, %get3A_312] : memref<10x2xf32, #tpu.memory_space<smem>>
    %mul3A_314 = vector.broadcast %get3A_313 : f32 to vector<10240xf32>
    %mul3A_315 = arith.mulf %mul3A_314, %tanh3A_211 : vector<10240xf32>
    %add3A_316 = arith.addf %mul3A_310, %mul3A_315 : vector<10240xf32>
    %slice3A_317 = vector.extract_strided_slice %add3A_316 {offsets = [0], sizes = [10000], strides = [1]} : vector<10240xf32> to vector<10000xf32>
    %get3A_318 = arith.constant 0 : index
    %get3A_319 = arith.constant 4 : index
    %get3A_320 = memref.load %arg6[%get3A_318, %get3A_319] : memref<1x10xf32, #tpu.memory_space<smem>>
    %add3A_321 = vector.broadcast %get3A_320 : f32 to vector<10000xf32>
    %add3A_322 = arith.addf %slice3A_317, %add3A_321 : vector<10000xf32>
    %swap3A_323 = arith.constant 4 : index
    %swap3A_324 = arith.constant 0 : index
    %swap3A_325 = vector.load %arg8[%swap3A_323, %swap3A_324] : memref<10x10000xf32, #tpu.memory_space<vmem>>, vector<1x10000xf32>
    %swap3A_326 = vector.shape_cast %swap3A_325 : vector<1x10000xf32> to vector<10000xf32>
    %swap3A_327 = vector.shape_cast %add3A_322 : vector<10000xf32> to vector<1x10000xf32>
    tpu.vector_store %arg8[%swap3A_323, %swap3A_324], %swap3A_327 {strides = array<i32>} : memref<10x10000xf32, #tpu.memory_space<vmem>>, vector<1x10000xf32>,
    %get3A_328 = arith.constant 5 : index
    %get3A_329 = arith.constant 0 : index
    %get3A_330 = memref.load %arg5[%get3A_328, %get3A_329] : memref<10x2xf32, #tpu.memory_space<smem>>
    %mul3A_331 = vector.broadcast %get3A_330 : f32 to vector<10240xf32>
    %mul3A_332 = arith.mulf %mul3A_331, %tanh3A : vector<10240xf32>
    %get3A_333 = arith.constant 5 : index
    %get3A_334 = arith.constant 1 : index
    %get3A_335 = memref.load %arg5[%get3A_333, %get3A_334] : memref<10x2xf32, #tpu.memory_space<smem>>
    %mul3A_336 = vector.broadcast %get3A_335 : f32 to vector<10240xf32>
    %mul3A_337 = arith.mulf %mul3A_336, %tanh3A_211 : vector<10240xf32>
    %add3A_338 = arith.addf %mul3A_332, %mul3A_337 : vector<10240xf32>
    %slice3A_339 = vector.extract_strided_slice %add3A_338 {offsets = [0], sizes = [10000], strides = [1]} : vector<10240xf32> to vector<10000xf32>
    %get3A_340 = arith.constant 0 : index
    %get3A_341 = arith.constant 5 : index
    %get3A_342 = memref.load %arg6[%get3A_340, %get3A_341] : memref<1x10xf32, #tpu.memory_space<smem>>
    %add3A_343 = vector.broadcast %get3A_342 : f32 to vector<10000xf32>
    %add3A_344 = arith.addf %slice3A_339, %add3A_343 : vector<10000xf32>
    %swap3A_345 = arith.constant 5 : index
    %swap3A_346 = arith.constant 0 : index
    %swap3A_347 = vector.load %arg8[%swap3A_345, %swap3A_346] : memref<10x10000xf32, #tpu.memory_space<vmem>>, vector<1x10000xf32>
    %swap3A_348 = vector.shape_cast %swap3A_347 : vector<1x10000xf32> to vector<10000xf32>
    %swap3A_349 = vector.shape_cast %add3A_344 : vector<10000xf32> to vector<1x10000xf32>
    tpu.vector_store %arg8[%swap3A_345, %swap3A_346], %swap3A_349 {strides = array<i32>} : memref<10x10000xf32, #tpu.memory_space<vmem>>, vector<1x10000xf32>,
    %get3A_350 = arith.constant 6 : index
    %get3A_351 = arith.constant 0 : index
    %get3A_352 = memref.load %arg5[%get3A_350, %get3A_351] : memref<10x2xf32, #tpu.memory_space<smem>>
    %mul3A_353 = vector.broadcast %get3A_352 : f32 to vector<10240xf32>
    %mul3A_354 = arith.mulf %mul3A_353, %tanh3A : vector<10240xf32>
    %get3A_355 = arith.constant 6 : index
    %get3A_356 = arith.constant 1 : index
    %get3A_357 = memref.load %arg5[%get3A_355, %get3A_356] : memref<10x2xf32, #tpu.memory_space<smem>>
    %mul3A_358 = vector.broadcast %get3A_357 : f32 to vector<10240xf32>
    %mul3A_359 = arith.mulf %mul3A_358, %tanh3A_211 : vector<10240xf32>
    %add3A_360 = arith.addf %mul3A_354, %mul3A_359 : vector<10240xf32>
    %slice3A_361 = vector.extract_strided_slice %add3A_360 {offsets = [0], sizes = [10000], strides = [1]} : vector<10240xf32> to vector<10000xf32>
    %get3A_362 = arith.constant 0 : index
    %get3A_363 = arith.constant 6 : index
    %get3A_364 = memref.load %arg6[%get3A_362, %get3A_363] : memref<1x10xf32, #tpu.memory_space<smem>>
    %add3A_365 = vector.broadcast %get3A_364 : f32 to vector<10000xf32>
    %add3A_366 = arith.addf %slice3A_361, %add3A_365 : vector<10000xf32>
    %swap3A_367 = arith.constant 6 : index
    %swap3A_368 = arith.constant 0 : index
    %swap3A_369 = vector.load %arg8[%swap3A_367, %swap3A_368] : memref<10x10000xf32, #tpu.memory_space<vmem>>, vector<1x10000xf32>
    %swap3A_370 = vector.shape_cast %swap3A_369 : vector<1x10000xf32> to vector<10000xf32>
    %swap3A_371 = vector.shape_cast %add3A_366 : vector<10000xf32> to vector<1x10000xf32>
    tpu.vector_store %arg8[%swap3A_367, %swap3A_368], %swap3A_371 {strides = array<i32>} : memref<10x10000xf32, #tpu.memory_space<vmem>>, vector<1x10000xf32>,
    %get3A_372 = arith.constant 7 : index
    %get3A_373 = arith.constant 0 : index
    %get3A_374 = memref.load %arg5[%get3A_372, %get3A_373] : memref<10x2xf32, #tpu.memory_space<smem>>
    %mul3A_375 = vector.broadcast %get3A_374 : f32 to vector<10240xf32>
    %mul3A_376 = arith.mulf %mul3A_375, %tanh3A : vector<10240xf32>
    %get3A_377 = arith.constant 7 : index
    %get3A_378 = arith.constant 1 : index
    %get3A_379 = memref.load %arg5[%get3A_377, %get3A_378] : memref<10x2xf32, #tpu.memory_space<smem>>
    %mul3A_380 = vector.broadcast %get3A_379 : f32 to vector<10240xf32>
    %mul3A_381 = arith.mulf %mul3A_380, %tanh3A_211 : vector<10240xf32>
    %add3A_382 = arith.addf %mul3A_376, %mul3A_381 : vector<10240xf32>
    %slice3A_383 = vector.extract_strided_slice %add3A_382 {offsets = [0], sizes = [10000], strides = [1]} : vector<10240xf32> to vector<10000xf32>
    %get3A_384 = arith.constant 0 : index
    %get3A_385 = arith.constant 7 : index
    %get3A_386 = memref.load %arg6[%get3A_384, %get3A_385] : memref<1x10xf32, #tpu.memory_space<smem>>
    %add3A_387 = vector.broadcast %get3A_386 : f32 to vector<10000xf32>
    %add3A_388 = arith.addf %slice3A_383, %add3A_387 : vector<10000xf32>
    %swap3A_389 = arith.constant 7 : index
    %swap3A_390 = arith.constant 0 : index
    %swap3A_391 = vector.load %arg8[%swap3A_389, %swap3A_390] : memref<10x10000xf32, #tpu.memory_space<vmem>>, vector<1x10000xf32>
    %swap3A_392 = vector.shape_cast %swap3A_391 : vector<1x10000xf32> to vector<10000xf32>
    %swap3A_393 = vector.shape_cast %add3A_388 : vector<10000xf32> to vector<1x10000xf32>
    tpu.vector_store %arg8[%swap3A_389, %swap3A_390], %swap3A_393 {strides = array<i32>} : memref<10x10000xf32, #tpu.memory_space<vmem>>, vector<1x10000xf32>,
    %get3A_394 = arith.constant 8 : index
    %get3A_395 = arith.constant 0 : index
    %get3A_396 = memref.load %arg5[%get3A_394, %get3A_395] : memref<10x2xf32, #tpu.memory_space<smem>>
    %mul3A_397 = vector.broadcast %get3A_396 : f32 to vector<10240xf32>
    %mul3A_398 = arith.mulf %mul3A_397, %tanh3A : vector<10240xf32>
    %get3A_399 = arith.constant 8 : index
    %get3A_400 = arith.constant 1 : index
    %get3A_401 = memref.load %arg5[%get3A_399, %get3A_400] : memref<10x2xf32, #tpu.memory_space<smem>>
    %mul3A_402 = vector.broadcast %get3A_401 : f32 to vector<10240xf32>
    %mul3A_403 = arith.mulf %mul3A_402, %tanh3A_211 : vector<10240xf32>
    %add3A_404 = arith.addf %mul3A_398, %mul3A_403 : vector<10240xf32>
    %slice3A_405 = vector.extract_strided_slice %add3A_404 {offsets = [0], sizes = [10000], strides = [1]} : vector<10240xf32> to vector<10000xf32>
    %get3A_406 = arith.constant 0 : index
    %get3A_407 = arith.constant 8 : index
    %get3A_408 = memref.load %arg6[%get3A_406, %get3A_407] : memref<1x10xf32, #tpu.memory_space<smem>>
    %add3A_409 = vector.broadcast %get3A_408 : f32 to vector<10000xf32>
    %add3A_410 = arith.addf %slice3A_405, %add3A_409 : vector<10000xf32>
    %swap3A_411 = arith.constant 8 : index
    %swap3A_412 = arith.constant 0 : index
    %swap3A_413 = vector.load %arg8[%swap3A_411, %swap3A_412] : memref<10x10000xf32, #tpu.memory_space<vmem>>, vector<1x10000xf32>
    %swap3A_414 = vector.shape_cast %swap3A_413 : vector<1x10000xf32> to vector<10000xf32>
    %swap3A_415 = vector.shape_cast %add3A_410 : vector<10000xf32> to vector<1x10000xf32>
    tpu.vector_store %arg8[%swap3A_411, %swap3A_412], %swap3A_415 {strides = array<i32>} : memref<10x10000xf32, #tpu.memory_space<vmem>>, vector<1x10000xf32>,
    %get3A_416 = arith.constant 9 : index
    %get3A_417 = arith.constant 0 : index
    %get3A_418 = memref.load %arg5[%get3A_416, %get3A_417] : memref<10x2xf32, #tpu.memory_space<smem>>
    %mul3A_419 = vector.broadcast %get3A_418 : f32 to vector<10240xf32>
    %mul3A_420 = arith.mulf %mul3A_419, %tanh3A : vector<10240xf32>
    %get3A_421 = arith.constant 9 : index
    %get3A_422 = arith.constant 1 : index
    %get3A_423 = memref.load %arg5[%get3A_421, %get3A_422] : memref<10x2xf32, #tpu.memory_space<smem>>
    %mul3A_424 = vector.broadcast %get3A_423 : f32 to vector<10240xf32>
    %mul3A_425 = arith.mulf %mul3A_424, %tanh3A_211 : vector<10240xf32>
    %add3A_426 = arith.addf %mul3A_420, %mul3A_425 : vector<10240xf32>
    %slice3A_427 = vector.extract_strided_slice %add3A_426 {offsets = [0], sizes = [10000], strides = [1]} : vector<10240xf32> to vector<10000xf32>
    %get3A_428 = arith.constant 0 : index
    %get3A_429 = arith.constant 9 : index
    %get3A_430 = memref.load %arg6[%get3A_428, %get3A_429] : memref<1x10xf32, #tpu.memory_space<smem>>
    %add3A_431 = vector.broadcast %get3A_430 : f32 to vector<10000xf32>
    %add3A_432 = arith.addf %slice3A_427, %add3A_431 : vector<10000xf32>
    %swap3A_433 = arith.constant 9 : index
    %swap3A_434 = arith.constant 0 : index
    %swap3A_435 = vector.load %arg8[%swap3A_433, %swap3A_434] : memref<10x10000xf32, #tpu.memory_space<vmem>>, vector<1x10000xf32>
    %swap3A_436 = vector.shape_cast %swap3A_435 : vector<1x10000xf32> to vector<10000xf32>
    %swap3A_437 = vector.shape_cast %add3A_432 : vector<10000xf32> to vector<1x10000xf32>
    tpu.vector_store %arg8[%swap3A_433, %swap3A_434], %swap3A_437 {strides = array<i32>} : memref<10x10000xf32, #tpu.memory_space<vmem>>, vector<1x10000xf32>,
    return
  }
}

</mosaic_0001>

<sc_bundles>
// kernel: kernel.10.cloned.1.call-start
scs
__scs_entry_jumppad:
0x0: {  	(pc) =	sbr.rel $0x88, $3  }
0x1: {  	(tag) =	ssettag $0x0;
	lr =	simm.s32 $0x1  }
0x2: {  	[smem:$0x3F97] =	sst lr;
	_ =	strace $0xD0000000  }
0x3: {  	_ = 	snop  }
0x4: {  	_ = 	snop  }
0x5: {  	_ = 	snop  }
0x6: {  	_ = 	snop  }
0x7: {  	_ = 	snop  }
__scs_overlays_trampoline_lowered:
0x8: {  	[smem:$0x3FA6] =	sst s0  }
0x9: {  	[smem:$0x3FA7] =	sst s1  }
0xa: {  	[smem:$0x3FA8] =	sst s2  }
0xb: {  	[smem:$0x3FA9] =	sst s3  }
0xc: {  	[smem:$0x3FAA] =	sst s4  }
0xd: {  	[smem:$0x3FAB] =	sst s5  }
0xe: {  	[smem:$0x3FAC] =	sst s6  }
0xf: {  	[smem:$0x3FAD] =	sst s7  }
0x10: {  	[smem:$0x3FAE] =	sst s8  }
0x11: {  	[smem:$0x3FAF] =	sst s9;
	s0 =	simm.s32 @!p0 $0x0  }
0x12: {  	s1 =	sld [smem:$0x3F95];
	s0 =	simm.s32 @p0 $0x1  }
0x13: {  	[smem:$0x3FB0] =	sst s0;
	s0 =	simm.s32 @!p1 $0x0  }
0x14: {  	s2 =	sld [smem:$0x3F94];
	s0 =	simm.s32 @p1 $0x1  }
0x15: {  	[smem:$0x3FB1] =	sst s0;
	s0 =	simm.s32 @!p2 $0x0  }
0x16: {  	s3 =	sld [smem:$0x3FDB];
	s0 =	simm.s32 @p2 $0x1  }
0x17: {  	s4 =	simm.s32 $0x1BF5;
	[smem:$0x3FB3] =	sst s0  }
0x18: {  	s0 =	sld [smem:$0x3F96];
	_ =	swait.ge [sflag:s4], $0x0  }
0x19: {  	s7 =	sld [smem:$0x3F97]  }
0x1a: {  	s8 =	sadd.s32 $0xFFFFE003, lr  }
0x1b: {  	s9 =	sadd.s32 $0xFFFFFEF7, lr;
	s5 =	simm.s32 $0xFFFFFFFF;
	p2 =	slt.u32 s8, $0xFFFFF086  }
0x1c: {  	p1 =	slt.u32 s9, $0xF7A;
	s5 =	simm.s32 @!p2 $0x0  }
0x1d: {  	s5 =	simm.s32 @p1 $0x1;
	p0 =	seq.s32 s7, s2  }
0x1e: {  	s7 =	smul.u32 @!p0 $0xF7A, s2;
	p2 =	seq.s32 @!p0 s5, $0x0  }
0x1f: {  	s9 =	smul.u32 $0xF7A, s1;
	s8 =	simm.s32 @!p0 $0x1BF5;
	p2 =	por !p2, p0  }
0x20: {  	[sflag:s8] =	ssyncset.s32 @!p0 $0xFFFFF086;
	s6 =	sadd.s32 @!p0 s3, s7;
	s7 =	simm.s32 @!p0 $0x108  }
0x21: {  	s3 =	sadd.s32 s3, s9;
	s6 =	sadd.s32 @!p0 $0x88, s6;
	s7 =	simm.s32 @p2 $0x1082  }
0x22: {  	[simem:s7], [sflag:s8] =	dma.local @!p0 [hbm:s6], $0xF7A  }
0x23: {  	s9 =	sor.u32 $0xD0000000, s2;
	s6 =	simm.s32 $0x108;
	_ =	swait.ge @!p0 [sflag:s8], $0x0  }
0x24: {  	s3 =	sadd.s32 $0x88, s3;
	s6 =	simm.s32 @!p1 $0x1082;
	[sflag:s4] =	ssyncset.s32 $0xFFFFF086  }
0x25: {  	[simem:s6], [sflag:s4] =	dma.local [hbm:s3], $0xF7A  }
0x26: {  	[smem:$0x3F97] =	sst s1;
	(tag) =	ssettag s2;
	_ =	strace s9  }
0x27: {  	s1 =	sld [smem:$0x3FA7]  }
0x28: {  	s2 =	sld [smem:$0x3FA8]  }
0x29: {  	s4 =	sld [smem:$0x3FAA]  }
0x2a: {  	p0 =	seq.s32 s5, $0x0;
	s5 =	sld [smem:$0x3FAB]  }
0x2b: {  	s6 =	sld [smem:$0x3FAC]  }
0x2c: {  	s7 =	sld [smem:$0x3FAD]  }
0x2d: {  	s3 =	simm.s32 $0x108;
	s8 =	sld [smem:$0x3FAE]  }
0x2e: {  	s3 =	simm.s32 @!p0 $0x1082;
	s9 =	sld [smem:$0x3FAF]  }
0x2f: {  	lr =	sadd.s32 s0, s3;
	s0 =	sld [smem:$0x3FA6]  }
0x30: {  	s3 =	sld [smem:$0x3FA9]  }
0x31: {  	[smem:$0x3FB2] =	sst s10  }
0x32: {  	s10 =	sld [smem:$0x3FB0];
	_ =	sdelay $0x3  }
0x33: {  	p0 =	seq.s32 s10, $0x1;
	s10 =	sld [smem:$0x3FB2];
	_ =	sdelay $0x3  }
0x34: {  	[smem:$0x3FB2] =	sst s10  }
0x35: {  	s10 =	sld [smem:$0x3FB1];
	_ =	sdelay $0x3  }
0x36: {  	p1 =	seq.s32 s10, $0x1;
	s10 =	sld [smem:$0x3FB2];
	_ =	sdelay $0x3  }
0x37: {  	[smem:$0x3FB2] =	sst s10  }
0x38: {  	s10 =	sld [smem:$0x3FB3]  }
0x39: {  	_ = 	snop;
	(pc) =	sbr.ind lr, $3  }
0x3a: {  	_ = 	snop  }
0x3b: {  	_ = 	snop  }
0x3c: {  	p2 =	seq.s32 s10, $0x1;
	s10 =	sld [smem:$0x3FB2]  }
0x3d: {  	_ =	shalt  }
0x3e: {  	_ =	shalt  }
0x3f: {  	_ =	shalt  }
0x40: {  	_ =	shalt  }
0x41: {  	_ =	shalt  }
0x42: {  	_ =	shalt  }
0x43: {  	_ =	shalt  }
0x44: {  	_ =	shalt  }
0x45: {  	_ =	shalt  }
0x46: {  	_ =	shalt  }
0x47: {  	_ =	shalt  }
0x48: {  	_ =	shalt  }
0x49: {  	_ =	shalt  }
0x4a: {  	_ =	shalt  }
0x4b: {  	_ =	shalt  }
0x4c: {  	_ =	shalt  }
0x4d: {  	_ =	shalt  }
0x4e: {  	_ =	shalt  }
0x4f: {  	_ =	shalt  }
0x50: {  	_ =	shalt  }
0x51: {  	_ =	shalt  }
0x52: {  	_ =	shalt  }
0x53: {  	_ =	shalt  }
0x54: {  	_ =	shalt  }
0x55: {  	_ =	shalt  }
0x56: {  	_ =	shalt  }
0x57: {  	_ =	shalt  }
0x58: {  	_ =	shalt  }
0x59: {  	_ =	shalt  }
0x5a: {  	_ =	shalt  }
0x5b: {  	_ =	shalt  }
0x5c: {  	_ =	shalt  }
0x5d: {  	_ =	shalt  }
0x5e: {  	_ =	shalt  }
0x5f: {  	_ =	shalt  }
0x60: {  	_ =	shalt  }
0x61: {  	_ =	shalt  }
0x62: {  	_ =	shalt  }
0x63: {  	_ =	shalt  }
0x64: {  	_ =	shalt  }
0x65: {  	_ =	shalt  }
0x66: {  	_ =	shalt  }
0x67: {  	_ =	shalt  }
0x68: {  	_ =	shalt  }
0x69: {  	_ =	shalt  }
0x6a: {  	_ =	shalt  }
0x6b: {  	_ =	shalt  }
0x6c: {  	_ =	shalt  }
0x6d: {  	_ =	shalt  }
0x6e: {  	_ =	shalt  }
0x6f: {  	_ =	shalt  }
0x70: {  	_ =	shalt  }
0x71: {  	_ =	shalt  }
0x72: {  	_ =	shalt  }
0x73: {  	_ =	shalt  }
0x74: {  	_ =	shalt  }
0x75: {  	_ =	shalt  }
0x76: {  	_ =	shalt  }
0x77: {  	_ =	shalt  }
0x78: {  	_ =	shalt  }
0x79: {  	_ =	shalt  }
0x7a: {  	_ =	shalt  }
0x7b: {  	_ =	shalt  }
0x7c: {  	_ =	shalt  }
0x7d: {  	_ =	shalt  }
0x7e: {  	_ =	shalt  }
0x7f: {  	_ =	shalt  }
0x80: {  	_ =	shalt  }
0x81: {  	_ =	shalt  }
0x82: {  	_ =	shalt  }
0x83: {  	_ =	shalt  }
0x84: {  	_ =	shalt  }
0x85: {  	_ =	shalt  }
0x86: {  	_ =	shalt  }
0x87: {  	_ =	shalt  }
.Lfunc_end0:
.L_simem_size_0:
called_computation_lowered:
.L_overlay_start_0:
0x88: {  	s2 =	sld [smem:$0x3FD9]  }
0x89: {  	s3 =	sld [smem:$0x3FFE];
	_ =	sdelay $0x1  }
0x8a: {  	s1 =	srdreg.scid  }
0x8b: {  	s0 =	sand.u32 $0x1, s1  }
0x8c: {  	s17 =	sshll.u32 s0, $0xA;
	s2 =	sadd.s32 s3, s2  }
0x8d: {  	s2 =	sadd.s32 s2, s17  }
0x8e: {  	[smem:$0x3FBE] =	sst s2  }
0x8f: {  	_ = 	snop  }
0x90: {  	s2 =	sld [smem:$0x3FC8];
	(tm) =	ssettm $0x1  }
0x91: {  	s18 =	sld [smem:$0x3FFB];
	_ =	sdelay $0x3  }
0x92: {  	_ =	strace s18  }
0x93: {  	s3 =	sld [smem:$0x3FFC];
	_ =	sdelay $0x3  }
0x94: {  	_ =	strace s3  }
0x95: {  	s3 =	sld [smem:$0x3FFD];
	_ =	sdelay $0x3  }
0x96: {  	_ =	strace s3  }
0x97: {  	_ =	strace $0x8FFFFFFF  }
0x98: {  	s19 =	sld [smem:$0x3FDB];
	_ =	sdelay $0x1  }
0x99: {  	s4 =	simm.s32 $_scs_section_size  }
0x9a: {  	s5 =	simm.s32 $_size__tile_overlayer_lowered;
	s6 =	simm.s32 $_tile_overlayer_lowered  }
0x9b: {  	s22 =	simm.s32 $0x1BFF;
	s21 =	sshll.u32 s6, $0x1;
	s3 =	sadd.s32 s4, s19  }
0x9c: {  	s7 =	simm.s32 $0x0;
	s20 =	sshll.u32 s5, $0x1;
	s5 =	sadd.s32 s21, s3  }
0x9d: {  	[timem:s7], [sflag:s22] =	dma.local [hbm:s5], s20  }
0x9e: {  	_ =	swait.ge [sflag:s22], s20  }
0x9f: {  	s4 =	ssub.s32 $0x0, s20;
	[sflag:s22] =	ssyncset.done $0x0  }
0xa0: {  	[sflag:s22] =	ssyncadd.s32 s4;
	_ =	sdelay $0x1  }
0xa1: {  	s23 =	simm.s32 $0x1B8B  }
0xa2: {  	_ =	swait.ge [sflag:s23], $0x1  }
0xa3: {  	[sflag:s23] =	ssyncset.done $0x0  }
0xa4: {  	s25 =	simm.s32 $0x1B8E;
	s24 =	sld [smem:$0x3FFE];
	[sflag:s23] =	ssyncadd.s32 $0xFFFFFFFF  }
0xa5: {  	s26 =	simm.s32 $execute0_lowered;
	[smem:$0x3FD2] =	sst s25  }
0xa6: {  	s5 =	sshll.u32 s26, $0x1;
	_ =	strace $0x80000046;
	[dreg:$0x1] =	wrdreg $0xFFFFFFFF  }
0xa7: {  	s28 =	simm.s32 $_size_execute0_lowered;
	s3 =	sadd.s32 s3, s5;
	[dreg:$0x0] =	wrdreg $0x0  }
0xa8: {  	s5 =	sshll.u32 s28, $0x1;
	[dreg:$0x2] =	wrdreg s3  }
0xa9: {  	[dreg:$0x3] =	wrdreg s5  }
0xaa: {  	[dreg:$0x4] =	wrdreg $0xC0  }
0xab: {  	_ =	task [dreg:s7], $0x5FFFF  }
0xac: {  	[dreg:$0x1] =	wrdreg $0xFFFFFFFF  }
0xad: {  	[dreg:$0x0] =	wrdreg $0x60  }
0xae: {  	[dreg:$0x2] =	wrdreg s2  }
0xaf: {  	[dreg:$0x3] =	wrdreg s24  }
0xb0: {  	[dreg:$0x4] =	wrdreg $0x9  }
0xb1: {  	_ =	task.clear_ibuf [dreg:s7], $0x5FFFF;
	_ =	strace $0x90000046  }
0xb2: {  	s29 =	simm.s32 $0x9;
	_ =	strace $0x80000048  }
0xb3: {  	_ =	swait.ge [sflag:s29], $0x1  }
0xb4: {  	[sflag:s29] =	ssyncadd.s32 $0xFFFFFFFF  }
0xb5: {  	_ =	strace $0x90000048  }
0xb6: {  	_ =	sfence  }
0xb7: {  	s30 =	sld [smem:$0x0];
	_ =	sdelay $0x2  }
0xb8: {  	s31 =	sshll.u32 s1, $0xD;
	s1 =	sshrl.u32 s1, $0x2  }
0xb9: {  	s3 =	sand.u32 $0x4000, s31;
	s1 =	sadd.s32 s1, s30  }
0xba: {  	s0 =	sor.u32 s3, s0;
	s1 =	sshll.u32 s1, $0x11  }
0xbb: {  	s0 =	sor.u32 s1, s0  }
0xbc: {  	s0 =	sadd.s32 $0x8F2B, s0  }
0xbd: {  	[sflag:s0] =	ssyncadd.remote.s32 $0x1  }
0xbe: {  	_ =	sfence.sel $0xFFFF  }
0xbf: {  	[dreg:$0x0] =	wrdreg $0xFFFFFFFF;
	(pc) =	sbr.abs _section_cstart, $3  }
0xc0: {  	[dreg:$0x1] =	wrdreg $0xFFFFFFFF  }
0xc1: {  	_ =	task.clear_ibuf [dreg:s7], $0x2FFFF;
	_ =	strace $0x9FFFFFFF  }
0xc2: {  	(tm) =	ssettm $0x7FFFFFFF  }
0xc3: {  	_ =	shalt  }
tec
execute0_lowered:
.L_overlay_start_1:
0x0: {  	(tag) =	ssettag $0x1  }
0x1: {  	s1 =	srdreg.scid;
	s0 =	stileid.u32  }
0x2: {  	s3 =	rddreg [dreg:$0x0];
	s10 =	smul.u32 $0x4E20, s0  }
0x3: {  	s4 =	rddreg [dreg:$0x1];
	s6 =	sand.u32 $0x1, s1;
	s30 =	smul.u32 $0x9C40, s0  }
0x4: {  	s2 =	simm.s32 $0x0;
	s23 =	sshll.u32 s0, $0x1;
	s12 =	smul.u32 $0x2710, s6  }
0x5: {  	s1 =	rddreg [dreg:$0x2];
	s5 =	sor.u32 s6, s23;
	s28 =	smul.u32 $0x4E20, s6  }
0x6: {  	[smem:$0x7FF] =	sst s2;
	s24 =	ssub.s32 $0x2, s6;
	s7 =	smul.u32 $0x500, s5  }
0x7: {  	_ =	strace $0x80000047;
	s5 =	smul.u32 $0x2710, s5;
	s9 =	sshrl.u32 s24, $0x1  }
0x8: {  	s9 =	ssub.s32 s24, s9;
	s26 =	sadd.s32 s12, s10;
	[dreg:$0x3] =	wrdreg s28  }
0x9: {  	s10 =	simm.s32 $0x1;
	s12 =	simm.s32 $0x0;
	s8 =	sand.u32 $0x7FF80, s5  }
0xa: {  	s7 =	sadd.s32 s7, s4;
	s4 =	sand.u32 $0x70, s5;
	s8 =	smin.u32 s8, $0x4BA00  }
0xb: {  	s29 =	sand.u32 $0xFFF80, s26;
	s11 =	sshrl.u32 s8, $0x2;
	s8 =	ssub.s32 s5, s8  }
0xc: {  	s6 =	sadd.s32 $0x5A00, s7;
	s7 =	smax.u32 s9, $0x1;
	s8 =	sshll.u32 s8, $0x1  }
0xd: {  	s3 =	sadd.s32 s3, s11;
	s11 =	smin.u32 s29, $0x4BA00;
	s25 =	sand.u32 $0xFFFFFF00, s8  }
0xe: {  	s31 =	sshll.u32 s11, $0x1;
	s11 =	ssub.s32 s26, s11;
	s5 =	sor.u32 s4, s25  }
0xf: {  	v0 =	vimm.f32 $0.0e+00;
	v1 =	vimm.f32 $1.000000000e+00;
	s8 =	ssub.s32 s30, s31;
	s9 =	sadd.s32 $0x70, s11;
	s11 =	simm.s32 $0x5000  }
.LBB2_1:
0x10: {  	[tilespmem:s2], [sflag:$0x1] =	stream.linear.gather [hbm4b:s3+s2], $0x5000, $0x38;
	[tilespmem:$0x7800] =	vst v63  }
0x11: {  	_ =	swait.ge [sflag:s10], $0x5000  }
0x12: {  	[sflag:s10] =	ssyncset.done $0x0  }
0x13: {  	s13 =	simm.s32 $0x5040;
	[sflag:s10] =	ssyncadd.s32 $0xFFFFB000  }
0x14: {  	[tilespmem:s13+$0xFFFFFFC0] =	vst v0  }
0x15: {  	[tilespmem:s13+$0x30] =	vst v0  }
0x16: {  	[tilespmem:s13+$0x20] =	vst v0  }
0x17: {  	[tilespmem:s13+$0x10] =	vst v0  }
0x18: {  	[tilespmem:s13+$0x0] =	vst v0  }
0x19: {  	[tilespmem:s13+$0xFFFFFFF0] =	vst v0  }
0x1a: {  	s14 =	simm.s32 $0x0;
	[tilespmem:s13+$0xFFFFFFE0] =	vst v0  }
.LBB2_2:
0x1b: {  	s14 =	sadd.s32 $0x8, s14;
	[tilespmem:s13+$0xFFFFFFD0] =	vst v0;
	s13 =	sadd.s32 $0x80, s13  }
0x1c: {  	[tilespmem:s13+$0xFFFFFFC0] =	vst v0;
	p0 =	slt.u32 s14, $0x278  }
0x1d: {  	[tilespmem:s13+$0x30] =	vst v0  }
.Ltmp0:
0x1e: {  	[tilespmem:s13+$0x20] =	vst v0;
	(pc) =	sbr.rel @p0 .LBB2_2-.Ltmp0, $4  }
0x1f: {  	[tilespmem:s13+$0x10] =	vst v0  }
0x20: {  	[tilespmem:s13+$0x0] =	vst v0  }
0x21: {  	[tilespmem:s13+$0xFFFFFFF0] =	vst v0  }
0x22: {  	[tilespmem:s13+$0xFFFFFFE0] =	vst v0  }
0x23: {  	[tilespmem:s13+$0xFFFFFFD0] =	vst v0  }
0x24: {  	s13 =	rddreg [dreg:$0x3]  }
0x25: {  	s18 =	sand.u32 $0x70, s9;
	s31 =	sadd.s32 $0xFFFFFFA0, s9;
	s14 =	sadd.s32 s8, s13  }
0x26: {  	s23 =	sadd.s32 $0xFFFFFFB0, s9;
	s24 =	sadd.s32 $0xFFFFFFC0, s9;
	s16 =	sadd.s32 $0xE0, s14  }
0x27: {  	s25 =	sadd.s32 $0xFFFFFFD0, s9;
	s26 =	sadd.s32 $0xFFFFFFE0, s9;
	s16 =	sand.u32 $0xFFFFFF00, s16  }
0x28: {  	s28 =	sadd.s32 $0xFFFFFFF0, s9;
	s23 =	sand.u32 $0x70, s23;
	s16 =	sor.u32 s18, s16  }
0x29: {  	s24 =	sand.u32 $0x70, s24;
	s25 =	sand.u32 $0x70, s25;
	s26 =	sand.u32 $0x70, s26;
	v2 =	vld [tilespmem:s16+$0x80]  }
0x2a: {  	s13 =	simm.s32 $0x0;
	s15 =	sadd.s32 $0x20, s14;
	s17 =	sadd.s32 $0x40, s14  }
0x2b: {  	s19 =	sadd.s32 $0x60, s14;
	s20 =	sadd.s32 $0x80, s14;
	s21 =	sadd.s32 $0xA0, s14  }
0x2c: {  	s22 =	sadd.s32 $0xC0, s14;
	s15 =	sand.u32 $0xFFFFFF00, s15;
	s17 =	sand.u32 $0xFFFFFF00, s17  }
0x2d: {  	s19 =	sand.u32 $0xFFFFFF00, s19;
	s29 =	sand.u32 $0xFFFFFF00, s20;
	s30 =	sand.u32 $0xFFFFFF00, s22  }
0x2e: {  	s18 =	sand.u32 $0x70, s31;
	s31 =	sand.u32 $0x70, s28;
	s20 =	sor.u32 s24, s19  }
0x2f: {  	s19 =	sor.u32 s25, s29;
	s16 =	sand.u32 $0xFFFFFF00, s14;
	s14 =	sand.u32 $0xFFFFFF00, s21  }
0x30: {  	s22 =	sor.u32 s18, s15;
	s21 =	sor.u32 s23, s17;
	s17 =	sor.u32 s31, s30  }
0x31: {  	s15 =	smov.u32 s9;
	s18 =	sor.u32 s26, s14;
	s14 =	smov.u32 s8;
	[tilespmem:v2+s11+$0x0] =	vst.idx.add.f32.msk $0xffff, v1  }
.LBB2_4:
0x32: {  	v2 =	vld [tilespmem:s22+$0x80]  }
0x33: {  	s23 =	rddreg [dreg:$0x3];
	v3 =	vld [tilespmem:s21+$0x80]  }
0x34: {  	s13 =	sadd.s32 $0x8, s13;
	s16 =	sor.u32 s16, s4;
	v4 =	vld [tilespmem:s20+$0x80];
	s14 =	sadd.s32 $0x100, s14  }
0x35: {  	v5 =	vld [tilespmem:s19+$0x80];
	s15 =	sadd.s32 $0x80, s15;
	p0 =	slt.u32 s13, $0x268;
	s20 =	sadd.s32 s14, s23  }
0x36: {  	v6 =	vld [tilespmem:s18+$0x80];
	s30 =	sand.u32 $0x70, s15;
	s31 =	sadd.s32 $0xFFFFFFA0, s15;
	s29 =	sadd.s32 $0xE0, s20  }
0x37: {  	v7 =	vld [tilespmem:s17+$0x80];
	s26 =	sadd.s32 $0xFFFFFFC0, s15;
	s28 =	sadd.s32 $0xFFFFFFD0, s15;
	s21 =	sand.u32 $0xFFFFFF00, s29  }
0x38: {  	v8 =	vld [tilespmem:s16+$0x80];
	s19 =	sadd.s32 $0x20, s20;
	s18 =	sadd.s32 $0x40, s20;
	s21 =	sor.u32 s30, s21  }
0x39: {  	s17 =	sadd.s32 $0x60, s20;
	s23 =	sadd.s32 $0x80, s20;
	s24 =	sadd.s32 $0xA0, s20;
	v9 =	vld [tilespmem:s21+$0x80]  }
0x3a: {  	s25 =	sadd.s32 $0xC0, s20;
	s16 =	sand.u32 $0xFFFFFF00, s20;
	s31 =	sand.u32 $0x70, s31;
	[tilespmem:v2+s11+$0x0] =	vst.idx.add.f32.msk $0xffff, v1  }
0x3b: {  	s26 =	sand.u32 $0x70, s26;
	s28 =	sand.u32 $0x70, s28;
	s19 =	sand.u32 $0xFFFFFF00, s19;
	[tilespmem:v3+s11+$0x0] =	vst.idx.add.f32.msk $0xffff, v1  }
0x3c: {  	s29 =	sadd.s32 $0xFFFFFFE0, s15;
	s18 =	sand.u32 $0xFFFFFF00, s18;
	s17 =	sand.u32 $0xFFFFFF00, s17;
	[tilespmem:v4+s11+$0x0] =	vst.idx.add.f32.msk $0xffff, v1  }
.Ltmp1:
0x3d: {  	s23 =	sand.u32 $0xFFFFFF00, s23;
	s24 =	sand.u32 $0xFFFFFF00, s24;
	[tilespmem:v5+s11+$0x0] =	vst.idx.add.f32.msk $0xffff, v1;
	(pc) =	sbr.rel @p0 .LBB2_4-.Ltmp1, $4  }
0x3e: {  	s25 =	sand.u32 $0xFFFFFF00, s25;
	s30 =	sadd.s32 $0xFFFFFFF0, s15;
	s29 =	sand.u32 $0x70, s29;
	[tilespmem:v6+s11+$0x0] =	vst.idx.add.f32.msk $0xffff, v1  }
0x3f: {  	s22 =	sor.u32 s31, s19;
	s20 =	sor.u32 s26, s17;
	s21 =	sadd.s32 $0xFFFFFFB0, s15;
	[tilespmem:v7+s11+$0x0] =	vst.idx.add.f32.msk $0xffff, v1  }
0x40: {  	s19 =	sor.u32 s28, s23;
	s30 =	sand.u32 $0x70, s30;
	s21 =	sand.u32 $0x70, s21;
	[tilespmem:v8+s11+$0x0] =	vst.idx.add.f32.msk $0xffff, v1  }
0x41: {  	s17 =	sor.u32 s30, s25;
	s21 =	sor.u32 s21, s18;
	s18 =	sor.u32 s29, s24;
	[tilespmem:v9+s11+$0x0] =	vst.idx.add.f32.msk $0xffff, v1  }
0x42: {  	v2 =	vld [tilespmem:s22+$0x80]  }
0x43: {  	v3 =	vld [tilespmem:s21+$0x80]  }
0x44: {  	v4 =	vld [tilespmem:s20+$0x80]  }
0x45: {  	v5 =	vld [tilespmem:s19+$0x80]  }
0x46: {  	v6 =	vld [tilespmem:s18+$0x80]  }
0x47: {  	s13 =	sor.u32 s16, s4;
	v7 =	vld [tilespmem:s17+$0x80]  }
0x48: {  	v8 =	vld [tilespmem:s13+$0x80];
	_ =	sdelay $0x1  }
0x49: {  	[tilespmem:v2+s11+$0x0] =	vst.idx.add.f32.msk $0xffff, v1  }
0x4a: {  	[tilespmem:v3+s11+$0x0] =	vst.idx.add.f32.msk $0xffff, v1  }
0x4b: {  	[tilespmem:v4+s11+$0x0] =	vst.idx.add.f32.msk $0xffff, v1  }
0x4c: {  	[tilespmem:v5+s11+$0x0] =	vst.idx.add.f32.msk $0xffff, v1  }
0x4d: {  	[tilespmem:v6+s11+$0x0] =	vst.idx.add.f32.msk $0xffff, v1  }
0x4e: {  	[tilespmem:v7+s11+$0x0] =	vst.idx.add.f32.msk $0xffff, v1  }
0x4f: {  	[tilespmem:v8+s11+$0x0] =	vst.idx.add.f32.msk $0xffff, v1  }
0x50: {  	v2 =	vld [tilespmem:s5+$0x4E80];
	_ =	sdelay $0x5  }
0x51: {  	s12 =	sadd.s32 $0x1, s12  }
0x52: {  	p0 =	sne.s32 s12, s7  }
.Ltmp2:
0x53: {  	[tilespmem:v2+s11+$0x0] =	vst.idx.add.f32.msk $0xffff, v1;
	(pc) =	sbr.rel @p0 .LBB2_1-.Ltmp2, $4  }
0x54: {  	[hbm4b:s6+s2] =	stream.linear.scatter [tilespmem:s11], [sflag:$0x1], $0x2800, $0x38;
	[tilespmem:$0x7800] =	vst v63  }
0x55: {  	_ =	swait.ge [sflag:s10], $0x2800  }
0x56: {  	[sflag:s10] =	ssyncset.done $0x0  }
0x57: {  	[sflag:s10] =	ssyncadd.s32 $0xFFFFD800  }
0x58: {  	_ =	sfence.sel $0x180000  }
0x59: {  	[bflag:$0x0] =	sbarrier.arrive $0xFFFF  }
0x5a: {  	p0 =	sne.s32 s0, $0x0;
	_ =	strace $0x90000047  }
0x5b: {  	s0 =	sadd.s32 @!p0 $0x100000, s1;
	[bflag:$0x2] =	sbarrier.arrive $0xFFFF  }
0x5c: {  	[sflag:s0] =	ssyncadd.tile.s32 @!p0 $0x1;
	_ =	shalt  }
.Lfunc_end2:
_tile_overlayer_lowered:
.L_overlay_start_2:
0x5d: {  	(tag) =	ssettag $0x2  }
0x5e: {  	s0 =	rddreg [dreg:$0x0];
	s2 =	stileid.u32  }
0x5f: {  	s1 =	rddreg [dreg:$0x1];
	p0 =	sne.s32 s2, $0x0  }
0x60: {  	s3 =	rddreg [dreg:$0x2];
	[bflag:$0x3] =	sbarrier.arrive $0xFFFF;
	s2 =	simm.s32 @!p0 $0x1C01  }
0x61: {  	[timem:s3], [sflag:s2] =	dma.local @!p0 [hbm:s0], s1  }
0x62: {  	s0 =	simm.s32 @!p0 $0x1  }
0x63: {  	_ =	swait.ge @!p0 [sflag:s0], s1  }
0x64: {  	s1 =	ssub.s32 @!p0 $0x0, s1;
	[sflag:s0] =	ssyncset.done @!p0 $0x0  }
0x65: {  	[sflag:s0] =	ssyncadd.s32 @!p0 s1  }
0x66: {  	[bflag:$0x3] =	sbarrier.arrive $0xFFFF  }
0x67: {  	_ =	shalt  }

// kernel: kernel.13.cloned.1.call-start
scs
__scs_entry_jumppad:
0x0: {  	(pc) =	sbr.rel $0x88, $3  }
0x1: {  	(tag) =	ssettag $0x0;
	lr =	simm.s32 $0x1  }
0x2: {  	[smem:$0x3F97] =	sst lr;
	_ =	strace $0xD0000000  }
0x3: {  	_ = 	snop  }
0x4: {  	_ = 	snop  }
0x5: {  	_ = 	snop  }
0x6: {  	_ = 	snop  }
0x7: {  	_ = 	snop  }
__scs_overlays_trampoline_lowered:
0x8: {  	[smem:$0x3FA6] =	sst s0  }
0x9: {  	[smem:$0x3FA7] =	sst s1  }
0xa: {  	[smem:$0x3FA8] =	sst s2  }
0xb: {  	[smem:$0x3FA9] =	sst s3  }
0xc: {  	[smem:$0x3FAA] =	sst s4  }
0xd: {  	[smem:$0x3FAB] =	sst s5  }
0xe: {  	[smem:$0x3FAC] =	sst s6  }
0xf: {  	[smem:$0x3FAD] =	sst s7  }
0x10: {  	[smem:$0x3FAE] =	sst s8  }
0x11: {  	[smem:$0x3FAF] =	sst s9;
	s0 =	simm.s32 @!p0 $0x0  }
0x12: {  	s1 =	sld [smem:$0x3F95];
	s0 =	simm.s32 @p0 $0x1  }
0x13: {  	[smem:$0x3FB0] =	sst s0;
	s0 =	simm.s32 @!p1 $0x0  }
0x14: {  	s2 =	sld [smem:$0x3F94];
	s0 =	simm.s32 @p1 $0x1  }
0x15: {  	[smem:$0x3FB1] =	sst s0;
	s0 =	simm.s32 @!p2 $0x0  }
0x16: {  	s3 =	sld [smem:$0x3FDB];
	s0 =	simm.s32 @p2 $0x1  }
0x17: {  	s4 =	simm.s32 $0x1BF5;
	[smem:$0x3FB3] =	sst s0  }
0x18: {  	s0 =	sld [smem:$0x3F96];
	_ =	swait.ge [sflag:s4], $0x0  }
0x19: {  	s7 =	sld [smem:$0x3F97]  }
0x1a: {  	s8 =	sadd.s32 $0xFFFFE003, lr  }
0x1b: {  	s9 =	sadd.s32 $0xFFFFFEF7, lr;
	s5 =	simm.s32 $0xFFFFFFFF;
	p2 =	slt.u32 s8, $0xFFFFF086  }
0x1c: {  	p1 =	slt.u32 s9, $0xF7A;
	s5 =	simm.s32 @!p2 $0x0  }
0x1d: {  	s5 =	simm.s32 @p1 $0x1;
	p0 =	seq.s32 s7, s2  }
0x1e: {  	s7 =	smul.u32 @!p0 $0xF7A, s2;
	p2 =	seq.s32 @!p0 s5, $0x0  }
0x1f: {  	s9 =	smul.u32 $0xF7A, s1;
	s8 =	simm.s32 @!p0 $0x1BF5;
	p2 =	por !p2, p0  }
0x20: {  	[sflag:s8] =	ssyncset.s32 @!p0 $0xFFFFF086;
	s6 =	sadd.s32 @!p0 s3, s7;
	s7 =	simm.s32 @!p0 $0x108  }
0x21: {  	s3 =	sadd.s32 s3, s9;
	s6 =	sadd.s32 @!p0 $0x88, s6;
	s7 =	simm.s32 @p2 $0x1082  }
0x22: {  	[simem:s7], [sflag:s8] =	dma.local @!p0 [hbm:s6], $0xF7A  }
0x23: {  	s9 =	sor.u32 $0xD0000000, s2;
	s6 =	simm.s32 $0x108;
	_ =	swait.ge @!p0 [sflag:s8], $0x0  }
0x24: {  	s3 =	sadd.s32 $0x88, s3;
	s6 =	simm.s32 @!p1 $0x1082;
	[sflag:s4] =	ssyncset.s32 $0xFFFFF086  }
0x25: {  	[simem:s6], [sflag:s4] =	dma.local [hbm:s3], $0xF7A  }
0x26: {  	[smem:$0x3F97] =	sst s1;
	(tag) =	ssettag s2;
	_ =	strace s9  }
0x27: {  	s1 =	sld [smem:$0x3FA7]  }
0x28: {  	s2 =	sld [smem:$0x3FA8]  }
0x29: {  	s4 =	sld [smem:$0x3FAA]  }
0x2a: {  	p0 =	seq.s32 s5, $0x0;
	s5 =	sld [smem:$0x3FAB]  }
0x2b: {  	s6 =	sld [smem:$0x3FAC]  }
0x2c: {  	s7 =	sld [smem:$0x3FAD]  }
0x2d: {  	s3 =	simm.s32 $0x108;
	s8 =	sld [smem:$0x3FAE]  }
0x2e: {  	s3 =	simm.s32 @!p0 $0x1082;
	s9 =	sld [smem:$0x3FAF]  }
0x2f: {  	lr =	sadd.s32 s0, s3;
	s0 =	sld [smem:$0x3FA6]  }
0x30: {  	s3 =	sld [smem:$0x3FA9]  }
0x31: {  	[smem:$0x3FB2] =	sst s10  }
0x32: {  	s10 =	sld [smem:$0x3FB0];
	_ =	sdelay $0x3  }
0x33: {  	p0 =	seq.s32 s10, $0x1;
	s10 =	sld [smem:$0x3FB2];
	_ =	sdelay $0x3  }
0x34: {  	[smem:$0x3FB2] =	sst s10  }
0x35: {  	s10 =	sld [smem:$0x3FB1];
	_ =	sdelay $0x3  }
0x36: {  	p1 =	seq.s32 s10, $0x1;
	s10 =	sld [smem:$0x3FB2];
	_ =	sdelay $0x3  }
0x37: {  	[smem:$0x3FB2] =	sst s10  }
0x38: {  	s10 =	sld [smem:$0x3FB3]  }
0x39: {  	_ = 	snop;
	(pc) =	sbr.ind lr, $3  }
0x3a: {  	_ = 	snop  }
0x3b: {  	_ = 	snop  }
0x3c: {  	p2 =	seq.s32 s10, $0x1;
	s10 =	sld [smem:$0x3FB2]  }
0x3d: {  	_ =	shalt  }
0x3e: {  	_ =	shalt  }
0x3f: {  	_ =	shalt  }
0x40: {  	_ =	shalt  }
0x41: {  	_ =	shalt  }
0x42: {  	_ =	shalt  }
0x43: {  	_ =	shalt  }
0x44: {  	_ =	shalt  }
0x45: {  	_ =	shalt  }
0x46: {  	_ =	shalt  }
0x47: {  	_ =	shalt  }
0x48: {  	_ =	shalt  }
0x49: {  	_ =	shalt  }
0x4a: {  	_ =	shalt  }
0x4b: {  	_ =	shalt  }
0x4c: {  	_ =	shalt  }
0x4d: {  	_ =	shalt  }
0x4e: {  	_ =	shalt  }
0x4f: {  	_ =	shalt  }
0x50: {  	_ =	shalt  }
0x51: {  	_ =	shalt  }
0x52: {  	_ =	shalt  }
0x53: {  	_ =	shalt  }
0x54: {  	_ =	shalt  }
0x55: {  	_ =	shalt  }
0x56: {  	_ =	shalt  }
0x57: {  	_ =	shalt  }
0x58: {  	_ =	shalt  }
0x59: {  	_ =	shalt  }
0x5a: {  	_ =	shalt  }
0x5b: {  	_ =	shalt  }
0x5c: {  	_ =	shalt  }
0x5d: {  	_ =	shalt  }
0x5e: {  	_ =	shalt  }
0x5f: {  	_ =	shalt  }
0x60: {  	_ =	shalt  }
0x61: {  	_ =	shalt  }
0x62: {  	_ =	shalt  }
0x63: {  	_ =	shalt  }
0x64: {  	_ =	shalt  }
0x65: {  	_ =	shalt  }
0x66: {  	_ =	shalt  }
0x67: {  	_ =	shalt  }
0x68: {  	_ =	shalt  }
0x69: {  	_ =	shalt  }
0x6a: {  	_ =	shalt  }
0x6b: {  	_ =	shalt  }
0x6c: {  	_ =	shalt  }
0x6d: {  	_ =	shalt  }
0x6e: {  	_ =	shalt  }
0x6f: {  	_ =	shalt  }
0x70: {  	_ =	shalt  }
0x71: {  	_ =	shalt  }
0x72: {  	_ =	shalt  }
0x73: {  	_ =	shalt  }
0x74: {  	_ =	shalt  }
0x75: {  	_ =	shalt  }
0x76: {  	_ =	shalt  }
0x77: {  	_ =	shalt  }
0x78: {  	_ =	shalt  }
0x79: {  	_ =	shalt  }
0x7a: {  	_ =	shalt  }
0x7b: {  	_ =	shalt  }
0x7c: {  	_ =	shalt  }
0x7d: {  	_ =	shalt  }
0x7e: {  	_ =	shalt  }
0x7f: {  	_ =	shalt  }
0x80: {  	_ =	shalt  }
0x81: {  	_ =	shalt  }
0x82: {  	_ =	shalt  }
0x83: {  	_ =	shalt  }
0x84: {  	_ =	shalt  }
0x85: {  	_ =	shalt  }
0x86: {  	_ =	shalt  }
0x87: {  	_ =	shalt  }
.Lfunc_end0:
.L_simem_size_0:
called_computation.1_lowered:
.L_overlay_start_0:
0x88: {  	s2 =	sld [smem:$0x3FD9]  }
0x89: {  	s3 =	sld [smem:$0x3FFE];
	_ =	sdelay $0x1  }
0x8a: {  	s1 =	srdreg.scid  }
0x8b: {  	s0 =	sand.u32 $0x1, s1  }
0x8c: {  	s14 =	sshll.u32 s0, $0xA;
	s2 =	sadd.s32 s3, s2  }
0x8d: {  	s2 =	sadd.s32 s2, s14  }
0x8e: {  	[smem:$0x3FBE] =	sst s2  }
0x8f: {  	_ = 	snop  }
0x90: {  	s2 =	sld [smem:$0x3FD0];
	_ =	sdelay $0x2  }
0x91: {  	s4 =	simm.s32 $0xA;
	s5 =	simm.s32 $0x10;
	s15 =	sld [smem:$0x3FC8]  }
0x92: {  	[smem:s5], [sflag:s4] =	dma.local [hbm:s2], $0x1  }
0x93: {  	_ =	swait.eq [sflag:s4], $0x1  }
0x94: {  	[sflag:s4] =	ssyncset.done $0x0  }
0x95: {  	[sflag:s4] =	ssyncadd.s32 $0xFFFFFFFF  }
0x96: {  	s16 =	sld [smem:$0x10];
	(tm) =	ssettm $0x1  }
0x97: {  	s17 =	sld [smem:$0x3FFB];
	_ =	sdelay $0x3  }
0x98: {  	_ =	strace s17  }
0x99: {  	s4 =	sld [smem:$0x3FFC];
	_ =	sdelay $0x3  }
0x9a: {  	_ =	strace s4  }
0x9b: {  	s4 =	sld [smem:$0x3FFD];
	_ =	sdelay $0x3  }
0x9c: {  	_ =	strace s4  }
0x9d: {  	_ =	strace $0x8FFFFFFF  }
0x9e: {  	s18 =	sld [smem:$0x3FDB];
	_ =	sdelay $0x1  }
0x9f: {  	s19 =	simm.s32 $_scs_section_size  }
0xa0: {  	s6 =	simm.s32 $_size__tile_overlayer_lowered;
	s7 =	simm.s32 $_tile_overlayer_lowered  }
0xa1: {  	s22 =	simm.s32 $0x1BFF;
	s21 =	sshll.u32 s7, $0x1;
	s4 =	sadd.s32 s19, s18  }
0xa2: {  	s8 =	simm.s32 $0x0;
	s20 =	sshll.u32 s6, $0x1;
	s6 =	sadd.s32 s21, s4  }
0xa3: {  	[timem:s8], [sflag:s22] =	dma.local [hbm:s6], s20  }
0xa4: {  	_ =	swait.ge [sflag:s22], s20  }
0xa5: {  	s5 =	ssub.s32 $0x0, s20;
	[sflag:s22] =	ssyncset.done $0x0  }
0xa6: {  	[sflag:s22] =	ssyncadd.s32 s5;
	_ =	sdelay $0x1  }
0xa7: {  	s23 =	simm.s32 $0x1B8B  }
0xa8: {  	_ =	swait.ge [sflag:s23], $0x1  }
0xa9: {  	[sflag:s23] =	ssyncset.done $0x0  }
0xaa: {  	s25 =	simm.s32 $0x1B8E;
	s24 =	sld [smem:$0x3FFE];
	[sflag:s23] =	ssyncadd.s32 $0xFFFFFFFF  }
0xab: {  	s26 =	simm.s32 $execute0_lowered;
	[smem:$0x3FD2] =	sst s25  }
0xac: {  	s6 =	sshll.u32 s26, $0x1;
	_ =	strace $0x80000049;
	[dreg:$0x1] =	wrdreg $0xFFFFFFFF  }
0xad: {  	s28 =	simm.s32 $_size_execute0_lowered;
	s4 =	sadd.s32 s4, s6;
	[dreg:$0x0] =	wrdreg $0x0  }
0xae: {  	s6 =	sshll.u32 s28, $0x1;
	[dreg:$0x2] =	wrdreg s4  }
0xaf: {  	[dreg:$0x3] =	wrdreg s6  }
0xb0: {  	[dreg:$0x4] =	wrdreg $0xC0  }
0xb1: {  	_ =	task [dreg:s8], $0x5FFFF  }
0xb2: {  	[dreg:$0x1] =	wrdreg $0xFFFFFFFF  }
0xb3: {  	[dreg:$0x0] =	wrdreg $0x60  }
0xb4: {  	[dreg:$0x2] =	wrdreg s16  }
0xb5: {  	[dreg:$0x3] =	wrdreg s15  }
0xb6: {  	[dreg:$0x4] =	wrdreg s24  }
0xb7: {  	[dreg:$0x5] =	wrdreg $0x9  }
0xb8: {  	_ =	task.clear_ibuf [dreg:s8], $0x6FFFF;
	_ =	strace $0x90000049  }
0xb9: {  	s29 =	simm.s32 $0x9;
	_ =	strace $0x8000004B  }
0xba: {  	_ =	swait.ge [sflag:s29], $0x1  }
0xbb: {  	[sflag:s29] =	ssyncadd.s32 $0xFFFFFFFF  }
0xbc: {  	_ =	strace $0x9000004B  }
0xbd: {  	_ =	sfence  }
0xbe: {  	s30 =	sld [smem:$0x0];
	_ =	sdelay $0x2  }
0xbf: {  	s31 =	sshll.u32 s1, $0xD;
	s1 =	sshrl.u32 s1, $0x2  }
0xc0: {  	s3 =	sand.u32 $0x4000, s31;
	s1 =	sadd.s32 s1, s30  }
0xc1: {  	s0 =	sor.u32 s3, s0;
	s1 =	sshll.u32 s1, $0x11  }
0xc2: {  	s0 =	sor.u32 s1, s0  }
0xc3: {  	s0 =	sadd.s32 $0x8F2B, s0  }
0xc4: {  	[sflag:s0] =	ssyncadd.remote.s32 $0x1  }
0xc5: {  	_ =	sfence.sel $0xFFFF  }
0xc6: {  	[dreg:$0x0] =	wrdreg $0xFFFFFFFF;
	(pc) =	sbr.abs _section_cstart, $3  }
0xc7: {  	[dreg:$0x1] =	wrdreg $0xFFFFFFFF  }
0xc8: {  	_ =	task.clear_ibuf [dreg:s8], $0x2FFFF;
	_ =	strace $0x9FFFFFFF  }
0xc9: {  	(tm) =	ssettm $0x7FFFFFFF  }
tec
execute0_lowered:
.L_overlay_start_1:
0x0: {  	(tag) =	ssettag $0x1  }
0x1: {  	s10 =	rddreg [dreg:$0x0]  }
0x2: {  	s0 =	srdreg.scid;
	s1 =	rddreg [dreg:$0x1]  }
0x3: {  	s9 =	stileid.u32;
	s4 =	rddreg [dreg:$0x2];
	s3 =	simm.s32 $0x0  }
0x4: {  	s17 =	simm.s32 $0x1;
	s0 =	sand.u32 $0x1, s0;
	s2 =	sshll.u32 s9, $0x1  }
0x5: {  	[smem:$0x7FF] =	sst s3;
	s20 =	sadd.s32 $0x500, s10;
	s13 =	smul.u32 $0x4E20, s9  }
0x6: {  	s21 =	sadd.s32 $0xA00, s10;
	s22 =	sadd.s32 $0xF00, s10;
	s30 =	smul.u32 $0x9C40, s9  }
0x7: {  	s2 =	sor.u32 s0, s2;
	_ =	strace $0x8000004A;
	[dreg:$0x6] =	wrdreg s20  }
0x8: {  	s5 =	ssub.s32 $0x2, s0;
	[dreg:$0x7] =	wrdreg s21;
	s15 =	smul.u32 $0x2710, s0  }
0x9: {  	[dreg:$0x8] =	wrdreg s22;
	s0 =	smul.u32 $0x4E20, s0;
	s20 =	simm.s32 $0xA000  }
0xa: {  	s21 =	simm.s32 $0xC800;
	s7 =	smul.u32 $0x2710, s2;
	s8 =	sshrl.u32 s5, $0x1  }
0xb: {  	s22 =	simm.s32 $0xF000;
	s2 =	smul.u32 $0x500, s2;
	s14 =	ssub.s32 s5, s8  }
0xc: {  	s26 =	sadd.s32 s15, s13;
	[dreg:$0x4] =	wrdreg s0;
	s6 =	sand.u32 $0x7FF80, s7  }
0xd: {  	s2 =	sadd.s32 s2, s4;
	s28 =	sand.u32 $0xFFF80, s26;
	s29 =	smax.u32 s14, $0x1  }
0xe: {  	s6 =	smin.u32 s6, $0x4BA00;
	s23 =	sadd.s32 $0x5A00, s2;
	[dreg:$0xe] =	wrdreg s29  }
0xf: {  	s24 =	sadd.s32 $0xFA00, s2;
	s25 =	sadd.s32 $0x19A00, s2;
	[dreg:$0xa] =	wrdreg s23  }
0x10: {  	s2 =	sadd.s32 $0x23A00, s2;
	s18 =	sshrl.u32 s6, $0x2;
	[dreg:$0xb] =	wrdreg s24  }
0x11: {  	s19 =	ssub.s32 s7, s6;
	s7 =	sand.u32 $0x70, s7;
	[dreg:$0xc] =	wrdreg s25  }
0x12: {  	[dreg:$0xd] =	wrdreg s2;
	s2 =	smin.u32 s28, $0x4BA00;
	s1 =	sadd.s32 s1, s18  }
0x13: {  	s23 =	simm.s32 $0x11800;
	[dreg:$0x5] =	wrdreg s1;
	s1 =	sshll.u32 s19, $0x1  }
0x14: {  	s24 =	simm.s32 $0x14000;
	s25 =	simm.s32 $0x16800;
	s1 =	sand.u32 $0xFFFFFF00, s1  }
0x15: {  	s31 =	sshll.u32 s2, $0x1;
	s18 =	simm.s32 $0x5000;
	s1 =	sor.u32 s7, s1  }
0x16: {  	s15 =	ssub.s32 s30, s31;
	[dreg:$0x9] =	wrdreg s1;
	s1 =	ssub.s32 s26, s2  }
0x17: {  	v0 =	vimm.f32 $0.0e+00;
	s19 =	simm.s32 $0x7800;
	s26 =	simm.s32 $0x0;
	s16 =	sadd.s32 $0x70, s1  }
.LBB2_1:
0x18: {  	s0 =	rddreg [dreg:$0x5]  }
0x19: {  	[tilespmem:s3], [sflag:$0x1] =	stream.linear.gather [hbm4b:s0+s3], $0x5000, $0x38;
	[tilespmem:$0x19000] =	vst v63  }
0x1a: {  	_ =	swait.ge [sflag:s17], $0x5000  }
0x1b: {  	[sflag:s17] =	ssyncset.done $0x0  }
0x1c: {  	[sflag:s17] =	ssyncadd.s32 $0xFFFFB000  }
0x1d: {  	s11 =	rddreg [dreg:$0x0]  }
0x1e: {  	[tilespmem:s18], [sflag:$0x1] =	stream.linear.gather [hbm4b:s11+s3], $0x2800, $0x38;
	[tilespmem:$0x19000] =	vst v63  }
0x1f: {  	_ =	swait.ge [sflag:s17], $0x2800  }
0x20: {  	[sflag:s17] =	ssyncset.done $0x0  }
0x21: {  	s12 =	rddreg [dreg:$0x6];
	[sflag:s17] =	ssyncadd.s32 $0xFFFFD800  }
0x22: {  	[tilespmem:s19], [sflag:$0x1] =	stream.linear.gather [hbm4b:s12+s3], $0x2800, $0x38;
	[tilespmem:$0x19000] =	vst v63  }
0x23: {  	_ =	swait.ge [sflag:s17], $0x2800  }
0x24: {  	[sflag:s17] =	ssyncset.done $0x0  }
0x25: {  	s13 =	rddreg [dreg:$0x7];
	[sflag:s17] =	ssyncadd.s32 $0xFFFFD800  }
0x26: {  	[tilespmem:s20], [sflag:$0x1] =	stream.linear.gather [hbm4b:s13+s3], $0x2800, $0x38;
	[tilespmem:$0x19000] =	vst v63  }
0x27: {  	_ =	swait.ge [sflag:s17], $0x2800  }
0x28: {  	[sflag:s17] =	ssyncset.done $0x0  }
0x29: {  	s14 =	rddreg [dreg:$0x8];
	[sflag:s17] =	ssyncadd.s32 $0xFFFFD800  }
0x2a: {  	[tilespmem:s21], [sflag:$0x1] =	stream.linear.gather [hbm4b:s14+s3], $0x2800, $0x38;
	[tilespmem:$0x19000] =	vst v63  }
0x2b: {  	_ =	swait.ge [sflag:s17], $0x2800  }
0x2c: {  	[sflag:s17] =	ssyncset.done $0x0  }
0x2d: {  	s30 =	simm.s32 $0xF040;
	[sflag:s17] =	ssyncadd.s32 $0xFFFFD800  }
0x2e: {  	[tilespmem:s30+$0x30] =	vst v0  }
0x2f: {  	[tilespmem:s30+$0xFFFFFFE0] =	vst v0  }
0x30: {  	[tilespmem:s30+$0xFFFFFFF0] =	vst v0  }
0x31: {  	[tilespmem:s30+$0x0] =	vst v0  }
0x32: {  	[tilespmem:s30+$0xFFFFFFC0] =	vst v0  }
0x33: {  	[tilespmem:s30+$0x10] =	vst v0  }
0x34: {  	[tilespmem:s30+$0x20] =	vst v0  }
0x35: {  	s29 =	simm.s32 $0x11840;
	[tilespmem:s30+$0xFFFFFFD0] =	vst v0  }
0x36: {  	[tilespmem:s29+$0x30] =	vst v0  }
0x37: {  	[tilespmem:s29+$0xFFFFFFC0] =	vst v0  }
0x38: {  	[tilespmem:s29+$0x10] =	vst v0  }
0x39: {  	[tilespmem:s29+$0xFFFFFFD0] =	vst v0  }
0x3a: {  	[tilespmem:s29+$0x20] =	vst v0  }
0x3b: {  	[tilespmem:s29+$0x0] =	vst v0  }
0x3c: {  	s28 =	simm.s32 $0x14040;
	[tilespmem:s29+$0xFFFFFFF0] =	vst v0  }
0x3d: {  	[tilespmem:s28+$0x30] =	vst v0  }
0x3e: {  	[tilespmem:s28+$0xFFFFFFC0] =	vst v0  }
0x3f: {  	[tilespmem:s28+$0x10] =	vst v0  }
0x40: {  	[tilespmem:s28+$0xFFFFFFD0] =	vst v0  }
0x41: {  	[tilespmem:s28+$0x20] =	vst v0  }
0x42: {  	[tilespmem:s28+$0x0] =	vst v0  }
0x43: {  	s31 =	simm.s32 $0x16840;
	[tilespmem:s28+$0xFFFFFFF0] =	vst v0  }
0x44: {  	[tilespmem:s31+$0x30] =	vst v0  }
0x45: {  	[tilespmem:s31+$0xFFFFFFC0] =	vst v0  }
0x46: {  	[tilespmem:s31+$0x10] =	vst v0  }
0x47: {  	[tilespmem:s31+$0xFFFFFFD0] =	vst v0  }
0x48: {  	s2 =	simm.s32 $0x0;
	s1 =	simm.s32 $0x168C0;
	s0 =	simm.s32 $0x140C0;
	[tilespmem:s31+$0x20] =	vst v0  }
.LBB2_2:
0x49: {  	s2 =	sadd.s32 $0x8, s2;
	[tilespmem:s29+$0xFFFFFFE0] =	vst v0;
	s30 =	sadd.s32 $0x80, s30;
	s29 =	sadd.s32 $0x80, s29  }
0x4a: {  	[tilespmem:s30+$0x30] =	vst v0;
	p0 =	slt.u32 s2, $0x278  }
0x4b: {  	[tilespmem:s29+$0x30] =	vst v0  }
0x4c: {  	[tilespmem:s0+$0x30] =	vst v0  }
0x4d: {  	[tilespmem:s31+$0xFFFFFFF0] =	vst v0  }
0x4e: {  	[tilespmem:s31+$0x0] =	vst v0  }
0x4f: {  	[tilespmem:s28+$0xFFFFFFE0] =	vst v0;
	s28 =	smov.u32 s0  }
0x50: {  	[tilespmem:s31+$0xFFFFFFE0] =	vst v0;
	s31 =	smov.u32 s1  }
0x51: {  	[tilespmem:s1+$0x30] =	vst v0  }
0x52: {  	[tilespmem:s30+$0xFFFFFFE0] =	vst v0  }
0x53: {  	[tilespmem:s30+$0xFFFFFFF0] =	vst v0  }
0x54: {  	[tilespmem:s30+$0x0] =	vst v0  }
0x55: {  	[tilespmem:s30+$0xFFFFFFC0] =	vst v0  }
0x56: {  	[tilespmem:s29+$0xFFFFFFC0] =	vst v0  }
0x57: {  	[tilespmem:s0+$0xFFFFFFC0] =	vst v0  }
0x58: {  	[tilespmem:s1+$0xFFFFFFC0] =	vst v0  }
0x59: {  	[tilespmem:s30+$0x10] =	vst v0  }
0x5a: {  	[tilespmem:s29+$0x10] =	vst v0  }
0x5b: {  	[tilespmem:s0+$0x10] =	vst v0  }
0x5c: {  	[tilespmem:s1+$0x10] =	vst v0  }
0x5d: {  	[tilespmem:s30+$0x20] =	vst v0  }
0x5e: {  	[tilespmem:s30+$0xFFFFFFD0] =	vst v0  }
0x5f: {  	[tilespmem:s29+$0xFFFFFFD0] =	vst v0  }
0x60: {  	[tilespmem:s0+$0xFFFFFFD0] =	vst v0  }
0x61: {  	[tilespmem:s1+$0xFFFFFFD0] =	vst v0  }
0x62: {  	[tilespmem:s29+$0x20] =	vst v0  }
0x63: {  	[tilespmem:s0+$0x20] =	vst v0  }
.Ltmp0:
0x64: {  	[tilespmem:s1+$0x20] =	vst v0;
	(pc) =	sbr.rel @p0 .LBB2_2-.Ltmp0, $4  }
0x65: {  	[tilespmem:s29+$0x0] =	vst v0  }
0x66: {  	[tilespmem:s0+$0x0] =	vst v0  }
0x67: {  	[tilespmem:s29+$0xFFFFFFF0] =	vst v0  }
0x68: {  	s1 =	sadd.s32 $0x80, s1;
	s0 =	sadd.s32 $0x80, s0;
	[tilespmem:s28+$0xFFFFFFF0] =	vst v0  }
0x69: {  	[tilespmem:s29+$0xFFFFFFE0] =	vst v0  }
0x6a: {  	[tilespmem:s31+$0xFFFFFFF0] =	vst v0  }
0x6b: {  	[tilespmem:s31+$0x0] =	vst v0  }
0x6c: {  	[tilespmem:s28+$0xFFFFFFE0] =	vst v0  }
0x6d: {  	[tilespmem:s31+$0xFFFFFFE0] =	vst v0  }
0x6e: {  	s0 =	rddreg [dreg:$0x4]  }
0x6f: {  	s0 =	sadd.s32 s15, s0  }
0x70: {  	s1 =	sadd.s32 $0xE0, s0  }
0x71: {  	s2 =	sand.u32 $0x70, s16;
	s5 =	sadd.s32 $0xFFFFFFB0, s16;
	s1 =	sand.u32 $0xFFFFFF00, s1  }
0x72: {  	s6 =	sadd.s32 $0xFFFFFFC0, s16;
	s28 =	sadd.s32 $0x40, s0;
	s1 =	sor.u32 s2, s1  }
0x73: {  	s5 =	sand.u32 $0x70, s5;
	s29 =	sadd.s32 $0x60, s0;
	s28 =	sand.u32 $0xFFFFFF00, s28;
	v7 =	vld [tilespmem:s1+$0x0]  }
0x74: {  	s6 =	sand.u32 $0x70, s6;
	s29 =	sand.u32 $0xFFFFFF00, s29;
	s5 =	sor.u32 s5, s28;
	v14 =	vld [tilespmem:s1+$0x80]  }
0x75: {  	s12 =	sadd.s32 $0xFFFFFFA0, s16;
	s8 =	sadd.s32 $0xFFFFFFD0, s16;
	s6 =	sor.u32 s6, s29;
	v1 =	vld [tilespmem:s5+$0x0]  }
0x76: {  	s14 =	sadd.s32 $0xFFFFFFE0, s16;
	s8 =	sand.u32 $0x70, s8;
	s11 =	sadd.s32 $0x20, s0;
	v2 =	vld [tilespmem:s6+$0x0]  }
0x77: {  	s31 =	sand.u32 $0x70, s12;
	s30 =	sadd.s32 $0x80, s0;
	s13 =	sand.u32 $0xFFFFFF00, s11;
	v12 =	vld [tilespmem:s5+$0x80]  }
0x78: {  	s4 =	sadd.s32 $0xA0, s0;
	s28 =	sand.u32 $0xFFFFFF00, s30;
	s1 =	sor.u32 s31, s13;
	v11 =	vld [tilespmem:s6+$0x80]  }
0x79: {  	s4 =	sand.u32 $0xFFFFFF00, s4;
	s2 =	sand.u32 $0x70, s14;
	s8 =	sor.u32 s8, s28;
	v15 =	vld [tilespmem:s1+$0x0]  }
0x7a: {  	s2 =	sor.u32 s2, s4;
	v3 =	vld [tilespmem:s8+$0x0]  }
0x7b: {  	s31 =	sadd.s32 $0xC0, s0;
	s28 =	sadd.s32 $0xFFFFFFF0, s16;
	v4 =	vld [tilespmem:s2+$0x0]  }
0x7c: {  	s4 =	sand.u32 $0xFFFFFF00, s31;
	s28 =	sand.u32 $0x70, s28;
	v13 =	vld [tilespmem:s1+$0x80]  }
0x7d: {  	v10 =	vld [tilespmem:s8+$0x80];
	s4 =	sor.u32 s28, s4  }
0x7e: {  	v6 =	vld [tilespmem:s4+$0x0]  }
0x7f: {  	v9 =	vld [tilespmem:s2+$0x80]  }
0x80: {  	v5 =	vld.idx.msk [tilespmem:v7+s18+$0x0], $0xffff  }
0x81: {  	v17 =	vld.idx.msk [tilespmem:v1+s18+$0x0], $0xffff  }
0x82: {  	v18 =	vld.idx.msk [tilespmem:v2+s18+$0x0], $0xffff  }
0x83: {  	v16 =	vld.idx.msk [tilespmem:v15+s18+$0x0], $0xffff  }
0x84: {  	v19 =	vld.idx.msk [tilespmem:v3+s18+$0x0], $0xffff  }
0x85: {  	v20 =	vld.idx.msk [tilespmem:v4+s18+$0x0], $0xffff  }
0x86: {  	s0 =	sand.u32 $0xFFFFFF00, s0;
	v21 =	vld.idx.msk [tilespmem:v6+s18+$0x0], $0xffff  }
0x87: {  	s0 =	sor.u32 s0, s7;
	[tilespmem:v14+s22+$0x0] =	vst.idx.add.f32.msk $0xffff, v5  }
0x88: {  	v5 =	vld [tilespmem:s0+$0x0]  }
0x89: {  	[tilespmem:v12+s22+$0x0] =	vst.idx.add.f32.msk $0xffff, v17  }
0x8a: {  	[tilespmem:v11+s22+$0x0] =	vst.idx.add.f32.msk $0xffff, v18  }
0x8b: {  	v8 =	vld.idx.msk [tilespmem:v7+s19+$0x0], $0xffff  }
0x8c: {  	[tilespmem:v13+s22+$0x0] =	vst.idx.add.f32.msk $0xffff, v16  }
0x8d: {  	[tilespmem:v10+s22+$0x0] =	vst.idx.add.f32.msk $0xffff, v19  }
0x8e: {  	[tilespmem:v9+s22+$0x0] =	vst.idx.add.f32.msk $0xffff, v20  }
0x8f: {  	v58 =	vld.idx.msk [tilespmem:v1+s19+$0x0], $0xffff  }
0x90: {  	v59 =	vld.idx.msk [tilespmem:v2+s19+$0x0], $0xffff  }
0x91: {  	v60 =	vld.idx.msk [tilespmem:v3+s19+$0x0], $0xffff  }
0x92: {  	v61 =	vld.idx.msk [tilespmem:v4+s19+$0x0], $0xffff  }
0x93: {  	[tilespmem:v14+s23+$0x0] =	vst.idx.add.f32.msk $0xffff, v8  }
0x94: {  	[tilespmem:v12+s23+$0x0] =	vst.idx.add.f32.msk $0xffff, v58  }
0x95: {  	v8 =	vld.idx.msk [tilespmem:v7+s20+$0x0], $0xffff  }
0x96: {  	[tilespmem:v11+s23+$0x0] =	vst.idx.add.f32.msk $0xffff, v59  }
0x97: {  	[tilespmem:v10+s23+$0x0] =	vst.idx.add.f32.msk $0xffff, v60  }
0x98: {  	[tilespmem:v9+s23+$0x0] =	vst.idx.add.f32.msk $0xffff, v61  }
0x99: {  	v16 =	vld.idx.msk [tilespmem:v1+s20+$0x0], $0xffff  }
0x9a: {  	[tilespmem:v14+s24+$0x0] =	vst.idx.add.f32.msk $0xffff, v8  }
0x9b: {  	v7 =	vld.idx.msk [tilespmem:v7+s21+$0x0], $0xffff  }
0x9c: {  	v17 =	vld.idx.msk [tilespmem:v2+s20+$0x0], $0xffff  }
0x9d: {  	v22 =	vld.idx.msk [tilespmem:v5+s18+$0x0], $0xffff  }
0x9e: {  	v18 =	vld.idx.msk [tilespmem:v3+s20+$0x0], $0xffff  }
0x9f: {  	v8 =	vld [tilespmem:s4+$0x80]  }
0xa0: {  	[tilespmem:v14+s25+$0x0] =	vst.idx.add.f32.msk $0xffff, v7  }
0xa1: {  	v7 =	vld [tilespmem:s0+$0x80]  }
0xa2: {  	v19 =	vld.idx.msk [tilespmem:v4+s20+$0x0], $0xffff  }
0xa3: {  	[tilespmem:v12+s24+$0x0] =	vst.idx.add.f32.msk $0xffff, v16  }
0xa4: {  	[tilespmem:v11+s24+$0x0] =	vst.idx.add.f32.msk $0xffff, v17  }
0xa5: {  	[tilespmem:v10+s24+$0x0] =	vst.idx.add.f32.msk $0xffff, v18  }
0xa6: {  	v14 =	vld.idx.msk [tilespmem:v15+s19+$0x0], $0xffff  }
0xa7: {  	[tilespmem:v8+s22+$0x0] =	vst.idx.add.f32.msk $0xffff, v21  }
0xa8: {  	v62 =	vld.idx.msk [tilespmem:v6+s19+$0x0], $0xffff  }
0xa9: {  	[tilespmem:v7+s22+$0x0] =	vst.idx.add.f32.msk $0xffff, v22  }
0xaa: {  	v63 =	vld.idx.msk [tilespmem:v5+s19+$0x0], $0xffff  }
0xab: {  	[tilespmem:v13+s23+$0x0] =	vst.idx.add.f32.msk $0xffff, v14  }
0xac: {  	v14 =	vld.idx.msk [tilespmem:v15+s20+$0x0], $0xffff  }
0xad: {  	[tilespmem:v8+s23+$0x0] =	vst.idx.add.f32.msk $0xffff, v62  }
0xae: {  	v20 =	vld.idx.msk [tilespmem:v6+s20+$0x0], $0xffff  }
0xaf: {  	[tilespmem:v7+s23+$0x0] =	vst.idx.add.f32.msk $0xffff, v63  }
0xb0: {  	v21 =	vld.idx.msk [tilespmem:v5+s20+$0x0], $0xffff  }
0xb1: {  	[tilespmem:v9+s24+$0x0] =	vst.idx.add.f32.msk $0xffff, v19  }
0xb2: {  	[tilespmem:v13+s24+$0x0] =	vst.idx.add.f32.msk $0xffff, v14  }
0xb3: {  	v14 =	vld.idx.msk [tilespmem:v15+s21+$0x0], $0xffff  }
0xb4: {  	[tilespmem:v8+s24+$0x0] =	vst.idx.add.f32.msk $0xffff, v20  }
0xb5: {  	s29 =	smov.u32 s15;
	s30 =	smov.u32 s16;
	s28 =	simm.s32 $0x0;
	[tilespmem:v7+s24+$0x0] =	vst.idx.add.f32.msk $0xffff, v21  }
.LBB2_4:
0xb6: {  	v1 =	vld.idx.msk [tilespmem:v1+s21+$0x0], $0xffff  }
0xb7: {  	v2 =	vld.idx.msk [tilespmem:v2+s21+$0x0], $0xffff  }
0xb8: {  	s0 =	rddreg [dreg:$0x4];
	v3 =	vld.idx.msk [tilespmem:v3+s21+$0x0], $0xffff;
	s29 =	sadd.s32 $0x100, s29  }
0xb9: {  	v4 =	vld.idx.msk [tilespmem:v4+s21+$0x0], $0xffff;
	s0 =	sadd.s32 s29, s0  }
0xba: {  	v6 =	vld.idx.msk [tilespmem:v6+s21+$0x0], $0xffff;
	s30 =	sadd.s32 $0x80, s30;
	s2 =	sadd.s32 $0xE0, s0  }
0xbb: {  	v5 =	vld.idx.msk [tilespmem:v5+s21+$0x0], $0xffff;
	s5 =	sand.u32 $0x70, s30;
	s2 =	sand.u32 $0xFFFFFF00, s2  }
0xbc: {  	s2 =	sor.u32 s5, s2;
	[tilespmem:v13+s25+$0x0] =	vst.idx.add.f32.msk $0xffff, v14  }
0xbd: {  	v14 =	vld [tilespmem:s2+$0x0]  }
0xbe: {  	[tilespmem:v12+s25+$0x0] =	vst.idx.add.f32.msk $0xffff, v1  }
0xbf: {  	[tilespmem:v11+s25+$0x0] =	vst.idx.add.f32.msk $0xffff, v2  }
0xc0: {  	s11 =	sadd.s32 $0xFFFFFFB0, s30;
	s12 =	sadd.s32 $0xFFFFFFC0, s30;
	s13 =	sadd.s32 $0xFFFFFFD0, s30;
	[tilespmem:v10+s25+$0x0] =	vst.idx.add.f32.msk $0xffff, v3  }
0xc1: {  	s14 =	sadd.s32 $0xFFFFFFE0, s30;
	s9 =	sadd.s32 $0xFFFFFFF0, s30;
	s4 =	sadd.s32 $0x40, s0;
	[tilespmem:v9+s25+$0x0] =	vst.idx.add.f32.msk $0xffff, v4  }
0xc2: {  	s6 =	sadd.s32 $0x60, s0;
	s8 =	sadd.s32 $0x80, s0;
	s31 =	sadd.s32 $0xA0, s0;
	[tilespmem:v8+s25+$0x0] =	vst.idx.add.f32.msk $0xffff, v6  }
0xc3: {  	s10 =	sadd.s32 $0xC0, s0;
	s11 =	sand.u32 $0x70, s11;
	s4 =	sand.u32 $0xFFFFFF00, s4;
	v15 =	vld [tilespmem:s2+$0x80]  }
0xc4: {  	s12 =	sand.u32 $0x70, s12;
	s6 =	sand.u32 $0xFFFFFF00, s6;
	s11 =	sor.u32 s11, s4;
	[tilespmem:v7+s25+$0x0] =	vst.idx.add.f32.msk $0xffff, v5  }
0xc5: {  	s13 =	sand.u32 $0x70, s13;
	s8 =	sand.u32 $0xFFFFFF00, s8;
	s12 =	sor.u32 s12, s6;
	v1 =	vld [tilespmem:s11+$0x0]  }
0xc6: {  	s14 =	sand.u32 $0x70, s14;
	s31 =	sand.u32 $0xFFFFFF00, s31;
	s13 =	sor.u32 s13, s8;
	v2 =	vld [tilespmem:s12+$0x0]  }
0xc7: {  	s9 =	sand.u32 $0x70, s9;
	s10 =	sand.u32 $0xFFFFFF00, s10;
	s14 =	sor.u32 s14, s31;
	v3 =	vld [tilespmem:s13+$0x0]  }
0xc8: {  	s31 =	sor.u32 s9, s10;
	v4 =	vld [tilespmem:s14+$0x0]  }
0xc9: {  	v6 =	vld [tilespmem:s31+$0x0]  }
0xca: {  	v12 =	vld [tilespmem:s11+$0x80]  }
0xcb: {  	v11 =	vld [tilespmem:s12+$0x80]  }
0xcc: {  	s1 =	sadd.s32 $0x20, s0;
	s5 =	sadd.s32 $0xFFFFFFA0, s30;
	v10 =	vld [tilespmem:s13+$0x80]  }
0xcd: {  	s1 =	sand.u32 $0xFFFFFF00, s1;
	s5 =	sand.u32 $0x70, s5;
	v9 =	vld [tilespmem:s14+$0x80]  }
0xce: {  	s1 =	sor.u32 s5, s1;
	v8 =	vld [tilespmem:s31+$0x80]  }
0xcf: {  	v16 =	vld [tilespmem:s1+$0x0]  }
0xd0: {  	v13 =	vld [tilespmem:s1+$0x80]  }
0xd1: {  	v5 =	vld.idx.msk [tilespmem:v14+s18+$0x0], $0xffff  }
0xd2: {  	v18 =	vld.idx.msk [tilespmem:v1+s18+$0x0], $0xffff  }
0xd3: {  	v19 =	vld.idx.msk [tilespmem:v2+s18+$0x0], $0xffff  }
0xd4: {  	v20 =	vld.idx.msk [tilespmem:v3+s18+$0x0], $0xffff  }
0xd5: {  	v21 =	vld.idx.msk [tilespmem:v4+s18+$0x0], $0xffff  }
0xd6: {  	v22 =	vld.idx.msk [tilespmem:v6+s18+$0x0], $0xffff  }
0xd7: {  	s0 =	sand.u32 $0xFFFFFF00, s0;
	v17 =	vld.idx.msk [tilespmem:v16+s18+$0x0], $0xffff  }
0xd8: {  	s0 =	sor.u32 s0, s7;
	[tilespmem:v15+s22+$0x0] =	vst.idx.add.f32.msk $0xffff, v5  }
0xd9: {  	v5 =	vld [tilespmem:s0+$0x0]  }
0xda: {  	v7 =	vld.idx.msk [tilespmem:v14+s19+$0x0], $0xffff  }
0xdb: {  	[tilespmem:v12+s22+$0x0] =	vst.idx.add.f32.msk $0xffff, v18  }
0xdc: {  	[tilespmem:v11+s22+$0x0] =	vst.idx.add.f32.msk $0xffff, v19  }
0xdd: {  	[tilespmem:v10+s22+$0x0] =	vst.idx.add.f32.msk $0xffff, v20  }
0xde: {  	[tilespmem:v9+s22+$0x0] =	vst.idx.add.f32.msk $0xffff, v21  }
0xdf: {  	[tilespmem:v8+s22+$0x0] =	vst.idx.add.f32.msk $0xffff, v22  }
0xe0: {  	[tilespmem:v13+s22+$0x0] =	vst.idx.add.f32.msk $0xffff, v17  }
0xe1: {  	v59 =	vld.idx.msk [tilespmem:v2+s19+$0x0], $0xffff  }
0xe2: {  	v60 =	vld.idx.msk [tilespmem:v3+s19+$0x0], $0xffff  }
0xe3: {  	v61 =	vld.idx.msk [tilespmem:v4+s19+$0x0], $0xffff  }
0xe4: {  	[tilespmem:v15+s23+$0x0] =	vst.idx.add.f32.msk $0xffff, v7  }
0xe5: {  	v7 =	vld.idx.msk [tilespmem:v14+s20+$0x0], $0xffff  }
0xe6: {  	v62 =	vld.idx.msk [tilespmem:v6+s19+$0x0], $0xffff  }
0xe7: {  	[tilespmem:v11+s23+$0x0] =	vst.idx.add.f32.msk $0xffff, v59  }
0xe8: {  	[tilespmem:v10+s23+$0x0] =	vst.idx.add.f32.msk $0xffff, v60  }
0xe9: {  	[tilespmem:v9+s23+$0x0] =	vst.idx.add.f32.msk $0xffff, v61  }
0xea: {  	[tilespmem:v15+s24+$0x0] =	vst.idx.add.f32.msk $0xffff, v7  }
0xeb: {  	v7 =	vld.idx.msk [tilespmem:v14+s21+$0x0], $0xffff  }
0xec: {  	[tilespmem:v8+s23+$0x0] =	vst.idx.add.f32.msk $0xffff, v62  }
0xed: {  	v23 =	vld.idx.msk [tilespmem:v5+s18+$0x0], $0xffff  }
0xee: {  	v17 =	vld.idx.msk [tilespmem:v2+s20+$0x0], $0xffff  }
0xef: {  	v18 =	vld.idx.msk [tilespmem:v3+s20+$0x0], $0xffff  }
0xf0: {  	[tilespmem:v15+s25+$0x0] =	vst.idx.add.f32.msk $0xffff, v7  }
0xf1: {  	v7 =	vld [tilespmem:s0+$0x80]  }
0xf2: {  	v19 =	vld.idx.msk [tilespmem:v4+s20+$0x0], $0xffff  }
0xf3: {  	v20 =	vld.idx.msk [tilespmem:v6+s20+$0x0], $0xffff  }
0xf4: {  	v14 =	vld.idx.msk [tilespmem:v16+s19+$0x0], $0xffff  }
0xf5: {  	[tilespmem:v11+s24+$0x0] =	vst.idx.add.f32.msk $0xffff, v17  }
0xf6: {  	[tilespmem:v10+s24+$0x0] =	vst.idx.add.f32.msk $0xffff, v18  }
0xf7: {  	[tilespmem:v9+s24+$0x0] =	vst.idx.add.f32.msk $0xffff, v19  }
0xf8: {  	v15 =	vld.idx.msk [tilespmem:v1+s19+$0x0], $0xffff  }
0xf9: {  	[tilespmem:v7+s22+$0x0] =	vst.idx.add.f32.msk $0xffff, v23  }
0xfa: {  	v63 =	vld.idx.msk [tilespmem:v5+s19+$0x0], $0xffff  }
0xfb: {  	[tilespmem:v13+s23+$0x0] =	vst.idx.add.f32.msk $0xffff, v14  }
0xfc: {  	v14 =	vld.idx.msk [tilespmem:v16+s20+$0x0], $0xffff  }
0xfd: {  	[tilespmem:v12+s23+$0x0] =	vst.idx.add.f32.msk $0xffff, v15  }
0xfe: {  	v15 =	vld.idx.msk [tilespmem:v1+s20+$0x0], $0xffff  }
0xff: {  	s28 =	sadd.s32 $0x8, s28;
	[tilespmem:v7+s23+$0x0] =	vst.idx.add.f32.msk $0xffff, v63  }
0x100: {  	p0 =	slt.u32 s28, $0x268;
	v21 =	vld.idx.msk [tilespmem:v5+s20+$0x0], $0xffff  }
.Ltmp1:
0x101: {  	[tilespmem:v8+s24+$0x0] =	vst.idx.add.f32.msk $0xffff, v20;
	(pc) =	sbr.rel @p0 .LBB2_4-.Ltmp1, $4  }
0x102: {  	[tilespmem:v13+s24+$0x0] =	vst.idx.add.f32.msk $0xffff, v14  }
0x103: {  	v14 =	vld.idx.msk [tilespmem:v16+s21+$0x0], $0xffff  }
0x104: {  	[tilespmem:v12+s24+$0x0] =	vst.idx.add.f32.msk $0xffff, v15  }
0x105: {  	[tilespmem:v7+s24+$0x0] =	vst.idx.add.f32.msk $0xffff, v21  }
0x106: {  	_ =	sdelay $0x3  }
0x107: {  	v1 =	vld.idx.msk [tilespmem:v1+s21+$0x0], $0xffff  }
0x108: {  	v2 =	vld.idx.msk [tilespmem:v2+s21+$0x0], $0xffff  }
0x109: {  	v3 =	vld.idx.msk [tilespmem:v3+s21+$0x0], $0xffff  }
0x10a: {  	v4 =	vld.idx.msk [tilespmem:v4+s21+$0x0], $0xffff  }
0x10b: {  	v6 =	vld.idx.msk [tilespmem:v6+s21+$0x0], $0xffff  }
0x10c: {  	v5 =	vld.idx.msk [tilespmem:v5+s21+$0x0], $0xffff  }
0x10d: {  	[tilespmem:v13+s25+$0x0] =	vst.idx.add.f32.msk $0xffff, v14  }
0x10e: {  	[tilespmem:v12+s25+$0x0] =	vst.idx.add.f32.msk $0xffff, v1  }
0x10f: {  	[tilespmem:v11+s25+$0x0] =	vst.idx.add.f32.msk $0xffff, v2  }
0x110: {  	[tilespmem:v10+s25+$0x0] =	vst.idx.add.f32.msk $0xffff, v3  }
0x111: {  	[tilespmem:v9+s25+$0x0] =	vst.idx.add.f32.msk $0xffff, v4  }
0x112: {  	[tilespmem:v8+s25+$0x0] =	vst.idx.add.f32.msk $0xffff, v6  }
0x113: {  	[tilespmem:v7+s25+$0x0] =	vst.idx.add.f32.msk $0xffff, v5  }
0x114: {  	s0 =	rddreg [dreg:$0x9]  }
0x115: {  	v1 =	vld [tilespmem:s0+$0x4E00];
	_ =	sdelay $0x4  }
0x116: {  	v2 =	vld [tilespmem:s0+$0x4E80];
	_ =	sdelay $0x2  }
0x117: {  	v3 =	vld.idx.msk [tilespmem:v1+s18+$0x0], $0xffff;
	_ =	sdelay $0x4  }
0x118: {  	[tilespmem:v2+s22+$0x0] =	vst.idx.add.f32.msk $0xffff, v3  }
0x119: {  	v3 =	vld.idx.msk [tilespmem:v1+s19+$0x0], $0xffff;
	_ =	sdelay $0x4  }
0x11a: {  	[tilespmem:v2+s23+$0x0] =	vst.idx.add.f32.msk $0xffff, v3  }
0x11b: {  	v3 =	vld.idx.msk [tilespmem:v1+s20+$0x0], $0xffff;
	_ =	sdelay $0x4  }
0x11c: {  	[tilespmem:v2+s24+$0x0] =	vst.idx.add.f32.msk $0xffff, v3  }
0x11d: {  	v1 =	vld.idx.msk [tilespmem:v1+s21+$0x0], $0xffff;
	_ =	sdelay $0x4  }
0x11e: {  	s14 =	rddreg [dreg:$0xa];
	[tilespmem:v2+s25+$0x0] =	vst.idx.add.f32.msk $0xffff, v1  }
0x11f: {  	[hbm4b:s14+s3] =	stream.linear.scatter [tilespmem:s22], [sflag:$0x1], $0x2800, $0x38;
	[tilespmem:$0x19000] =	vst v63  }
0x120: {  	_ =	swait.ge [sflag:s17], $0x2800  }
0x121: {  	[sflag:s17] =	ssyncset.done $0x0  }
0x122: {  	s28 =	rddreg [dreg:$0xb];
	[sflag:s17] =	ssyncadd.s32 $0xFFFFD800  }
0x123: {  	[hbm4b:s28+s3] =	stream.linear.scatter [tilespmem:s23], [sflag:$0x1], $0x2800, $0x38;
	[tilespmem:$0x19000] =	vst v63  }
0x124: {  	_ =	swait.ge [sflag:s17], $0x2800  }
0x125: {  	[sflag:s17] =	ssyncset.done $0x0  }
0x126: {  	s29 =	rddreg [dreg:$0xc];
	[sflag:s17] =	ssyncadd.s32 $0xFFFFD800  }
0x127: {  	[hbm4b:s29+s3] =	stream.linear.scatter [tilespmem:s24], [sflag:$0x1], $0x2800, $0x38;
	[tilespmem:$0x19000] =	vst v63  }
0x128: {  	_ =	swait.ge [sflag:s17], $0x2800  }
0x129: {  	[sflag:s17] =	ssyncset.done $0x0  }
0x12a: {  	s30 =	rddreg [dreg:$0xd];
	[sflag:s17] =	ssyncadd.s32 $0xFFFFD800  }
0x12b: {  	[hbm4b:s30+s3] =	stream.linear.scatter [tilespmem:s25], [sflag:$0x1], $0x2800, $0x38;
	[tilespmem:$0x19000] =	vst v63  }
0x12c: {  	_ =	swait.ge [sflag:s17], $0x2800  }
0x12d: {  	s26 =	sadd.s32 $0x1, s26;
	s31 =	rddreg [dreg:$0xe]  }
0x12e: {  	p0 =	sne.s32 s26, s31  }
.Ltmp2:
0x12f: {  	_ = 	snop;
	(pc) =	sbr.rel @p0 .LBB2_1-.Ltmp2, $3  }
0x130: {  	_ =	sdelay $0x1  }
0x131: {  	[sflag:s17] =	ssyncset.done $0x0  }
0x132: {  	[sflag:s17] =	ssyncadd.s32 $0xFFFFD800  }
0x133: {  	_ =	sfence.sel $0x180000  }
0x134: {  	[bflag:$0x0] =	sbarrier.arrive $0xFFFF  }
0x135: {  	_ =	strace $0x9000004A  }
0x136: {  	s0 =	stileid.u32;
	[bflag:$0x2] =	sbarrier.arrive $0xFFFF  }
0x137: {  	p0 =	sne.s32 s0, $0x0;
	s0 =	rddreg [dreg:$0x3]  }
0x138: {  	s0 =	sadd.s32 @!p0 $0x100000, s0  }
0x139: {  	[sflag:s0] =	ssyncadd.tile.s32 @!p0 $0x1;
	_ =	shalt  }
.Lfunc_end2:
_tile_overlayer_lowered:
.L_overlay_start_2:
0x13a: {  	(tag) =	ssettag $0x2  }
0x13b: {  	s0 =	rddreg [dreg:$0x0];
	s2 =	stileid.u32  }
0x13c: {  	s1 =	rddreg [dreg:$0x1];
	p0 =	sne.s32 s2, $0x0  }
0x13d: {  	s3 =	rddreg [dreg:$0x2];
	[bflag:$0x3] =	sbarrier.arrive $0xFFFF;
	s2 =	simm.s32 @!p0 $0x1C01  }
0x13e: {  	[timem:s3], [sflag:s2] =	dma.local @!p0 [hbm:s0], s1  }
0x13f: {  	s0 =	simm.s32 @!p0 $0x1  }
0x140: {  	_ =	swait.ge @!p0 [sflag:s0], s1  }
0x141: {  	s1 =	ssub.s32 @!p0 $0x0, s1;
	[sflag:s0] =	ssyncset.done @!p0 $0x0  }
0x142: {  	[sflag:s0] =	ssyncadd.s32 @!p0 s1  }
0x143: {  	[bflag:$0x3] =	sbarrier.arrive $0xFFFF  }
0x144: {  	_ =	shalt  }

// kernel: kernel.16.cloned.1.call-start
scs
__scs_entry_jumppad:
0x0: {  	(pc) =	sbr.rel $0x88, $3  }
0x1: {  	(tag) =	ssettag $0x0;
	lr =	simm.s32 $0x1  }
0x2: {  	[smem:$0x3F97] =	sst lr;
	_ =	strace $0xD0000000  }
0x3: {  	_ = 	snop  }
0x4: {  	_ = 	snop  }
0x5: {  	_ = 	snop  }
0x6: {  	_ = 	snop  }
0x7: {  	_ = 	snop  }
__scs_overlays_trampoline_lowered:
0x8: {  	[smem:$0x3FA6] =	sst s0  }
0x9: {  	[smem:$0x3FA7] =	sst s1  }
0xa: {  	[smem:$0x3FA8] =	sst s2  }
0xb: {  	[smem:$0x3FA9] =	sst s3  }
0xc: {  	[smem:$0x3FAA] =	sst s4  }
0xd: {  	[smem:$0x3FAB] =	sst s5  }
0xe: {  	[smem:$0x3FAC] =	sst s6  }
0xf: {  	[smem:$0x3FAD] =	sst s7  }
0x10: {  	[smem:$0x3FAE] =	sst s8  }
0x11: {  	[smem:$0x3FAF] =	sst s9;
	s0 =	simm.s32 @!p0 $0x0  }
0x12: {  	s1 =	sld [smem:$0x3F95];
	s0 =	simm.s32 @p0 $0x1  }
0x13: {  	[smem:$0x3FB0] =	sst s0;
	s0 =	simm.s32 @!p1 $0x0  }
0x14: {  	s2 =	sld [smem:$0x3F94];
	s0 =	simm.s32 @p1 $0x1  }
0x15: {  	[smem:$0x3FB1] =	sst s0;
	s0 =	simm.s32 @!p2 $0x0  }
0x16: {  	s3 =	sld [smem:$0x3FDB];
	s0 =	simm.s32 @p2 $0x1  }
0x17: {  	s4 =	simm.s32 $0x1BF5;
	[smem:$0x3FB3] =	sst s0  }
0x18: {  	s0 =	sld [smem:$0x3F96];
	_ =	swait.ge [sflag:s4], $0x0  }
0x19: {  	s7 =	sld [smem:$0x3F97]  }
0x1a: {  	s8 =	sadd.s32 $0xFFFFE003, lr  }
0x1b: {  	s9 =	sadd.s32 $0xFFFFFEF7, lr;
	s5 =	simm.s32 $0xFFFFFFFF;
	p2 =	slt.u32 s8, $0xFFFFF086  }
0x1c: {  	p1 =	slt.u32 s9, $0xF7A;
	s5 =	simm.s32 @!p2 $0x0  }
0x1d: {  	s5 =	simm.s32 @p1 $0x1;
	p0 =	seq.s32 s7, s2  }
0x1e: {  	s7 =	smul.u32 @!p0 $0xF7A, s2;
	p2 =	seq.s32 @!p0 s5, $0x0  }
0x1f: {  	s9 =	smul.u32 $0xF7A, s1;
	s8 =	simm.s32 @!p0 $0x1BF5;
	p2 =	por !p2, p0  }
0x20: {  	[sflag:s8] =	ssyncset.s32 @!p0 $0xFFFFF086;
	s6 =	sadd.s32 @!p0 s3, s7;
	s7 =	simm.s32 @!p0 $0x108  }
0x21: {  	s3 =	sadd.s32 s3, s9;
	s6 =	sadd.s32 @!p0 $0x88, s6;
	s7 =	simm.s32 @p2 $0x1082  }
0x22: {  	[simem:s7], [sflag:s8] =	dma.local @!p0 [hbm:s6], $0xF7A  }
0x23: {  	s9 =	sor.u32 $0xD0000000, s2;
	s6 =	simm.s32 $0x108;
	_ =	swait.ge @!p0 [sflag:s8], $0x0  }
0x24: {  	s3 =	sadd.s32 $0x88, s3;
	s6 =	simm.s32 @!p1 $0x1082;
	[sflag:s4] =	ssyncset.s32 $0xFFFFF086  }
0x25: {  	[simem:s6], [sflag:s4] =	dma.local [hbm:s3], $0xF7A  }
0x26: {  	[smem:$0x3F97] =	sst s1;
	(tag) =	ssettag s2;
	_ =	strace s9  }
0x27: {  	s1 =	sld [smem:$0x3FA7]  }
0x28: {  	s2 =	sld [smem:$0x3FA8]  }
0x29: {  	s4 =	sld [smem:$0x3FAA]  }
0x2a: {  	p0 =	seq.s32 s5, $0x0;
	s5 =	sld [smem:$0x3FAB]  }
0x2b: {  	s6 =	sld [smem:$0x3FAC]  }
0x2c: {  	s7 =	sld [smem:$0x3FAD]  }
0x2d: {  	s3 =	simm.s32 $0x108;
	s8 =	sld [smem:$0x3FAE]  }
0x2e: {  	s3 =	simm.s32 @!p0 $0x1082;
	s9 =	sld [smem:$0x3FAF]  }
0x2f: {  	lr =	sadd.s32 s0, s3;
	s0 =	sld [smem:$0x3FA6]  }
0x30: {  	s3 =	sld [smem:$0x3FA9]  }
0x31: {  	[smem:$0x3FB2] =	sst s10  }
0x32: {  	s10 =	sld [smem:$0x3FB0];
	_ =	sdelay $0x3  }
0x33: {  	p0 =	seq.s32 s10, $0x1;
	s10 =	sld [smem:$0x3FB2];
	_ =	sdelay $0x3  }
0x34: {  	[smem:$0x3FB2] =	sst s10  }
0x35: {  	s10 =	sld [smem:$0x3FB1];
	_ =	sdelay $0x3  }
0x36: {  	p1 =	seq.s32 s10, $0x1;
	s10 =	sld [smem:$0x3FB2];
	_ =	sdelay $0x3  }
0x37: {  	[smem:$0x3FB2] =	sst s10  }
0x38: {  	s10 =	sld [smem:$0x3FB3]  }
0x39: {  	_ = 	snop;
	(pc) =	sbr.ind lr, $3  }
0x3a: {  	_ = 	snop  }
0x3b: {  	_ = 	snop  }
0x3c: {  	p2 =	seq.s32 s10, $0x1;
	s10 =	sld [smem:$0x3FB2]  }
0x3d: {  	_ =	shalt  }
0x3e: {  	_ =	shalt  }
0x3f: {  	_ =	shalt  }
0x40: {  	_ =	shalt  }
0x41: {  	_ =	shalt  }
0x42: {  	_ =	shalt  }
0x43: {  	_ =	shalt  }
0x44: {  	_ =	shalt  }
0x45: {  	_ =	shalt  }
0x46: {  	_ =	shalt  }
0x47: {  	_ =	shalt  }
0x48: {  	_ =	shalt  }
0x49: {  	_ =	shalt  }
0x4a: {  	_ =	shalt  }
0x4b: {  	_ =	shalt  }
0x4c: {  	_ =	shalt  }
0x4d: {  	_ =	shalt  }
0x4e: {  	_ =	shalt  }
0x4f: {  	_ =	shalt  }
0x50: {  	_ =	shalt  }
0x51: {  	_ =	shalt  }
0x52: {  	_ =	shalt  }
0x53: {  	_ =	shalt  }
0x54: {  	_ =	shalt  }
0x55: {  	_ =	shalt  }
0x56: {  	_ =	shalt  }
0x57: {  	_ =	shalt  }
0x58: {  	_ =	shalt  }
0x59: {  	_ =	shalt  }
0x5a: {  	_ =	shalt  }
0x5b: {  	_ =	shalt  }
0x5c: {  	_ =	shalt  }
0x5d: {  	_ =	shalt  }
0x5e: {  	_ =	shalt  }
0x5f: {  	_ =	shalt  }
0x60: {  	_ =	shalt  }
0x61: {  	_ =	shalt  }
0x62: {  	_ =	shalt  }
0x63: {  	_ =	shalt  }
0x64: {  	_ =	shalt  }
0x65: {  	_ =	shalt  }
0x66: {  	_ =	shalt  }
0x67: {  	_ =	shalt  }
0x68: {  	_ =	shalt  }
0x69: {  	_ =	shalt  }
0x6a: {  	_ =	shalt  }
0x6b: {  	_ =	shalt  }
0x6c: {  	_ =	shalt  }
0x6d: {  	_ =	shalt  }
0x6e: {  	_ =	shalt  }
0x6f: {  	_ =	shalt  }
0x70: {  	_ =	shalt  }
0x71: {  	_ =	shalt  }
0x72: {  	_ =	shalt  }
0x73: {  	_ =	shalt  }
0x74: {  	_ =	shalt  }
0x75: {  	_ =	shalt  }
0x76: {  	_ =	shalt  }
0x77: {  	_ =	shalt  }
0x78: {  	_ =	shalt  }
0x79: {  	_ =	shalt  }
0x7a: {  	_ =	shalt  }
0x7b: {  	_ =	shalt  }
0x7c: {  	_ =	shalt  }
0x7d: {  	_ =	shalt  }
0x7e: {  	_ =	shalt  }
0x7f: {  	_ =	shalt  }
0x80: {  	_ =	shalt  }
0x81: {  	_ =	shalt  }
0x82: {  	_ =	shalt  }
0x83: {  	_ =	shalt  }
0x84: {  	_ =	shalt  }
0x85: {  	_ =	shalt  }
0x86: {  	_ =	shalt  }
0x87: {  	_ =	shalt  }
.Lfunc_end0:
.L_simem_size_0:
called_computation.2_lowered:
.L_overlay_start_0:
0x88: {  	s2 =	sld [smem:$0x3FD9]  }
0x89: {  	s3 =	sld [smem:$0x3FFE];
	_ =	sdelay $0x1  }
0x8a: {  	s1 =	srdreg.scid  }
0x8b: {  	s0 =	sand.u32 $0x1, s1  }
0x8c: {  	s14 =	sshll.u32 s0, $0xA;
	s2 =	sadd.s32 s3, s2  }
0x8d: {  	s2 =	sadd.s32 s2, s14  }
0x8e: {  	[smem:$0x3FBE] =	sst s2  }
0x8f: {  	_ = 	snop  }
0x90: {  	s2 =	sld [smem:$0x3FD0];
	_ =	sdelay $0x2  }
0x91: {  	s4 =	simm.s32 $0xA;
	s5 =	simm.s32 $0x10;
	s15 =	sld [smem:$0x3FC8]  }
0x92: {  	[smem:s5], [sflag:s4] =	dma.local [hbm:s2], $0x1  }
0x93: {  	_ =	swait.eq [sflag:s4], $0x1  }
0x94: {  	[sflag:s4] =	ssyncset.done $0x0  }
0x95: {  	[sflag:s4] =	ssyncadd.s32 $0xFFFFFFFF  }
0x96: {  	s16 =	sld [smem:$0x10];
	(tm) =	ssettm $0x1  }
0x97: {  	s17 =	sld [smem:$0x3FFB];
	_ =	sdelay $0x3  }
0x98: {  	_ =	strace s17  }
0x99: {  	s4 =	sld [smem:$0x3FFC];
	_ =	sdelay $0x3  }
0x9a: {  	_ =	strace s4  }
0x9b: {  	s4 =	sld [smem:$0x3FFD];
	_ =	sdelay $0x3  }
0x9c: {  	_ =	strace s4  }
0x9d: {  	_ =	strace $0x8FFFFFFF  }
0x9e: {  	s18 =	sld [smem:$0x3FDB];
	_ =	sdelay $0x1  }
0x9f: {  	s19 =	simm.s32 $_scs_section_size  }
0xa0: {  	s6 =	simm.s32 $_size__tile_overlayer_lowered;
	s7 =	simm.s32 $_tile_overlayer_lowered  }
0xa1: {  	s22 =	simm.s32 $0x1BFF;
	s21 =	sshll.u32 s7, $0x1;
	s4 =	sadd.s32 s19, s18  }
0xa2: {  	s8 =	simm.s32 $0x0;
	s20 =	sshll.u32 s6, $0x1;
	s6 =	sadd.s32 s21, s4  }
0xa3: {  	[timem:s8], [sflag:s22] =	dma.local [hbm:s6], s20  }
0xa4: {  	_ =	swait.ge [sflag:s22], s20  }
0xa5: {  	s5 =	ssub.s32 $0x0, s20;
	[sflag:s22] =	ssyncset.done $0x0  }
0xa6: {  	[sflag:s22] =	ssyncadd.s32 s5;
	_ =	sdelay $0x1  }
0xa7: {  	s23 =	simm.s32 $0x1B8B  }
0xa8: {  	_ =	swait.ge [sflag:s23], $0x1  }
0xa9: {  	[sflag:s23] =	ssyncset.done $0x0  }
0xaa: {  	s25 =	simm.s32 $0x1B8E;
	s24 =	sld [smem:$0x3FFE];
	[sflag:s23] =	ssyncadd.s32 $0xFFFFFFFF  }
0xab: {  	s26 =	simm.s32 $execute0_lowered;
	[smem:$0x3FD2] =	sst s25  }
0xac: {  	s6 =	sshll.u32 s26, $0x1;
	_ =	strace $0x8000004C;
	[dreg:$0x1] =	wrdreg $0xFFFFFFFF  }
0xad: {  	s28 =	simm.s32 $_size_execute0_lowered;
	s4 =	sadd.s32 s4, s6;
	[dreg:$0x0] =	wrdreg $0x0  }
0xae: {  	s6 =	sshll.u32 s28, $0x1;
	[dreg:$0x2] =	wrdreg s4  }
0xaf: {  	[dreg:$0x3] =	wrdreg s6  }
0xb0: {  	[dreg:$0x4] =	wrdreg $0xC0  }
0xb1: {  	_ =	task [dreg:s8], $0x5FFFF  }
0xb2: {  	[dreg:$0x1] =	wrdreg $0xFFFFFFFF  }
0xb3: {  	[dreg:$0x0] =	wrdreg $0x60  }
0xb4: {  	[dreg:$0x2] =	wrdreg s16  }
0xb5: {  	[dreg:$0x3] =	wrdreg s15  }
0xb6: {  	[dreg:$0x4] =	wrdreg s24  }
0xb7: {  	[dreg:$0x5] =	wrdreg $0x9  }
0xb8: {  	_ =	task.clear_ibuf [dreg:s8], $0x6FFFF;
	_ =	strace $0x9000004C  }
0xb9: {  	s29 =	simm.s32 $0x9;
	_ =	strace $0x8000004E  }
0xba: {  	_ =	swait.ge [sflag:s29], $0x1  }
0xbb: {  	[sflag:s29] =	ssyncadd.s32 $0xFFFFFFFF  }
0xbc: {  	_ =	strace $0x9000004E  }
0xbd: {  	_ =	sfence  }
0xbe: {  	s30 =	sld [smem:$0x0];
	_ =	sdelay $0x2  }
0xbf: {  	s31 =	sshll.u32 s1, $0xD;
	s1 =	sshrl.u32 s1, $0x2  }
0xc0: {  	s3 =	sand.u32 $0x4000, s31;
	s1 =	sadd.s32 s1, s30  }
0xc1: {  	s0 =	sor.u32 s3, s0;
	s1 =	sshll.u32 s1, $0x11  }
0xc2: {  	s0 =	sor.u32 s1, s0  }
0xc3: {  	s0 =	sadd.s32 $0x8F2B, s0  }
0xc4: {  	[sflag:s0] =	ssyncadd.remote.s32 $0x1  }
0xc5: {  	_ =	sfence.sel $0xFFFF  }
0xc6: {  	[dreg:$0x0] =	wrdreg $0xFFFFFFFF;
	(pc) =	sbr.abs _section_cstart, $3  }
0xc7: {  	[dreg:$0x1] =	wrdreg $0xFFFFFFFF  }
0xc8: {  	_ =	task.clear_ibuf [dreg:s8], $0x2FFFF;
	_ =	strace $0x9FFFFFFF  }
0xc9: {  	(tm) =	ssettm $0x7FFFFFFF  }
tec
execute0_lowered:
.L_overlay_start_1:
0x0: {  	(tag) =	ssettag $0x1  }
0x1: {  	s10 =	rddreg [dreg:$0x0]  }
0x2: {  	s0 =	srdreg.scid;
	s1 =	rddreg [dreg:$0x1]  }
0x3: {  	s9 =	stileid.u32;
	s4 =	rddreg [dreg:$0x2];
	s3 =	simm.s32 $0x0  }
0x4: {  	s17 =	simm.s32 $0x1;
	s0 =	sand.u32 $0x1, s0;
	s2 =	sshll.u32 s9, $0x1  }
0x5: {  	[smem:$0x7FF] =	sst s3;
	s20 =	sadd.s32 $0x500, s10;
	s13 =	smul.u32 $0x4E20, s9  }
0x6: {  	s21 =	sadd.s32 $0xA00, s10;
	s22 =	sadd.s32 $0xF00, s10;
	s30 =	smul.u32 $0x9C40, s9  }
0x7: {  	s2 =	sor.u32 s0, s2;
	_ =	strace $0x8000004D;
	[dreg:$0x6] =	wrdreg s20  }
0x8: {  	s5 =	ssub.s32 $0x2, s0;
	[dreg:$0x7] =	wrdreg s21;
	s15 =	smul.u32 $0x2710, s0  }
0x9: {  	[dreg:$0x8] =	wrdreg s22;
	s0 =	smul.u32 $0x4E20, s0;
	s20 =	simm.s32 $0xA000  }
0xa: {  	s21 =	simm.s32 $0xC800;
	s7 =	smul.u32 $0x2710, s2;
	s8 =	sshrl.u32 s5, $0x1  }
0xb: {  	s22 =	simm.s32 $0xF000;
	s2 =	smul.u32 $0x500, s2;
	s14 =	ssub.s32 s5, s8  }
0xc: {  	s26 =	sadd.s32 s15, s13;
	[dreg:$0x4] =	wrdreg s0;
	s6 =	sand.u32 $0x7FF80, s7  }
0xd: {  	s2 =	sadd.s32 s2, s4;
	s28 =	sand.u32 $0xFFF80, s26;
	s29 =	smax.u32 s14, $0x1  }
0xe: {  	s6 =	smin.u32 s6, $0x4BA00;
	s23 =	sadd.s32 $0x5A00, s2;
	[dreg:$0xe] =	wrdreg s29  }
0xf: {  	s24 =	sadd.s32 $0xFA00, s2;
	s25 =	sadd.s32 $0x19A00, s2;
	[dreg:$0xa] =	wrdreg s23  }
0x10: {  	s2 =	sadd.s32 $0x23A00, s2;
	s18 =	sshrl.u32 s6, $0x2;
	[dreg:$0xb] =	wrdreg s24  }
0x11: {  	s19 =	ssub.s32 s7, s6;
	s7 =	sand.u32 $0x70, s7;
	[dreg:$0xc] =	wrdreg s25  }
0x12: {  	[dreg:$0xd] =	wrdreg s2;
	s2 =	smin.u32 s28, $0x4BA00;
	s1 =	sadd.s32 s1, s18  }
0x13: {  	s23 =	simm.s32 $0x11800;
	[dreg:$0x5] =	wrdreg s1;
	s1 =	sshll.u32 s19, $0x1  }
0x14: {  	s24 =	simm.s32 $0x14000;
	s25 =	simm.s32 $0x16800;
	s1 =	sand.u32 $0xFFFFFF00, s1  }
0x15: {  	s31 =	sshll.u32 s2, $0x1;
	s18 =	simm.s32 $0x5000;
	s1 =	sor.u32 s7, s1  }
0x16: {  	s15 =	ssub.s32 s30, s31;
	[dreg:$0x9] =	wrdreg s1;
	s1 =	ssub.s32 s26, s2  }
0x17: {  	v0 =	vimm.f32 $0.0e+00;
	s19 =	simm.s32 $0x7800;
	s26 =	simm.s32 $0x0;
	s16 =	sadd.s32 $0x70, s1  }
.LBB2_1:
0x18: {  	s0 =	rddreg [dreg:$0x5]  }
0x19: {  	[tilespmem:s3], [sflag:$0x1] =	stream.linear.gather [hbm4b:s0+s3], $0x5000, $0x38;
	[tilespmem:$0x19000] =	vst v63  }
0x1a: {  	_ =	swait.ge [sflag:s17], $0x5000  }
0x1b: {  	[sflag:s17] =	ssyncset.done $0x0  }
0x1c: {  	[sflag:s17] =	ssyncadd.s32 $0xFFFFB000  }
0x1d: {  	s11 =	rddreg [dreg:$0x0]  }
0x1e: {  	[tilespmem:s18], [sflag:$0x1] =	stream.linear.gather [hbm4b:s11+s3], $0x2800, $0x38;
	[tilespmem:$0x19000] =	vst v63  }
0x1f: {  	_ =	swait.ge [sflag:s17], $0x2800  }
0x20: {  	[sflag:s17] =	ssyncset.done $0x0  }
0x21: {  	s12 =	rddreg [dreg:$0x6];
	[sflag:s17] =	ssyncadd.s32 $0xFFFFD800  }
0x22: {  	[tilespmem:s19], [sflag:$0x1] =	stream.linear.gather [hbm4b:s12+s3], $0x2800, $0x38;
	[tilespmem:$0x19000] =	vst v63  }
0x23: {  	_ =	swait.ge [sflag:s17], $0x2800  }
0x24: {  	[sflag:s17] =	ssyncset.done $0x0  }
0x25: {  	s13 =	rddreg [dreg:$0x7];
	[sflag:s17] =	ssyncadd.s32 $0xFFFFD800  }
0x26: {  	[tilespmem:s20], [sflag:$0x1] =	stream.linear.gather [hbm4b:s13+s3], $0x2800, $0x38;
	[tilespmem:$0x19000] =	vst v63  }
0x27: {  	_ =	swait.ge [sflag:s17], $0x2800  }
0x28: {  	[sflag:s17] =	ssyncset.done $0x0  }
0x29: {  	s14 =	rddreg [dreg:$0x8];
	[sflag:s17] =	ssyncadd.s32 $0xFFFFD800  }
0x2a: {  	[tilespmem:s21], [sflag:$0x1] =	stream.linear.gather [hbm4b:s14+s3], $0x2800, $0x38;
	[tilespmem:$0x19000] =	vst v63  }
0x2b: {  	_ =	swait.ge [sflag:s17], $0x2800  }
0x2c: {  	[sflag:s17] =	ssyncset.done $0x0  }
0x2d: {  	s30 =	simm.s32 $0xF040;
	[sflag:s17] =	ssyncadd.s32 $0xFFFFD800  }
0x2e: {  	[tilespmem:s30+$0x30] =	vst v0  }
0x2f: {  	[tilespmem:s30+$0xFFFFFFE0] =	vst v0  }
0x30: {  	[tilespmem:s30+$0xFFFFFFF0] =	vst v0  }
0x31: {  	[tilespmem:s30+$0x0] =	vst v0  }
0x32: {  	[tilespmem:s30+$0xFFFFFFC0] =	vst v0  }
0x33: {  	[tilespmem:s30+$0x10] =	vst v0  }
0x34: {  	[tilespmem:s30+$0x20] =	vst v0  }
0x35: {  	s29 =	simm.s32 $0x11840;
	[tilespmem:s30+$0xFFFFFFD0] =	vst v0  }
0x36: {  	[tilespmem:s29+$0x30] =	vst v0  }
0x37: {  	[tilespmem:s29+$0xFFFFFFC0] =	vst v0  }
0x38: {  	[tilespmem:s29+$0x10] =	vst v0  }
0x39: {  	[tilespmem:s29+$0xFFFFFFD0] =	vst v0  }
0x3a: {  	[tilespmem:s29+$0x20] =	vst v0  }
0x3b: {  	[tilespmem:s29+$0x0] =	vst v0  }
0x3c: {  	s28 =	simm.s32 $0x14040;
	[tilespmem:s29+$0xFFFFFFF0] =	vst v0  }
0x3d: {  	[tilespmem:s28+$0x30] =	vst v0  }
0x3e: {  	[tilespmem:s28+$0xFFFFFFC0] =	vst v0  }
0x3f: {  	[tilespmem:s28+$0x10] =	vst v0  }
0x40: {  	[tilespmem:s28+$0xFFFFFFD0] =	vst v0  }
0x41: {  	[tilespmem:s28+$0x20] =	vst v0  }
0x42: {  	[tilespmem:s28+$0x0] =	vst v0  }
0x43: {  	s31 =	simm.s32 $0x16840;
	[tilespmem:s28+$0xFFFFFFF0] =	vst v0  }
0x44: {  	[tilespmem:s31+$0x30] =	vst v0  }
0x45: {  	[tilespmem:s31+$0xFFFFFFC0] =	vst v0  }
0x46: {  	[tilespmem:s31+$0x10] =	vst v0  }
0x47: {  	[tilespmem:s31+$0xFFFFFFD0] =	vst v0  }
0x48: {  	s2 =	simm.s32 $0x0;
	s1 =	simm.s32 $0x168C0;
	s0 =	simm.s32 $0x140C0;
	[tilespmem:s31+$0x20] =	vst v0  }
.LBB2_2:
0x49: {  	s2 =	sadd.s32 $0x8, s2;
	[tilespmem:s29+$0xFFFFFFE0] =	vst v0;
	s30 =	sadd.s32 $0x80, s30;
	s29 =	sadd.s32 $0x80, s29  }
0x4a: {  	[tilespmem:s30+$0x30] =	vst v0;
	p0 =	slt.u32 s2, $0x278  }
0x4b: {  	[tilespmem:s29+$0x30] =	vst v0  }
0x4c: {  	[tilespmem:s0+$0x30] =	vst v0  }
0x4d: {  	[tilespmem:s31+$0xFFFFFFF0] =	vst v0  }
0x4e: {  	[tilespmem:s31+$0x0] =	vst v0  }
0x4f: {  	[tilespmem:s28+$0xFFFFFFE0] =	vst v0;
	s28 =	smov.u32 s0  }
0x50: {  	[tilespmem:s31+$0xFFFFFFE0] =	vst v0;
	s31 =	smov.u32 s1  }
0x51: {  	[tilespmem:s1+$0x30] =	vst v0  }
0x52: {  	[tilespmem:s30+$0xFFFFFFE0] =	vst v0  }
0x53: {  	[tilespmem:s30+$0xFFFFFFF0] =	vst v0  }
0x54: {  	[tilespmem:s30+$0x0] =	vst v0  }
0x55: {  	[tilespmem:s30+$0xFFFFFFC0] =	vst v0  }
0x56: {  	[tilespmem:s29+$0xFFFFFFC0] =	vst v0  }
0x57: {  	[tilespmem:s0+$0xFFFFFFC0] =	vst v0  }
0x58: {  	[tilespmem:s1+$0xFFFFFFC0] =	vst v0  }
0x59: {  	[tilespmem:s30+$0x10] =	vst v0  }
0x5a: {  	[tilespmem:s29+$0x10] =	vst v0  }
0x5b: {  	[tilespmem:s0+$0x10] =	vst v0  }
0x5c: {  	[tilespmem:s1+$0x10] =	vst v0  }
0x5d: {  	[tilespmem:s30+$0x20] =	vst v0  }
0x5e: {  	[tilespmem:s30+$0xFFFFFFD0] =	vst v0  }
0x5f: {  	[tilespmem:s29+$0xFFFFFFD0] =	vst v0  }
0x60: {  	[tilespmem:s0+$0xFFFFFFD0] =	vst v0  }
0x61: {  	[tilespmem:s1+$0xFFFFFFD0] =	vst v0  }
0x62: {  	[tilespmem:s29+$0x20] =	vst v0  }
0x63: {  	[tilespmem:s0+$0x20] =	vst v0  }
.Ltmp0:
0x64: {  	[tilespmem:s1+$0x20] =	vst v0;
	(pc) =	sbr.rel @p0 .LBB2_2-.Ltmp0, $4  }
0x65: {  	[tilespmem:s29+$0x0] =	vst v0  }
0x66: {  	[tilespmem:s0+$0x0] =	vst v0  }
0x67: {  	[tilespmem:s29+$0xFFFFFFF0] =	vst v0  }
0x68: {  	s1 =	sadd.s32 $0x80, s1;
	s0 =	sadd.s32 $0x80, s0;
	[tilespmem:s28+$0xFFFFFFF0] =	vst v0  }
0x69: {  	[tilespmem:s29+$0xFFFFFFE0] =	vst v0  }
0x6a: {  	[tilespmem:s31+$0xFFFFFFF0] =	vst v0  }
0x6b: {  	[tilespmem:s31+$0x0] =	vst v0  }
0x6c: {  	[tilespmem:s28+$0xFFFFFFE0] =	vst v0  }
0x6d: {  	[tilespmem:s31+$0xFFFFFFE0] =	vst v0  }
0x6e: {  	s0 =	rddreg [dreg:$0x4]  }
0x6f: {  	s0 =	sadd.s32 s15, s0  }
0x70: {  	s1 =	sadd.s32 $0xE0, s0  }
0x71: {  	s2 =	sand.u32 $0x70, s16;
	s5 =	sadd.s32 $0xFFFFFFB0, s16;
	s1 =	sand.u32 $0xFFFFFF00, s1  }
0x72: {  	s6 =	sadd.s32 $0xFFFFFFC0, s16;
	s28 =	sadd.s32 $0x40, s0;
	s1 =	sor.u32 s2, s1  }
0x73: {  	s5 =	sand.u32 $0x70, s5;
	s29 =	sadd.s32 $0x60, s0;
	s28 =	sand.u32 $0xFFFFFF00, s28;
	v7 =	vld [tilespmem:s1+$0x0]  }
0x74: {  	s6 =	sand.u32 $0x70, s6;
	s29 =	sand.u32 $0xFFFFFF00, s29;
	s5 =	sor.u32 s5, s28;
	v14 =	vld [tilespmem:s1+$0x80]  }
0x75: {  	s12 =	sadd.s32 $0xFFFFFFA0, s16;
	s8 =	sadd.s32 $0xFFFFFFD0, s16;
	s6 =	sor.u32 s6, s29;
	v1 =	vld [tilespmem:s5+$0x0]  }
0x76: {  	s14 =	sadd.s32 $0xFFFFFFE0, s16;
	s8 =	sand.u32 $0x70, s8;
	s11 =	sadd.s32 $0x20, s0;
	v2 =	vld [tilespmem:s6+$0x0]  }
0x77: {  	s31 =	sand.u32 $0x70, s12;
	s30 =	sadd.s32 $0x80, s0;
	s13 =	sand.u32 $0xFFFFFF00, s11;
	v12 =	vld [tilespmem:s5+$0x80]  }
0x78: {  	s4 =	sadd.s32 $0xA0, s0;
	s28 =	sand.u32 $0xFFFFFF00, s30;
	s1 =	sor.u32 s31, s13;
	v11 =	vld [tilespmem:s6+$0x80]  }
0x79: {  	s4 =	sand.u32 $0xFFFFFF00, s4;
	s2 =	sand.u32 $0x70, s14;
	s8 =	sor.u32 s8, s28;
	v15 =	vld [tilespmem:s1+$0x0]  }
0x7a: {  	s2 =	sor.u32 s2, s4;
	v3 =	vld [tilespmem:s8+$0x0]  }
0x7b: {  	s31 =	sadd.s32 $0xC0, s0;
	s28 =	sadd.s32 $0xFFFFFFF0, s16;
	v4 =	vld [tilespmem:s2+$0x0]  }
0x7c: {  	s4 =	sand.u32 $0xFFFFFF00, s31;
	s28 =	sand.u32 $0x70, s28;
	v13 =	vld [tilespmem:s1+$0x80]  }
0x7d: {  	v10 =	vld [tilespmem:s8+$0x80];
	s4 =	sor.u32 s28, s4  }
0x7e: {  	v6 =	vld [tilespmem:s4+$0x0]  }
0x7f: {  	v9 =	vld [tilespmem:s2+$0x80]  }
0x80: {  	v5 =	vld.idx.msk [tilespmem:v7+s18+$0x0], $0xffff  }
0x81: {  	v17 =	vld.idx.msk [tilespmem:v1+s18+$0x0], $0xffff  }
0x82: {  	v18 =	vld.idx.msk [tilespmem:v2+s18+$0x0], $0xffff  }
0x83: {  	v16 =	vld.idx.msk [tilespmem:v15+s18+$0x0], $0xffff  }
0x84: {  	v19 =	vld.idx.msk [tilespmem:v3+s18+$0x0], $0xffff  }
0x85: {  	v20 =	vld.idx.msk [tilespmem:v4+s18+$0x0], $0xffff  }
0x86: {  	s0 =	sand.u32 $0xFFFFFF00, s0;
	v21 =	vld.idx.msk [tilespmem:v6+s18+$0x0], $0xffff  }
0x87: {  	s0 =	sor.u32 s0, s7;
	[tilespmem:v14+s22+$0x0] =	vst.idx.add.f32.msk $0xffff, v5  }
0x88: {  	v5 =	vld [tilespmem:s0+$0x0]  }
0x89: {  	[tilespmem:v12+s22+$0x0] =	vst.idx.add.f32.msk $0xffff, v17  }
0x8a: {  	[tilespmem:v11+s22+$0x0] =	vst.idx.add.f32.msk $0xffff, v18  }
0x8b: {  	v8 =	vld.idx.msk [tilespmem:v7+s19+$0x0], $0xffff  }
0x8c: {  	[tilespmem:v13+s22+$0x0] =	vst.idx.add.f32.msk $0xffff, v16  }
0x8d: {  	[tilespmem:v10+s22+$0x0] =	vst.idx.add.f32.msk $0xffff, v19  }
0x8e: {  	[tilespmem:v9+s22+$0x0] =	vst.idx.add.f32.msk $0xffff, v20  }
0x8f: {  	v58 =	vld.idx.msk [tilespmem:v1+s19+$0x0], $0xffff  }
0x90: {  	v59 =	vld.idx.msk [tilespmem:v2+s19+$0x0], $0xffff  }
0x91: {  	v60 =	vld.idx.msk [tilespmem:v3+s19+$0x0], $0xffff  }
0x92: {  	v61 =	vld.idx.msk [tilespmem:v4+s19+$0x0], $0xffff  }
0x93: {  	[tilespmem:v14+s23+$0x0] =	vst.idx.add.f32.msk $0xffff, v8  }
0x94: {  	[tilespmem:v12+s23+$0x0] =	vst.idx.add.f32.msk $0xffff, v58  }
0x95: {  	v8 =	vld.idx.msk [tilespmem:v7+s20+$0x0], $0xffff  }
0x96: {  	[tilespmem:v11+s23+$0x0] =	vst.idx.add.f32.msk $0xffff, v59  }
0x97: {  	[tilespmem:v10+s23+$0x0] =	vst.idx.add.f32.msk $0xffff, v60  }
0x98: {  	[tilespmem:v9+s23+$0x0] =	vst.idx.add.f32.msk $0xffff, v61  }
0x99: {  	v16 =	vld.idx.msk [tilespmem:v1+s20+$0x0], $0xffff  }
0x9a: {  	[tilespmem:v14+s24+$0x0] =	vst.idx.add.f32.msk $0xffff, v8  }
0x9b: {  	v7 =	vld.idx.msk [tilespmem:v7+s21+$0x0], $0xffff  }
0x9c: {  	v17 =	vld.idx.msk [tilespmem:v2+s20+$0x0], $0xffff  }
0x9d: {  	v22 =	vld.idx.msk [tilespmem:v5+s18+$0x0], $0xffff  }
0x9e: {  	v18 =	vld.idx.msk [tilespmem:v3+s20+$0x0], $0xffff  }
0x9f: {  	v8 =	vld [tilespmem:s4+$0x80]  }
0xa0: {  	[tilespmem:v14+s25+$0x0] =	vst.idx.add.f32.msk $0xffff, v7  }
0xa1: {  	v7 =	vld [tilespmem:s0+$0x80]  }
0xa2: {  	v19 =	vld.idx.msk [tilespmem:v4+s20+$0x0], $0xffff  }
0xa3: {  	[tilespmem:v12+s24+$0x0] =	vst.idx.add.f32.msk $0xffff, v16  }
0xa4: {  	[tilespmem:v11+s24+$0x0] =	vst.idx.add.f32.msk $0xffff, v17  }
0xa5: {  	[tilespmem:v10+s24+$0x0] =	vst.idx.add.f32.msk $0xffff, v18  }
0xa6: {  	v14 =	vld.idx.msk [tilespmem:v15+s19+$0x0], $0xffff  }
0xa7: {  	[tilespmem:v8+s22+$0x0] =	vst.idx.add.f32.msk $0xffff, v21  }
0xa8: {  	v62 =	vld.idx.msk [tilespmem:v6+s19+$0x0], $0xffff  }
0xa9: {  	[tilespmem:v7+s22+$0x0] =	vst.idx.add.f32.msk $0xffff, v22  }
0xaa: {  	v63 =	vld.idx.msk [tilespmem:v5+s19+$0x0], $0xffff  }
0xab: {  	[tilespmem:v13+s23+$0x0] =	vst.idx.add.f32.msk $0xffff, v14  }
0xac: {  	v14 =	vld.idx.msk [tilespmem:v15+s20+$0x0], $0xffff  }
0xad: {  	[tilespmem:v8+s23+$0x0] =	vst.idx.add.f32.msk $0xffff, v62  }
0xae: {  	v20 =	vld.idx.msk [tilespmem:v6+s20+$0x0], $0xffff  }
0xaf: {  	[tilespmem:v7+s23+$0x0] =	vst.idx.add.f32.msk $0xffff, v63  }
0xb0: {  	v21 =	vld.idx.msk [tilespmem:v5+s20+$0x0], $0xffff  }
0xb1: {  	[tilespmem:v9+s24+$0x0] =	vst.idx.add.f32.msk $0xffff, v19  }
0xb2: {  	[tilespmem:v13+s24+$0x0] =	vst.idx.add.f32.msk $0xffff, v14  }
0xb3: {  	v14 =	vld.idx.msk [tilespmem:v15+s21+$0x0], $0xffff  }
0xb4: {  	[tilespmem:v8+s24+$0x0] =	vst.idx.add.f32.msk $0xffff, v20  }
0xb5: {  	s29 =	smov.u32 s15;
	s30 =	smov.u32 s16;
	s28 =	simm.s32 $0x0;
	[tilespmem:v7+s24+$0x0] =	vst.idx.add.f32.msk $0xffff, v21  }
.LBB2_4:
0xb6: {  	v1 =	vld.idx.msk [tilespmem:v1+s21+$0x0], $0xffff  }
0xb7: {  	v2 =	vld.idx.msk [tilespmem:v2+s21+$0x0], $0xffff  }
0xb8: {  	s0 =	rddreg [dreg:$0x4];
	v3 =	vld.idx.msk [tilespmem:v3+s21+$0x0], $0xffff;
	s29 =	sadd.s32 $0x100, s29  }
0xb9: {  	v4 =	vld.idx.msk [tilespmem:v4+s21+$0x0], $0xffff;
	s0 =	sadd.s32 s29, s0  }
0xba: {  	v6 =	vld.idx.msk [tilespmem:v6+s21+$0x0], $0xffff;
	s30 =	sadd.s32 $0x80, s30;
	s2 =	sadd.s32 $0xE0, s0  }
0xbb: {  	v5 =	vld.idx.msk [tilespmem:v5+s21+$0x0], $0xffff;
	s5 =	sand.u32 $0x70, s30;
	s2 =	sand.u32 $0xFFFFFF00, s2  }
0xbc: {  	s2 =	sor.u32 s5, s2;
	[tilespmem:v13+s25+$0x0] =	vst.idx.add.f32.msk $0xffff, v14  }
0xbd: {  	v14 =	vld [tilespmem:s2+$0x0]  }
0xbe: {  	[tilespmem:v12+s25+$0x0] =	vst.idx.add.f32.msk $0xffff, v1  }
0xbf: {  	[tilespmem:v11+s25+$0x0] =	vst.idx.add.f32.msk $0xffff, v2  }
0xc0: {  	s11 =	sadd.s32 $0xFFFFFFB0, s30;
	s12 =	sadd.s32 $0xFFFFFFC0, s30;
	s13 =	sadd.s32 $0xFFFFFFD0, s30;
	[tilespmem:v10+s25+$0x0] =	vst.idx.add.f32.msk $0xffff, v3  }
0xc1: {  	s14 =	sadd.s32 $0xFFFFFFE0, s30;
	s9 =	sadd.s32 $0xFFFFFFF0, s30;
	s4 =	sadd.s32 $0x40, s0;
	[tilespmem:v9+s25+$0x0] =	vst.idx.add.f32.msk $0xffff, v4  }
0xc2: {  	s6 =	sadd.s32 $0x60, s0;
	s8 =	sadd.s32 $0x80, s0;
	s31 =	sadd.s32 $0xA0, s0;
	[tilespmem:v8+s25+$0x0] =	vst.idx.add.f32.msk $0xffff, v6  }
0xc3: {  	s10 =	sadd.s32 $0xC0, s0;
	s11 =	sand.u32 $0x70, s11;
	s4 =	sand.u32 $0xFFFFFF00, s4;
	v15 =	vld [tilespmem:s2+$0x80]  }
0xc4: {  	s12 =	sand.u32 $0x70, s12;
	s6 =	sand.u32 $0xFFFFFF00, s6;
	s11 =	sor.u32 s11, s4;
	[tilespmem:v7+s25+$0x0] =	vst.idx.add.f32.msk $0xffff, v5  }
0xc5: {  	s13 =	sand.u32 $0x70, s13;
	s8 =	sand.u32 $0xFFFFFF00, s8;
	s12 =	sor.u32 s12, s6;
	v1 =	vld [tilespmem:s11+$0x0]  }
0xc6: {  	s14 =	sand.u32 $0x70, s14;
	s31 =	sand.u32 $0xFFFFFF00, s31;
	s13 =	sor.u32 s13, s8;
	v2 =	vld [tilespmem:s12+$0x0]  }
0xc7: {  	s9 =	sand.u32 $0x70, s9;
	s10 =	sand.u32 $0xFFFFFF00, s10;
	s14 =	sor.u32 s14, s31;
	v3 =	vld [tilespmem:s13+$0x0]  }
0xc8: {  	s31 =	sor.u32 s9, s10;
	v4 =	vld [tilespmem:s14+$0x0]  }
0xc9: {  	v6 =	vld [tilespmem:s31+$0x0]  }
0xca: {  	v12 =	vld [tilespmem:s11+$0x80]  }
0xcb: {  	v11 =	vld [tilespmem:s12+$0x80]  }
0xcc: {  	s1 =	sadd.s32 $0x20, s0;
	s5 =	sadd.s32 $0xFFFFFFA0, s30;
	v10 =	vld [tilespmem:s13+$0x80]  }
0xcd: {  	s1 =	sand.u32 $0xFFFFFF00, s1;
	s5 =	sand.u32 $0x70, s5;
	v9 =	vld [tilespmem:s14+$0x80]  }
0xce: {  	s1 =	sor.u32 s5, s1;
	v8 =	vld [tilespmem:s31+$0x80]  }
0xcf: {  	v16 =	vld [tilespmem:s1+$0x0]  }
0xd0: {  	v13 =	vld [tilespmem:s1+$0x80]  }
0xd1: {  	v5 =	vld.idx.msk [tilespmem:v14+s18+$0x0], $0xffff  }
0xd2: {  	v18 =	vld.idx.msk [tilespmem:v1+s18+$0x0], $0xffff  }
0xd3: {  	v19 =	vld.idx.msk [tilespmem:v2+s18+$0x0], $0xffff  }
0xd4: {  	v20 =	vld.idx.msk [tilespmem:v3+s18+$0x0], $0xffff  }
0xd5: {  	v21 =	vld.idx.msk [tilespmem:v4+s18+$0x0], $0xffff  }
0xd6: {  	v22 =	vld.idx.msk [tilespmem:v6+s18+$0x0], $0xffff  }
0xd7: {  	s0 =	sand.u32 $0xFFFFFF00, s0;
	v17 =	vld.idx.msk [tilespmem:v16+s18+$0x0], $0xffff  }
0xd8: {  	s0 =	sor.u32 s0, s7;
	[tilespmem:v15+s22+$0x0] =	vst.idx.add.f32.msk $0xffff, v5  }
0xd9: {  	v5 =	vld [tilespmem:s0+$0x0]  }
0xda: {  	v7 =	vld.idx.msk [tilespmem:v14+s19+$0x0], $0xffff  }
0xdb: {  	[tilespmem:v12+s22+$0x0] =	vst.idx.add.f32.msk $0xffff, v18  }
0xdc: {  	[tilespmem:v11+s22+$0x0] =	vst.idx.add.f32.msk $0xffff, v19  }
0xdd: {  	[tilespmem:v10+s22+$0x0] =	vst.idx.add.f32.msk $0xffff, v20  }
0xde: {  	[tilespmem:v9+s22+$0x0] =	vst.idx.add.f32.msk $0xffff, v21  }
0xdf: {  	[tilespmem:v8+s22+$0x0] =	vst.idx.add.f32.msk $0xffff, v22  }
0xe0: {  	[tilespmem:v13+s22+$0x0] =	vst.idx.add.f32.msk $0xffff, v17  }
0xe1: {  	v59 =	vld.idx.msk [tilespmem:v2+s19+$0x0], $0xffff  }
0xe2: {  	v60 =	vld.idx.msk [tilespmem:v3+s19+$0x0], $0xffff  }
0xe3: {  	v61 =	vld.idx.msk [tilespmem:v4+s19+$0x0], $0xffff  }
0xe4: {  	[tilespmem:v15+s23+$0x0] =	vst.idx.add.f32.msk $0xffff, v7  }
0xe5: {  	v7 =	vld.idx.msk [tilespmem:v14+s20+$0x0], $0xffff  }
0xe6: {  	v62 =	vld.idx.msk [tilespmem:v6+s19+$0x0], $0xffff  }
0xe7: {  	[tilespmem:v11+s23+$0x0] =	vst.idx.add.f32.msk $0xffff, v59  }
0xe8: {  	[tilespmem:v10+s23+$0x0] =	vst.idx.add.f32.msk $0xffff, v60  }
0xe9: {  	[tilespmem:v9+s23+$0x0] =	vst.idx.add.f32.msk $0xffff, v61  }
0xea: {  	[tilespmem:v15+s24+$0x0] =	vst.idx.add.f32.msk $0xffff, v7  }
0xeb: {  	v7 =	vld.idx.msk [tilespmem:v14+s21+$0x0], $0xffff  }
0xec: {  	[tilespmem:v8+s23+$0x0] =	vst.idx.add.f32.msk $0xffff, v62  }
0xed: {  	v23 =	vld.idx.msk [tilespmem:v5+s18+$0x0], $0xffff  }
0xee: {  	v17 =	vld.idx.msk [tilespmem:v2+s20+$0x0], $0xffff  }
0xef: {  	v18 =	vld.idx.msk [tilespmem:v3+s20+$0x0], $0xffff  }
0xf0: {  	[tilespmem:v15+s25+$0x0] =	vst.idx.add.f32.msk $0xffff, v7  }
0xf1: {  	v7 =	vld [tilespmem:s0+$0x80]  }
0xf2: {  	v19 =	vld.idx.msk [tilespmem:v4+s20+$0x0], $0xffff  }
0xf3: {  	v20 =	vld.idx.msk [tilespmem:v6+s20+$0x0], $0xffff  }
0xf4: {  	v14 =	vld.idx.msk [tilespmem:v16+s19+$0x0], $0xffff  }
0xf5: {  	[tilespmem:v11+s24+$0x0] =	vst.idx.add.f32.msk $0xffff, v17  }
0xf6: {  	[tilespmem:v10+s24+$0x0] =	vst.idx.add.f32.msk $0xffff, v18  }
0xf7: {  	[tilespmem:v9+s24+$0x0] =	vst.idx.add.f32.msk $0xffff, v19  }
0xf8: {  	v15 =	vld.idx.msk [tilespmem:v1+s19+$0x0], $0xffff  }
0xf9: {  	[tilespmem:v7+s22+$0x0] =	vst.idx.add.f32.msk $0xffff, v23  }
0xfa: {  	v63 =	vld.idx.msk [tilespmem:v5+s19+$0x0], $0xffff  }
0xfb: {  	[tilespmem:v13+s23+$0x0] =	vst.idx.add.f32.msk $0xffff, v14  }
0xfc: {  	v14 =	vld.idx.msk [tilespmem:v16+s20+$0x0], $0xffff  }
0xfd: {  	[tilespmem:v12+s23+$0x0] =	vst.idx.add.f32.msk $0xffff, v15  }
0xfe: {  	v15 =	vld.idx.msk [tilespmem:v1+s20+$0x0], $0xffff  }
0xff: {  	s28 =	sadd.s32 $0x8, s28;
	[tilespmem:v7+s23+$0x0] =	vst.idx.add.f32.msk $0xffff, v63  }
0x100: {  	p0 =	slt.u32 s28, $0x268;
	v21 =	vld.idx.msk [tilespmem:v5+s20+$0x0], $0xffff  }
.Ltmp1:
0x101: {  	[tilespmem:v8+s24+$0x0] =	vst.idx.add.f32.msk $0xffff, v20;
	(pc) =	sbr.rel @p0 .LBB2_4-.Ltmp1, $4  }
0x102: {  	[tilespmem:v13+s24+$0x0] =	vst.idx.add.f32.msk $0xffff, v14  }
0x103: {  	v14 =	vld.idx.msk [tilespmem:v16+s21+$0x0], $0xffff  }
0x104: {  	[tilespmem:v12+s24+$0x0] =	vst.idx.add.f32.msk $0xffff, v15  }
0x105: {  	[tilespmem:v7+s24+$0x0] =	vst.idx.add.f32.msk $0xffff, v21  }
0x106: {  	_ =	sdelay $0x3  }
0x107: {  	v1 =	vld.idx.msk [tilespmem:v1+s21+$0x0], $0xffff  }
0x108: {  	v2 =	vld.idx.msk [tilespmem:v2+s21+$0x0], $0xffff  }
0x109: {  	v3 =	vld.idx.msk [tilespmem:v3+s21+$0x0], $0xffff  }
0x10a: {  	v4 =	vld.idx.msk [tilespmem:v4+s21+$0x0], $0xffff  }
0x10b: {  	v6 =	vld.idx.msk [tilespmem:v6+s21+$0x0], $0xffff  }
0x10c: {  	v5 =	vld.idx.msk [tilespmem:v5+s21+$0x0], $0xffff  }
0x10d: {  	[tilespmem:v13+s25+$0x0] =	vst.idx.add.f32.msk $0xffff, v14  }
0x10e: {  	[tilespmem:v12+s25+$0x0] =	vst.idx.add.f32.msk $0xffff, v1  }
0x10f: {  	[tilespmem:v11+s25+$0x0] =	vst.idx.add.f32.msk $0xffff, v2  }
0x110: {  	[tilespmem:v10+s25+$0x0] =	vst.idx.add.f32.msk $0xffff, v3  }
0x111: {  	[tilespmem:v9+s25+$0x0] =	vst.idx.add.f32.msk $0xffff, v4  }
0x112: {  	[tilespmem:v8+s25+$0x0] =	vst.idx.add.f32.msk $0xffff, v6  }
0x113: {  	[tilespmem:v7+s25+$0x0] =	vst.idx.add.f32.msk $0xffff, v5  }
0x114: {  	s0 =	rddreg [dreg:$0x9]  }
0x115: {  	v1 =	vld [tilespmem:s0+$0x4E00];
	_ =	sdelay $0x4  }
0x116: {  	v2 =	vld [tilespmem:s0+$0x4E80];
	_ =	sdelay $0x2  }
0x117: {  	v3 =	vld.idx.msk [tilespmem:v1+s18+$0x0], $0xffff;
	_ =	sdelay $0x4  }
0x118: {  	[tilespmem:v2+s22+$0x0] =	vst.idx.add.f32.msk $0xffff, v3  }
0x119: {  	v3 =	vld.idx.msk [tilespmem:v1+s19+$0x0], $0xffff;
	_ =	sdelay $0x4  }
0x11a: {  	[tilespmem:v2+s23+$0x0] =	vst.idx.add.f32.msk $0xffff, v3  }
0x11b: {  	v3 =	vld.idx.msk [tilespmem:v1+s20+$0x0], $0xffff;
	_ =	sdelay $0x4  }
0x11c: {  	[tilespmem:v2+s24+$0x0] =	vst.idx.add.f32.msk $0xffff, v3  }
0x11d: {  	v1 =	vld.idx.msk [tilespmem:v1+s21+$0x0], $0xffff;
	_ =	sdelay $0x4  }
0x11e: {  	s14 =	rddreg [dreg:$0xa];
	[tilespmem:v2+s25+$0x0] =	vst.idx.add.f32.msk $0xffff, v1  }
0x11f: {  	[hbm4b:s14+s3] =	stream.linear.scatter [tilespmem:s22], [sflag:$0x1], $0x2800, $0x38;
	[tilespmem:$0x19000] =	vst v63  }
0x120: {  	_ =	swait.ge [sflag:s17], $0x2800  }
0x121: {  	[sflag:s17] =	ssyncset.done $0x0  }
0x122: {  	s28 =	rddreg [dreg:$0xb];
	[sflag:s17] =	ssyncadd.s32 $0xFFFFD800  }
0x123: {  	[hbm4b:s28+s3] =	stream.linear.scatter [tilespmem:s23], [sflag:$0x1], $0x2800, $0x38;
	[tilespmem:$0x19000] =	vst v63  }
0x124: {  	_ =	swait.ge [sflag:s17], $0x2800  }
0x125: {  	[sflag:s17] =	ssyncset.done $0x0  }
0x126: {  	s29 =	rddreg [dreg:$0xc];
	[sflag:s17] =	ssyncadd.s32 $0xFFFFD800  }
0x127: {  	[hbm4b:s29+s3] =	stream.linear.scatter [tilespmem:s24], [sflag:$0x1], $0x2800, $0x38;
	[tilespmem:$0x19000] =	vst v63  }
0x128: {  	_ =	swait.ge [sflag:s17], $0x2800  }
0x129: {  	[sflag:s17] =	ssyncset.done $0x0  }
0x12a: {  	s30 =	rddreg [dreg:$0xd];
	[sflag:s17] =	ssyncadd.s32 $0xFFFFD800  }
0x12b: {  	[hbm4b:s30+s3] =	stream.linear.scatter [tilespmem:s25], [sflag:$0x1], $0x2800, $0x38;
	[tilespmem:$0x19000] =	vst v63  }
0x12c: {  	_ =	swait.ge [sflag:s17], $0x2800  }
0x12d: {  	s26 =	sadd.s32 $0x1, s26;
	s31 =	rddreg [dreg:$0xe]  }
0x12e: {  	p0 =	sne.s32 s26, s31  }
.Ltmp2:
0x12f: {  	_ = 	snop;
	(pc) =	sbr.rel @p0 .LBB2_1-.Ltmp2, $3  }
0x130: {  	_ =	sdelay $0x1  }
0x131: {  	[sflag:s17] =	ssyncset.done $0x0  }
0x132: {  	[sflag:s17] =	ssyncadd.s32 $0xFFFFD800  }
0x133: {  	_ =	sfence.sel $0x180000  }
0x134: {  	[bflag:$0x0] =	sbarrier.arrive $0xFFFF  }
0x135: {  	_ =	strace $0x9000004D  }
0x136: {  	s0 =	stileid.u32;
	[bflag:$0x2] =	sbarrier.arrive $0xFFFF  }
0x137: {  	p0 =	sne.s32 s0, $0x0;
	s0 =	rddreg [dreg:$0x3]  }
0x138: {  	s0 =	sadd.s32 @!p0 $0x100000, s0  }
0x139: {  	[sflag:s0] =	ssyncadd.tile.s32 @!p0 $0x1;
	_ =	shalt  }
.Lfunc_end2:
_tile_overlayer_lowered:
.L_overlay_start_2:
0x13a: {  	(tag) =	ssettag $0x2  }
0x13b: {  	s0 =	rddreg [dreg:$0x0];
	s2 =	stileid.u32  }
0x13c: {  	s1 =	rddreg [dreg:$0x1];
	p0 =	sne.s32 s2, $0x0  }
0x13d: {  	s3 =	rddreg [dreg:$0x2];
	[bflag:$0x3] =	sbarrier.arrive $0xFFFF;
	s2 =	simm.s32 @!p0 $0x1C01  }
0x13e: {  	[timem:s3], [sflag:s2] =	dma.local @!p0 [hbm:s0], s1  }
0x13f: {  	s0 =	simm.s32 @!p0 $0x1  }
0x140: {  	_ =	swait.ge @!p0 [sflag:s0], s1  }
0x141: {  	s1 =	ssub.s32 @!p0 $0x0, s1;
	[sflag:s0] =	ssyncset.done @!p0 $0x0  }
0x142: {  	[sflag:s0] =	ssyncadd.s32 @!p0 s1  }
0x143: {  	[bflag:$0x3] =	sbarrier.arrive $0xFFFF  }
0x144: {  	_ =	shalt  }

// kernel: kernel.19.cloned.1.call-start
scs
__scs_entry_jumppad:
0x0: {  	(pc) =	sbr.rel $0x88, $3  }
0x1: {  	(tag) =	ssettag $0x0;
	lr =	simm.s32 $0x1  }
0x2: {  	[smem:$0x3F97] =	sst lr;
	_ =	strace $0xD0000000  }
0x3: {  	_ = 	snop  }
0x4: {  	_ = 	snop  }
0x5: {  	_ = 	snop  }
0x6: {  	_ = 	snop  }
0x7: {  	_ = 	snop  }
__scs_overlays_trampoline_lowered:
0x8: {  	[smem:$0x3FA6] =	sst s0  }
0x9: {  	[smem:$0x3FA7] =	sst s1  }
0xa: {  	[smem:$0x3FA8] =	sst s2  }
0xb: {  	[smem:$0x3FA9] =	sst s3  }
0xc: {  	[smem:$0x3FAA] =	sst s4  }
0xd: {  	[smem:$0x3FAB] =	sst s5  }
0xe: {  	[smem:$0x3FAC] =	sst s6  }
0xf: {  	[smem:$0x3FAD] =	sst s7  }
0x10: {  	[smem:$0x3FAE] =	sst s8  }
0x11: {  	[smem:$0x3FAF] =	sst s9;
	s0 =	simm.s32 @!p0 $0x0  }
0x12: {  	s1 =	sld [smem:$0x3F95];
	s0 =	simm.s32 @p0 $0x1  }
0x13: {  	[smem:$0x3FB0] =	sst s0;
	s0 =	simm.s32 @!p1 $0x0  }
0x14: {  	s2 =	sld [smem:$0x3F94];
	s0 =	simm.s32 @p1 $0x1  }
0x15: {  	[smem:$0x3FB1] =	sst s0;
	s0 =	simm.s32 @!p2 $0x0  }
0x16: {  	s3 =	sld [smem:$0x3FDB];
	s0 =	simm.s32 @p2 $0x1  }
0x17: {  	s4 =	simm.s32 $0x1BF5;
	[smem:$0x3FB3] =	sst s0  }
0x18: {  	s0 =	sld [smem:$0x3F96];
	_ =	swait.ge [sflag:s4], $0x0  }
0x19: {  	s7 =	sld [smem:$0x3F97]  }
0x1a: {  	s8 =	sadd.s32 $0xFFFFE003, lr  }
0x1b: {  	s9 =	sadd.s32 $0xFFFFFEF7, lr;
	s5 =	simm.s32 $0xFFFFFFFF;
	p2 =	slt.u32 s8, $0xFFFFF086  }
0x1c: {  	p1 =	slt.u32 s9, $0xF7A;
	s5 =	simm.s32 @!p2 $0x0  }
0x1d: {  	s5 =	simm.s32 @p1 $0x1;
	p0 =	seq.s32 s7, s2  }
0x1e: {  	s7 =	smul.u32 @!p0 $0xF7A, s2;
	p2 =	seq.s32 @!p0 s5, $0x0  }
0x1f: {  	s9 =	smul.u32 $0xF7A, s1;
	s8 =	simm.s32 @!p0 $0x1BF5;
	p2 =	por !p2, p0  }
0x20: {  	[sflag:s8] =	ssyncset.s32 @!p0 $0xFFFFF086;
	s6 =	sadd.s32 @!p0 s3, s7;
	s7 =	simm.s32 @!p0 $0x108  }
0x21: {  	s3 =	sadd.s32 s3, s9;
	s6 =	sadd.s32 @!p0 $0x88, s6;
	s7 =	simm.s32 @p2 $0x1082  }
0x22: {  	[simem:s7], [sflag:s8] =	dma.local @!p0 [hbm:s6], $0xF7A  }
0x23: {  	s9 =	sor.u32 $0xD0000000, s2;
	s6 =	simm.s32 $0x108;
	_ =	swait.ge @!p0 [sflag:s8], $0x0  }
0x24: {  	s3 =	sadd.s32 $0x88, s3;
	s6 =	simm.s32 @!p1 $0x1082;
	[sflag:s4] =	ssyncset.s32 $0xFFFFF086  }
0x25: {  	[simem:s6], [sflag:s4] =	dma.local [hbm:s3], $0xF7A  }
0x26: {  	[smem:$0x3F97] =	sst s1;
	(tag) =	ssettag s2;
	_ =	strace s9  }
0x27: {  	s1 =	sld [smem:$0x3FA7]  }
0x28: {  	s2 =	sld [smem:$0x3FA8]  }
0x29: {  	s4 =	sld [smem:$0x3FAA]  }
0x2a: {  	p0 =	seq.s32 s5, $0x0;
	s5 =	sld [smem:$0x3FAB]  }
0x2b: {  	s6 =	sld [smem:$0x3FAC]  }
0x2c: {  	s7 =	sld [smem:$0x3FAD]  }
0x2d: {  	s3 =	simm.s32 $0x108;
	s8 =	sld [smem:$0x3FAE]  }
0x2e: {  	s3 =	simm.s32 @!p0 $0x1082;
	s9 =	sld [smem:$0x3FAF]  }
0x2f: {  	lr =	sadd.s32 s0, s3;
	s0 =	sld [smem:$0x3FA6]  }
0x30: {  	s3 =	sld [smem:$0x3FA9]  }
0x31: {  	[smem:$0x3FB2] =	sst s10  }
0x32: {  	s10 =	sld [smem:$0x3FB0];
	_ =	sdelay $0x3  }
0x33: {  	p0 =	seq.s32 s10, $0x1;
	s10 =	sld [smem:$0x3FB2];
	_ =	sdelay $0x3  }
0x34: {  	[smem:$0x3FB2] =	sst s10  }
0x35: {  	s10 =	sld [smem:$0x3FB1];
	_ =	sdelay $0x3  }
0x36: {  	p1 =	seq.s32 s10, $0x1;
	s10 =	sld [smem:$0x3FB2];
	_ =	sdelay $0x3  }
0x37: {  	[smem:$0x3FB2] =	sst s10  }
0x38: {  	s10 =	sld [smem:$0x3FB3]  }
0x39: {  	_ = 	snop;
	(pc) =	sbr.ind lr, $3  }
0x3a: {  	_ = 	snop  }
0x3b: {  	_ = 	snop  }
0x3c: {  	p2 =	seq.s32 s10, $0x1;
	s10 =	sld [smem:$0x3FB2]  }
0x3d: {  	_ =	shalt  }
0x3e: {  	_ =	shalt  }
0x3f: {  	_ =	shalt  }
0x40: {  	_ =	shalt  }
0x41: {  	_ =	shalt  }
0x42: {  	_ =	shalt  }
0x43: {  	_ =	shalt  }
0x44: {  	_ =	shalt  }
0x45: {  	_ =	shalt  }
0x46: {  	_ =	shalt  }
0x47: {  	_ =	shalt  }
0x48: {  	_ =	shalt  }
0x49: {  	_ =	shalt  }
0x4a: {  	_ =	shalt  }
0x4b: {  	_ =	shalt  }
0x4c: {  	_ =	shalt  }
0x4d: {  	_ =	shalt  }
0x4e: {  	_ =	shalt  }
0x4f: {  	_ =	shalt  }
0x50: {  	_ =	shalt  }
0x51: {  	_ =	shalt  }
0x52: {  	_ =	shalt  }
0x53: {  	_ =	shalt  }
0x54: {  	_ =	shalt  }
0x55: {  	_ =	shalt  }
0x56: {  	_ =	shalt  }
0x57: {  	_ =	shalt  }
0x58: {  	_ =	shalt  }
0x59: {  	_ =	shalt  }
0x5a: {  	_ =	shalt  }
0x5b: {  	_ =	shalt  }
0x5c: {  	_ =	shalt  }
0x5d: {  	_ =	shalt  }
0x5e: {  	_ =	shalt  }
0x5f: {  	_ =	shalt  }
0x60: {  	_ =	shalt  }
0x61: {  	_ =	shalt  }
0x62: {  	_ =	shalt  }
0x63: {  	_ =	shalt  }
0x64: {  	_ =	shalt  }
0x65: {  	_ =	shalt  }
0x66: {  	_ =	shalt  }
0x67: {  	_ =	shalt  }
0x68: {  	_ =	shalt  }
0x69: {  	_ =	shalt  }
0x6a: {  	_ =	shalt  }
0x6b: {  	_ =	shalt  }
0x6c: {  	_ =	shalt  }
0x6d: {  	_ =	shalt  }
0x6e: {  	_ =	shalt  }
0x6f: {  	_ =	shalt  }
0x70: {  	_ =	shalt  }
0x71: {  	_ =	shalt  }
0x72: {  	_ =	shalt  }
0x73: {  	_ =	shalt  }
0x74: {  	_ =	shalt  }
0x75: {  	_ =	shalt  }
0x76: {  	_ =	shalt  }
0x77: {  	_ =	shalt  }
0x78: {  	_ =	shalt  }
0x79: {  	_ =	shalt  }
0x7a: {  	_ =	shalt  }
0x7b: {  	_ =	shalt  }
0x7c: {  	_ =	shalt  }
0x7d: {  	_ =	shalt  }
0x7e: {  	_ =	shalt  }
0x7f: {  	_ =	shalt  }
0x80: {  	_ =	shalt  }
0x81: {  	_ =	shalt  }
0x82: {  	_ =	shalt  }
0x83: {  	_ =	shalt  }
0x84: {  	_ =	shalt  }
0x85: {  	_ =	shalt  }
0x86: {  	_ =	shalt  }
0x87: {  	_ =	shalt  }
.Lfunc_end0:
.L_simem_size_0:
called_computation.3_lowered:
.L_overlay_start_0:
0x88: {  	s2 =	sld [smem:$0x3FD9]  }
0x89: {  	s3 =	sld [smem:$0x3FFE];
	_ =	sdelay $0x1  }
0x8a: {  	s1 =	srdreg.scid  }
0x8b: {  	s0 =	sand.u32 $0x1, s1  }
0x8c: {  	s14 =	sshll.u32 s0, $0xA;
	s2 =	sadd.s32 s3, s2  }
0x8d: {  	s2 =	sadd.s32 s2, s14  }
0x8e: {  	[smem:$0x3FBE] =	sst s2  }
0x8f: {  	_ = 	snop  }
0x90: {  	s2 =	sld [smem:$0x3FD0];
	_ =	sdelay $0x2  }
0x91: {  	s4 =	simm.s32 $0xA;
	s5 =	simm.s32 $0x10;
	s15 =	sld [smem:$0x3FC8]  }
0x92: {  	[smem:s5], [sflag:s4] =	dma.local [hbm:s2], $0x1  }
0x93: {  	_ =	swait.eq [sflag:s4], $0x1  }
0x94: {  	[sflag:s4] =	ssyncset.done $0x0  }
0x95: {  	[sflag:s4] =	ssyncadd.s32 $0xFFFFFFFF  }
0x96: {  	s16 =	sld [smem:$0x10];
	(tm) =	ssettm $0x1  }
0x97: {  	s17 =	sld [smem:$0x3FFB];
	_ =	sdelay $0x3  }
0x98: {  	_ =	strace s17  }
0x99: {  	s4 =	sld [smem:$0x3FFC];
	_ =	sdelay $0x3  }
0x9a: {  	_ =	strace s4  }
0x9b: {  	s4 =	sld [smem:$0x3FFD];
	_ =	sdelay $0x3  }
0x9c: {  	_ =	strace s4  }
0x9d: {  	_ =	strace $0x8FFFFFFF  }
0x9e: {  	s18 =	sld [smem:$0x3FDB];
	_ =	sdelay $0x1  }
0x9f: {  	s19 =	simm.s32 $_scs_section_size  }
0xa0: {  	s6 =	simm.s32 $_size__tile_overlayer_lowered;
	s7 =	simm.s32 $_tile_overlayer_lowered  }
0xa1: {  	s22 =	simm.s32 $0x1BFF;
	s21 =	sshll.u32 s7, $0x1;
	s4 =	sadd.s32 s19, s18  }
0xa2: {  	s8 =	simm.s32 $0x0;
	s20 =	sshll.u32 s6, $0x1;
	s6 =	sadd.s32 s21, s4  }
0xa3: {  	[timem:s8], [sflag:s22] =	dma.local [hbm:s6], s20  }
0xa4: {  	_ =	swait.ge [sflag:s22], s20  }
0xa5: {  	s5 =	ssub.s32 $0x0, s20;
	[sflag:s22] =	ssyncset.done $0x0  }
0xa6: {  	[sflag:s22] =	ssyncadd.s32 s5;
	_ =	sdelay $0x1  }
0xa7: {  	s23 =	simm.s32 $0x1B8B  }
0xa8: {  	_ =	swait.ge [sflag:s23], $0x1  }
0xa9: {  	[sflag:s23] =	ssyncset.done $0x0  }
0xaa: {  	s25 =	simm.s32 $0x1B8E;
	s24 =	sld [smem:$0x3FFE];
	[sflag:s23] =	ssyncadd.s32 $0xFFFFFFFF  }
0xab: {  	s26 =	simm.s32 $execute0_lowered;
	[smem:$0x3FD2] =	sst s25  }
0xac: {  	s6 =	sshll.u32 s26, $0x1;
	_ =	strace $0x8000004F;
	[dreg:$0x1] =	wrdreg $0xFFFFFFFF  }
0xad: {  	s28 =	simm.s32 $_size_execute0_lowered;
	s4 =	sadd.s32 s4, s6;
	[dreg:$0x0] =	wrdreg $0x0  }
0xae: {  	s6 =	sshll.u32 s28, $0x1;
	[dreg:$0x2] =	wrdreg s4  }
0xaf: {  	[dreg:$0x3] =	wrdreg s6  }
0xb0: {  	[dreg:$0x4] =	wrdreg $0xC0  }
0xb1: {  	_ =	task [dreg:s8], $0x5FFFF  }
0xb2: {  	[dreg:$0x1] =	wrdreg $0xFFFFFFFF  }
0xb3: {  	[dreg:$0x0] =	wrdreg $0x60  }
0xb4: {  	[dreg:$0x2] =	wrdreg s16  }
0xb5: {  	[dreg:$0x3] =	wrdreg s15  }
0xb6: {  	[dreg:$0x4] =	wrdreg s24  }
0xb7: {  	[dreg:$0x5] =	wrdreg $0x9  }
0xb8: {  	_ =	task.clear_ibuf [dreg:s8], $0x6FFFF;
	_ =	strace $0x9000004F  }
0xb9: {  	s29 =	simm.s32 $0x9;
	_ =	strace $0x80000051  }
0xba: {  	_ =	swait.ge [sflag:s29], $0x1  }
0xbb: {  	[sflag:s29] =	ssyncadd.s32 $0xFFFFFFFF  }
0xbc: {  	_ =	strace $0x90000051  }
0xbd: {  	_ =	sfence  }
0xbe: {  	s30 =	sld [smem:$0x0];
	_ =	sdelay $0x2  }
0xbf: {  	s31 =	sshll.u32 s1, $0xD;
	s1 =	sshrl.u32 s1, $0x2  }
0xc0: {  	s3 =	sand.u32 $0x4000, s31;
	s1 =	sadd.s32 s1, s30  }
0xc1: {  	s0 =	sor.u32 s3, s0;
	s1 =	sshll.u32 s1, $0x11  }
0xc2: {  	s0 =	sor.u32 s1, s0  }
0xc3: {  	s0 =	sadd.s32 $0x8F2B, s0  }
0xc4: {  	[sflag:s0] =	ssyncadd.remote.s32 $0x1  }
0xc5: {  	_ =	sfence.sel $0xFFFF  }
0xc6: {  	[dreg:$0x0] =	wrdreg $0xFFFFFFFF;
	(pc) =	sbr.abs _section_cstart, $3  }
0xc7: {  	[dreg:$0x1] =	wrdreg $0xFFFFFFFF  }
0xc8: {  	_ =	task.clear_ibuf [dreg:s8], $0x2FFFF;
	_ =	strace $0x9FFFFFFF  }
0xc9: {  	(tm) =	ssettm $0x7FFFFFFF  }
tec
execute0_lowered:
.L_overlay_start_1:
0x0: {  	(tag) =	ssettag $0x1  }
0x1: {  	s1 =	rddreg [dreg:$0x0]  }
0x2: {  	s2 =	srdreg.scid;
	s4 =	rddreg [dreg:$0x1]  }
0x3: {  	s0 =	stileid.u32;
	s5 =	rddreg [dreg:$0x2]  }
0x4: {  	s3 =	simm.s32 $0x0;
	s16 =	simm.s32 $0xA000;
	s17 =	simm.s32 $0xC800  }
0x5: {  	s18 =	simm.s32 $0x0;
	s9 =	sand.u32 $0x1, s2;
	s25 =	smul.u32 $0x4E20, s0  }
0x6: {  	s20 =	sshll.u32 s0, $0x1;
	[smem:$0x7FF] =	sst s3;
	s31 =	smul.u32 $0x9C40, s0  }
0x7: {  	s1 =	sadd.s32 $0x500, s1;
	s6 =	sor.u32 s9, s20;
	s13 =	smul.u32 $0x2710, s9  }
0x8: {  	_ =	strace $0x80000050;
	s8 =	ssub.s32 $0x2, s9;
	s30 =	smul.u32 $0x4E20, s9  }
0x9: {  	[dreg:$0x6] =	wrdreg s1;
	s7 =	smul.u32 $0x2710, s6;
	s21 =	sshrl.u32 s8, $0x1  }
0xa: {  	s6 =	smul.u32 $0x500, s6;
	s23 =	ssub.s32 s8, s21;
	s29 =	sadd.s32 s13, s25  }
0xb: {  	[dreg:$0x4] =	wrdreg s30;
	s13 =	simm.s32 $0x1;
	s10 =	sand.u32 $0x7FF80, s7  }
0xc: {  	s11 =	sadd.s32 s6, s5;
	s5 =	sand.u32 $0x70, s7;
	s14 =	sand.u32 $0xFFF80, s29  }
0xd: {  	s22 =	smin.u32 s10, $0x4BA00;
	s8 =	sadd.s32 $0x5A00, s11;
	s9 =	sadd.s32 $0xFA00, s11  }
0xe: {  	s14 =	smin.u32 s14, $0x4BA00;
	s10 =	smax.u32 s23, $0x1;
	s24 =	ssub.s32 s7, s22  }
0xf: {  	s6 =	sshrl.u32 s22, $0x2;
	s15 =	sshll.u32 s14, $0x1;
	s12 =	sshll.u32 s24, $0x1  }
0x10: {  	s26 =	sadd.s32 s4, s6;
	s11 =	ssub.s32 s31, s15;
	s15 =	simm.s32 $0x7800  }
0x11: {  	[dreg:$0x5] =	wrdreg s26;
	s28 =	sand.u32 $0xFFFFFF00, s12;
	s12 =	ssub.s32 s29, s14  }
0x12: {  	v0 =	vimm.f32 $0.0e+00;
	s14 =	simm.s32 $0x5000;
	s7 =	sor.u32 s5, s28;
	s12 =	sadd.s32 $0x70, s12  }
.LBB2_1:
0x13: {  	s0 =	rddreg [dreg:$0x5]  }
0x14: {  	[tilespmem:s3], [sflag:$0x1] =	stream.linear.gather [hbm4b:s0+s3], $0x5000, $0x38;
	[tilespmem:$0xF000] =	vst v63  }
0x15: {  	_ =	swait.ge [sflag:s13], $0x5000  }
0x16: {  	[sflag:s13] =	ssyncset.done $0x0  }
0x17: {  	[sflag:s13] =	ssyncadd.s32 $0xFFFFB000  }
0x18: {  	s30 =	rddreg [dreg:$0x0]  }
0x19: {  	[tilespmem:s14], [sflag:$0x1] =	stream.linear.gather [hbm4b:s30+s3], $0x2800, $0x38;
	[tilespmem:$0xF000] =	vst v63  }
0x1a: {  	_ =	swait.ge [sflag:s13], $0x2800  }
0x1b: {  	[sflag:s13] =	ssyncset.done $0x0  }
0x1c: {  	s31 =	rddreg [dreg:$0x6];
	[sflag:s13] =	ssyncadd.s32 $0xFFFFD800  }
0x1d: {  	[tilespmem:s15], [sflag:$0x1] =	stream.linear.gather [hbm4b:s31+s3], $0x2800, $0x38;
	[tilespmem:$0xF000] =	vst v63  }
0x1e: {  	_ =	swait.ge [sflag:s13], $0x2800  }
0x1f: {  	[sflag:s13] =	ssyncset.done $0x0  }
0x20: {  	s19 =	simm.s32 $0xA040;
	[sflag:s13] =	ssyncadd.s32 $0xFFFFD800  }
0x21: {  	[tilespmem:s19+$0x30] =	vst v0  }
0x22: {  	[tilespmem:s19+$0xFFFFFFF0] =	vst v0  }
0x23: {  	[tilespmem:s19+$0xFFFFFFC0] =	vst v0  }
0x24: {  	[tilespmem:s19+$0xFFFFFFE0] =	vst v0  }
0x25: {  	[tilespmem:s19+$0x10] =	vst v0  }
0x26: {  	[tilespmem:s19+$0x20] =	vst v0  }
0x27: {  	[tilespmem:s19+$0x0] =	vst v0  }
0x28: {  	s20 =	simm.s32 $0xC840;
	[tilespmem:s19+$0xFFFFFFD0] =	vst v0  }
0x29: {  	[tilespmem:s20+$0xFFFFFFC0] =	vst v0  }
0x2a: {  	[tilespmem:s20+$0x30] =	vst v0  }
0x2b: {  	[tilespmem:s20+$0x20] =	vst v0  }
0x2c: {  	[tilespmem:s20+$0x10] =	vst v0  }
0x2d: {  	[tilespmem:s20+$0xFFFFFFE0] =	vst v0  }
0x2e: {  	[tilespmem:s20+$0x0] =	vst v0  }
0x2f: {  	s21 =	simm.s32 $0x0;
	[tilespmem:s20+$0xFFFFFFF0] =	vst v0  }
.LBB2_2:
0x30: {  	s21 =	sadd.s32 $0x8, s21;
	[tilespmem:s20+$0xFFFFFFD0] =	vst v0;
	s19 =	sadd.s32 $0x80, s19;
	s20 =	sadd.s32 $0x80, s20  }
0x31: {  	[tilespmem:s19+$0x30] =	vst v0;
	p0 =	slt.u32 s21, $0x278  }
0x32: {  	[tilespmem:s19+$0xFFFFFFF0] =	vst v0  }
0x33: {  	[tilespmem:s19+$0xFFFFFFC0] =	vst v0  }
0x34: {  	[tilespmem:s20+$0xFFFFFFC0] =	vst v0  }
0x35: {  	[tilespmem:s20+$0x30] =	vst v0  }
0x36: {  	[tilespmem:s19+$0xFFFFFFE0] =	vst v0  }
0x37: {  	[tilespmem:s19+$0x10] =	vst v0  }
0x38: {  	[tilespmem:s19+$0x20] =	vst v0  }
0x39: {  	[tilespmem:s20+$0x20] =	vst v0  }
0x3a: {  	[tilespmem:s20+$0x10] =	vst v0  }
.Ltmp0:
0x3b: {  	[tilespmem:s20+$0xFFFFFFE0] =	vst v0;
	(pc) =	sbr.rel @p0 .LBB2_2-.Ltmp0, $4  }
0x3c: {  	[tilespmem:s19+$0x0] =	vst v0  }
0x3d: {  	[tilespmem:s20+$0x0] =	vst v0  }
0x3e: {  	[tilespmem:s20+$0xFFFFFFF0] =	vst v0  }
0x3f: {  	[tilespmem:s19+$0xFFFFFFD0] =	vst v0  }
0x40: {  	[tilespmem:s20+$0xFFFFFFD0] =	vst v0  }
0x41: {  	s19 =	rddreg [dreg:$0x4]  }
0x42: {  	s19 =	sadd.s32 s11, s19  }
0x43: {  	s21 =	sand.u32 $0x70, s12;
	s28 =	sadd.s32 $0xFFFFFFB0, s12;
	s31 =	sadd.s32 $0xE0, s19  }
0x44: {  	s29 =	sadd.s32 $0xFFFFFFC0, s12;
	s30 =	sadd.s32 $0xFFFFFFD0, s12;
	s20 =	sand.u32 $0xFFFFFF00, s31  }
0x45: {  	s28 =	sand.u32 $0x70, s28;
	s22 =	sadd.s32 $0x40, s19;
	s20 =	sor.u32 s21, s20  }
0x46: {  	s4 =	sand.u32 $0x70, s29;
	s23 =	sadd.s32 $0x60, s19;
	s22 =	sand.u32 $0xFFFFFF00, s22;
	v1 =	vld [tilespmem:s20+$0x0]  }
0x47: {  	s24 =	sadd.s32 $0x80, s19;
	s23 =	sand.u32 $0xFFFFFF00, s23;
	s22 =	sor.u32 s28, s22;
	v4 =	vld [tilespmem:s20+$0x80]  }
0x48: {  	s6 =	sand.u32 $0x70, s30;
	s24 =	sand.u32 $0xFFFFFF00, s24;
	s23 =	sor.u32 s4, s23;
	v3 =	vld [tilespmem:s22+$0x0]  }
0x49: {  	s24 =	sor.u32 s6, s24;
	v7 =	vld [tilespmem:s23+$0x0]  }
0x4a: {  	v5 =	vld [tilespmem:s24+$0x0]  }
0x4b: {  	s25 =	sadd.s32 $0xFFFFFFA0, s12;
	s2 =	sadd.s32 $0xFFFFFFE0, s12;
	s0 =	sadd.s32 $0x20, s19;
	v13 =	vld [tilespmem:s22+$0x80]  }
0x4c: {  	s25 =	sand.u32 $0x70, s25;
	s26 =	sadd.s32 $0xA0, s19;
	s1 =	sand.u32 $0xFFFFFF00, s0;
	v12 =	vld [tilespmem:s23+$0x80]  }
0x4d: {  	s29 =	sand.u32 $0xFFFFFF00, s26;
	s21 =	sand.u32 $0x70, s2;
	s20 =	sor.u32 s25, s1;
	v11 =	vld [tilespmem:s24+$0x80]  }
0x4e: {  	s21 =	sor.u32 s21, s29;
	v2 =	vld [tilespmem:s20+$0x0]  }
0x4f: {  	v6 =	vld [tilespmem:s21+$0x0]  }
0x50: {  	s30 =	sadd.s32 $0xC0, s19;
	s31 =	sadd.s32 $0xFFFFFFF0, s12;
	v14 =	vld [tilespmem:s20+$0x80]  }
0x51: {  	s26 =	sand.u32 $0x70, s31;
	s25 =	sand.u32 $0xFFFFFF00, s30;
	v10 =	vld [tilespmem:s21+$0x80]  }
0x52: {  	s25 =	sor.u32 s26, s25;
	v8 =	vld.idx.msk [tilespmem:v1+s14+$0x0], $0xffff  }
0x53: {  	v9 =	vld [tilespmem:s25+$0x0]  }
0x54: {  	v16 =	vld.idx.msk [tilespmem:v3+s14+$0x0], $0xffff  }
0x55: {  	v17 =	vld.idx.msk [tilespmem:v7+s14+$0x0], $0xffff  }
0x56: {  	v18 =	vld.idx.msk [tilespmem:v5+s14+$0x0], $0xffff  }
0x57: {  	[tilespmem:v4+s16+$0x0] =	vst.idx.add.f32.msk $0xffff, v8  }
0x58: {  	s19 =	sand.u32 $0xFFFFFF00, s19;
	v1 =	vld.idx.msk [tilespmem:v1+s15+$0x0], $0xffff  }
0x59: {  	s19 =	sor.u32 s19, s5;
	v15 =	vld.idx.msk [tilespmem:v2+s14+$0x0], $0xffff  }
0x5a: {  	v8 =	vld [tilespmem:s19+$0x0]  }
0x5b: {  	v19 =	vld.idx.msk [tilespmem:v6+s14+$0x0], $0xffff  }
0x5c: {  	v20 =	vld.idx.msk [tilespmem:v9+s14+$0x0], $0xffff  }
0x5d: {  	[tilespmem:v4+s17+$0x0] =	vst.idx.add.f32.msk $0xffff, v1  }
0x5e: {  	v4 =	vld [tilespmem:s25+$0x80]  }
0x5f: {  	v1 =	vld [tilespmem:s19+$0x80]  }
0x60: {  	[tilespmem:v13+s16+$0x0] =	vst.idx.add.f32.msk $0xffff, v16  }
0x61: {  	[tilespmem:v12+s16+$0x0] =	vst.idx.add.f32.msk $0xffff, v17  }
0x62: {  	v21 =	vld.idx.msk [tilespmem:v8+s14+$0x0], $0xffff  }
0x63: {  	[tilespmem:v11+s16+$0x0] =	vst.idx.add.f32.msk $0xffff, v18  }
0x64: {  	[tilespmem:v14+s16+$0x0] =	vst.idx.add.f32.msk $0xffff, v15  }
0x65: {  	[tilespmem:v10+s16+$0x0] =	vst.idx.add.f32.msk $0xffff, v19  }
0x66: {  	[tilespmem:v4+s16+$0x0] =	vst.idx.add.f32.msk $0xffff, v20  }
0x67: {  	s20 =	smov.u32 s11;
	s21 =	smov.u32 s12;
	s19 =	simm.s32 $0x0;
	[tilespmem:v1+s16+$0x0] =	vst.idx.add.f32.msk $0xffff, v21  }
.LBB2_4:
0x68: {  	v2 =	vld.idx.msk [tilespmem:v2+s15+$0x0], $0xffff  }
0x69: {  	s22 =	rddreg [dreg:$0x4];
	v3 =	vld.idx.msk [tilespmem:v3+s15+$0x0], $0xffff;
	s20 =	sadd.s32 $0x100, s20  }
0x6a: {  	v7 =	vld.idx.msk [tilespmem:v7+s15+$0x0], $0xffff;
	s22 =	sadd.s32 s20, s22  }
0x6b: {  	v5 =	vld.idx.msk [tilespmem:v5+s15+$0x0], $0xffff;
	s21 =	sadd.s32 $0x80, s21;
	s23 =	sadd.s32 $0x20, s22;
	s24 =	sadd.s32 $0xE0, s22  }
0x6c: {  	v6 =	vld.idx.msk [tilespmem:v6+s15+$0x0], $0xffff;
	s25 =	sadd.s32 $0x40, s22;
	s28 =	sadd.s32 $0x60, s22;
	s29 =	sadd.s32 $0x80, s22  }
0x6d: {  	v9 =	vld.idx.msk [tilespmem:v9+s15+$0x0], $0xffff;
	s30 =	sadd.s32 $0xA0, s22;
	s31 =	sadd.s32 $0xC0, s22;
	s22 =	sand.u32 $0xFFFFFF00, s22  }
0x6e: {  	v15 =	vld.idx.msk [tilespmem:v8+s15+$0x0], $0xffff;
	s26 =	sand.u32 $0x70, s21;
	s24 =	sand.u32 $0xFFFFFF00, s24;
	s22 =	sor.u32 s22, s5  }
0x6f: {  	s24 =	sor.u32 s26, s24;
	v23 =	vld [tilespmem:s22+$0x80]  }
0x70: {  	v8 =	vld [tilespmem:s24+$0x0]  }
0x71: {  	[tilespmem:v14+s17+$0x0] =	vst.idx.add.f32.msk $0xffff, v2  }
0x72: {  	[tilespmem:v13+s17+$0x0] =	vst.idx.add.f32.msk $0xffff, v3  }
0x73: {  	[tilespmem:v12+s17+$0x0] =	vst.idx.add.f32.msk $0xffff, v7  }
0x74: {  	s2 =	sadd.s32 $0xFFFFFFB0, s21;
	[tilespmem:v11+s17+$0x0] =	vst.idx.add.f32.msk $0xffff, v5  }
0x75: {  	s0 =	sadd.s32 $0xFFFFFFC0, s21;
	s1 =	sadd.s32 $0xFFFFFFD0, s21;
	s4 =	sadd.s32 $0xFFFFFFE0, s21;
	[tilespmem:v10+s17+$0x0] =	vst.idx.add.f32.msk $0xffff, v6  }
0x76: {  	s6 =	sadd.s32 $0xFFFFFFF0, s21;
	s2 =	sand.u32 $0x70, s2;
	s25 =	sand.u32 $0xFFFFFF00, s25;
	v10 =	vld [tilespmem:s24+$0x80]  }
0x77: {  	s0 =	sand.u32 $0x70, s0;
	s28 =	sand.u32 $0xFFFFFF00, s28;
	s2 =	sor.u32 s2, s25;
	[tilespmem:v4+s17+$0x0] =	vst.idx.add.f32.msk $0xffff, v9  }
0x78: {  	s1 =	sand.u32 $0x70, s1;
	s29 =	sand.u32 $0xFFFFFF00, s29;
	s0 =	sor.u32 s0, s28;
	v3 =	vld [tilespmem:s2+$0x0]  }
0x79: {  	s4 =	sand.u32 $0x70, s4;
	s30 =	sand.u32 $0xFFFFFF00, s30;
	s1 =	sor.u32 s1, s29;
	v7 =	vld [tilespmem:s0+$0x0]  }
0x7a: {  	s6 =	sand.u32 $0x70, s6;
	s31 =	sand.u32 $0xFFFFFF00, s31;
	s4 =	sor.u32 s4, s30;
	v5 =	vld [tilespmem:s1+$0x0]  }
0x7b: {  	s6 =	sor.u32 s6, s31;
	v6 =	vld [tilespmem:s4+$0x0]  }
0x7c: {  	v9 =	vld [tilespmem:s6+$0x0]  }
0x7d: {  	s26 =	sadd.s32 $0xFFFFFFA0, s21;
	v13 =	vld [tilespmem:s2+$0x80]  }
0x7e: {  	s23 =	sand.u32 $0xFFFFFF00, s23;
	s26 =	sand.u32 $0x70, s26;
	v12 =	vld [tilespmem:s0+$0x80]  }
0x7f: {  	s23 =	sor.u32 s26, s23;
	v11 =	vld [tilespmem:s1+$0x80]  }
0x80: {  	v2 =	vld [tilespmem:s23+$0x0]  }
0x81: {  	v4 =	vld.idx.msk [tilespmem:v8+s14+$0x0], $0xffff  }
0x82: {  	v14 =	vld [tilespmem:s23+$0x80]  }
0x83: {  	v17 =	vld.idx.msk [tilespmem:v3+s14+$0x0], $0xffff  }
0x84: {  	v18 =	vld.idx.msk [tilespmem:v7+s14+$0x0], $0xffff  }
0x85: {  	v19 =	vld.idx.msk [tilespmem:v5+s14+$0x0], $0xffff  }
0x86: {  	[tilespmem:v10+s16+$0x0] =	vst.idx.add.f32.msk $0xffff, v4  }
0x87: {  	v4 =	vld.idx.msk [tilespmem:v8+s15+$0x0], $0xffff  }
0x88: {  	v20 =	vld.idx.msk [tilespmem:v6+s14+$0x0], $0xffff  }
0x89: {  	v21 =	vld.idx.msk [tilespmem:v9+s14+$0x0], $0xffff  }
0x8a: {  	v8 =	vld [tilespmem:s22+$0x0]  }
0x8b: {  	v16 =	vld.idx.msk [tilespmem:v2+s14+$0x0], $0xffff  }
0x8c: {  	[tilespmem:v10+s17+$0x0] =	vst.idx.add.f32.msk $0xffff, v4  }
0x8d: {  	v10 =	vld [tilespmem:s4+$0x80]  }
0x8e: {  	v4 =	vld [tilespmem:s6+$0x80]  }
0x8f: {  	[tilespmem:v13+s16+$0x0] =	vst.idx.add.f32.msk $0xffff, v17  }
0x90: {  	[tilespmem:v12+s16+$0x0] =	vst.idx.add.f32.msk $0xffff, v18  }
0x91: {  	s19 =	sadd.s32 $0x8, s19;
	[tilespmem:v11+s16+$0x0] =	vst.idx.add.f32.msk $0xffff, v19  }
0x92: {  	p0 =	slt.u32 s19, $0x268;
	v22 =	vld.idx.msk [tilespmem:v8+s14+$0x0], $0xffff  }
.Ltmp1:
0x93: {  	[tilespmem:v14+s16+$0x0] =	vst.idx.add.f32.msk $0xffff, v16;
	(pc) =	sbr.rel @p0 .LBB2_4-.Ltmp1, $4  }
0x94: {  	[tilespmem:v1+s17+$0x0] =	vst.idx.add.f32.msk $0xffff, v15  }
0x95: {  	[tilespmem:v10+s16+$0x0] =	vst.idx.add.f32.msk $0xffff, v20  }
0x96: {  	[tilespmem:v4+s16+$0x0] =	vst.idx.add.f32.msk $0xffff, v21  }
0x97: {  	v1 =	vmov v23;
	[tilespmem:v23+s16+$0x0] =	vst.idx.add.f32.msk $0xffff, v22  }
0x98: {  	_ =	sdelay $0x3  }
0x99: {  	v2 =	vld.idx.msk [tilespmem:v2+s15+$0x0], $0xffff  }
0x9a: {  	v3 =	vld.idx.msk [tilespmem:v3+s15+$0x0], $0xffff  }
0x9b: {  	v7 =	vld.idx.msk [tilespmem:v7+s15+$0x0], $0xffff  }
0x9c: {  	v5 =	vld.idx.msk [tilespmem:v5+s15+$0x0], $0xffff  }
0x9d: {  	v6 =	vld.idx.msk [tilespmem:v6+s15+$0x0], $0xffff  }
0x9e: {  	v9 =	vld.idx.msk [tilespmem:v9+s15+$0x0], $0xffff  }
0x9f: {  	v8 =	vld.idx.msk [tilespmem:v8+s15+$0x0], $0xffff  }
0xa0: {  	[tilespmem:v14+s17+$0x0] =	vst.idx.add.f32.msk $0xffff, v2  }
0xa1: {  	[tilespmem:v13+s17+$0x0] =	vst.idx.add.f32.msk $0xffff, v3  }
0xa2: {  	[tilespmem:v12+s17+$0x0] =	vst.idx.add.f32.msk $0xffff, v7  }
0xa3: {  	[tilespmem:v11+s17+$0x0] =	vst.idx.add.f32.msk $0xffff, v5  }
0xa4: {  	[tilespmem:v10+s17+$0x0] =	vst.idx.add.f32.msk $0xffff, v6  }
0xa5: {  	[tilespmem:v4+s17+$0x0] =	vst.idx.add.f32.msk $0xffff, v9  }
0xa6: {  	[tilespmem:v1+s17+$0x0] =	vst.idx.add.f32.msk $0xffff, v8  }
0xa7: {  	v1 =	vld [tilespmem:s7+$0x4E00];
	_ =	sdelay $0x4  }
0xa8: {  	v2 =	vld [tilespmem:s7+$0x4E80];
	_ =	sdelay $0x2  }
0xa9: {  	v3 =	vld.idx.msk [tilespmem:v1+s14+$0x0], $0xffff;
	_ =	sdelay $0x4  }
0xaa: {  	[tilespmem:v2+s16+$0x0] =	vst.idx.add.f32.msk $0xffff, v3  }
0xab: {  	v1 =	vld.idx.msk [tilespmem:v1+s15+$0x0], $0xffff;
	_ =	sdelay $0x4  }
0xac: {  	[tilespmem:v2+s17+$0x0] =	vst.idx.add.f32.msk $0xffff, v1  }
0xad: {  	[hbm4b:s8+s3] =	stream.linear.scatter [tilespmem:s16], [sflag:$0x1], $0x2800, $0x38;
	[tilespmem:$0xF000] =	vst v63  }
0xae: {  	s18 =	sadd.s32 $0x1, s18;
	_ =	swait.ge [sflag:s13], $0x2800  }
0xaf: {  	p0 =	sne.s32 s18, s10;
	[sflag:s13] =	ssyncset.done $0x0  }
.Ltmp2:
0xb0: {  	[sflag:s13] =	ssyncadd.s32 $0xFFFFD800;
	(pc) =	sbr.rel @p0 .LBB2_1-.Ltmp2, $4  }
0xb1: {  	[hbm4b:s9+s3] =	stream.linear.scatter [tilespmem:s17], [sflag:$0x1], $0x2800, $0x38;
	[tilespmem:$0xF000] =	vst v63  }
0xb2: {  	_ =	swait.ge [sflag:s13], $0x2800  }
0xb3: {  	[sflag:s13] =	ssyncset.done $0x0  }
0xb4: {  	[sflag:s13] =	ssyncadd.s32 $0xFFFFD800  }
0xb5: {  	_ =	sfence.sel $0x180000  }
0xb6: {  	[bflag:$0x0] =	sbarrier.arrive $0xFFFF  }
0xb7: {  	_ =	strace $0x90000050  }
0xb8: {  	s0 =	stileid.u32;
	[bflag:$0x2] =	sbarrier.arrive $0xFFFF  }
0xb9: {  	p0 =	sne.s32 s0, $0x0;
	s0 =	rddreg [dreg:$0x3]  }
0xba: {  	s0 =	sadd.s32 @!p0 $0x100000, s0  }
0xbb: {  	[sflag:s0] =	ssyncadd.tile.s32 @!p0 $0x1;
	_ =	shalt  }
.Lfunc_end2:
_tile_overlayer_lowered:
.L_overlay_start_2:
0xbc: {  	(tag) =	ssettag $0x2  }
0xbd: {  	s0 =	rddreg [dreg:$0x0];
	s2 =	stileid.u32  }
0xbe: {  	s1 =	rddreg [dreg:$0x1];
	p0 =	sne.s32 s2, $0x0  }
0xbf: {  	s3 =	rddreg [dreg:$0x2];
	[bflag:$0x3] =	sbarrier.arrive $0xFFFF;
	s2 =	simm.s32 @!p0 $0x1C01  }
0xc0: {  	[timem:s3], [sflag:s2] =	dma.local @!p0 [hbm:s0], s1  }
0xc1: {  	s0 =	simm.s32 @!p0 $0x1  }
0xc2: {  	_ =	swait.ge @!p0 [sflag:s0], s1  }
0xc3: {  	s1 =	ssub.s32 @!p0 $0x0, s1;
	[sflag:s0] =	ssyncset.done @!p0 $0x0  }
0xc4: {  	[sflag:s0] =	ssyncadd.s32 @!p0 s1  }
0xc5: {  	[bflag:$0x3] =	sbarrier.arrive $0xFFFF  }
0xc6: {  	_ =	shalt  }

</sc_bundles>
